<compile_context>
chip_gen: v7x
topology: tpu7x:2x2x1
jax: 0.10.2.dev20260603
libtpu: 0.0.44.dev20260713+nightly
codegen_flags: <defaults>
</compile_context>

<pallas_src>
import functools

import jax
import jax.numpy as jnp
from jax import lax
from jax.experimental import pallas as pl
from jax.experimental.pallas import tpu as pltpu
from jax.experimental.pallas import tpu_sc as plsc

_NW = 32
_G = 128
_NS = 4
_NP = 3
_NB = _NS * _NP


def _gather_flat(xf, table, n, d_len):
    per_w = n // _NW
    nb = per_w // _G
    n_rounds = nb // _NB
    rem = nb - n_rounds * _NB
    mesh = plsc.VectorSubcoreMesh(core_axis_name="c", subcore_axis_name="s")

    def buf(g):
        return (g % _NS) * _NP + (g // _NS) % _NP

    @functools.partial(
        pl.kernel,
        mesh=mesh,
        out_type=jax.ShapeDtypeStruct((n, d_len), jnp.float32),
        scratch_types=(
            [pltpu.VMEM((nb, _G), jnp.int32),
             pltpu.VMEM((_NB, _G, d_len), jnp.float32)]
            + [pltpu.SemaphoreType.DMA] * (2 * _NB + 1)
        ),
        compiler_params=pltpu.CompilerParams(
            use_tc_tiling_on_sc=False, needs_layout_passes=False),
    )
    def body(xf_hbm, tab_hbm, out_hbm, idx_v, g_v, *sems):
        gsem, osem, isem = sems[:_NB], sems[_NB:2 * _NB], sems[-1]
        wid = lax.axis_index("s") * 2 + lax.axis_index("c")
        row0 = wid * per_w
        pltpu.async_copy(xf_hbm.at[pl.ds(wid * nb, nb)], idx_v, isem).wait()

        def gather_fire(g, p):
            pltpu.async_copy(tab_hbm.at[idx_v.at[g]], g_v.at[p], gsem[p])

        def gather_wait(g, p):
            pltpu.make_async_copy(
                tab_hbm.at[idx_v.at[g]], g_v.at[p], gsem[p]).wait()

        def store_fire(g, p):
            pltpu.async_copy(
                g_v.at[p], out_hbm.at[pl.ds(row0 + g * _G, _G)], osem[p])

        def store_wait(g, p):
            pltpu.make_async_copy(
                g_v.at[p], out_hbm.at[pl.ds(row0 + g * _G, _G)],
                osem[p]).wait()

        def step(g, j, first=False, last=False):
            gather_wait(g, buf(j % _NB))
            if not first or j >= _NS:
                store_fire(g - _NS, buf((j - _NS) % _NB))
            if not first or j >= 2 * _NS:
                store_wait(g - 2 * _NS, buf((j - 2 * _NS) % _NB))
            if not last or j < rem - _NS:
                gather_fire(g + _NS, buf((j + _NS) % _NB))

        for j in range(_NS):
            gather_fire(j, buf(j))
        for j in range(_NB):
            step(j, j, first=True)

        def round_body(r, carry):
            for j in range(_NB):
                step(r * _NB + j, j, False, False)
            return carry

        lax.fori_loop(1, n_rounds, round_body, 0)

        for j in range(rem):
            step(n_rounds * _NB + j, j, False, True)
        for j in range(rem):
            g = n_rounds * _NB + j
            if j >= rem - _NS:
                store_fire(g, buf(j))
            else:
                store_wait(g, buf(j))
        for j in range(rem - _NS, rem):
            store_wait(n_rounds * _NB + j, buf(j))

    return body(xf, table)


def kernel(x, embedding_matrix):
    b_len, h_len = x.shape
    v_len, d_len = embedding_matrix.shape
    n = b_len * h_len
    xf = x.astype(jnp.int32).reshape(n // _G, _G)
    out = _gather_flat(xf, embedding_matrix, n, d_len)
    return out.reshape(b_len, h_len, d_len)

# --- scband reference (transcript-rebuilt; emitter-appended) ---
"""Pipeline reference for scband-embedding-40561671143941 (READ-ONLY COPY).

The authoritative reference and input builder live on the scoring server;
editing this copy changes nothing except your own understanding.
"""

import jax, jax.numpy as jnp
import numpy as np

NUM_EMBEDDINGS = 1000000
EMBEDDING_DIM = 64
BATCH = 16384
HIST_LEN = 50


def setup_inputs(seed: int = 0) -> dict:
    key = jax.random.key(seed)
    k1, k2 = jax.random.split(key)
    x = jax.random.randint(k1, (BATCH, HIST_LEN), 0, NUM_EMBEDDINGS, dtype=jnp.int64 if jax.config.jax_enable_x64 else jnp.int32)
    # trunc_normal init, mean=0, std=1, clipped to [-3, 3]
    embedding_matrix = jax.random.truncated_normal(k2, -3.0, 3.0, (NUM_EMBEDDINGS, EMBEDDING_DIM), dtype=jnp.float32)
    return {"x": x, "embedding_matrix": embedding_matrix}


def reference(x, embedding_matrix):
    # Faithful translation of forward: self.embedding_matrix[x]
    return jnp.take(embedding_matrix, x, axis=0)

if __name__ == "__main__":
    import jax
    _d = setup_inputs()
    print(jax.jit(kernel)(*tuple(_d.values())))

</pallas_src>

<mosaic_0001>
#map = affine_map<(d0, d1) -> (0, 0)>
module attributes {stable_mosaic.version = 14 : i64} {
  func.func @body(%arg0: i32, %arg1: i32, %arg2: memref<6400x128xi32, #tpu.memory_space<hbm>>, %arg3: memref<1000000x64xf32, #tpu.memory_space<hbm>>, %arg4: memref<819200x64xf32, #tpu.memory_space<hbm>>, %arg5: memref<200x128xi32, #tpu.memory_space<vmem>>, %arg6: memref<12x128x64xf32, #tpu.memory_space<vmem>>, %arg7: memref<!tpu.dma_semaphore, #tpu.memory_space<semaphore_mem>>, %arg8: memref<!tpu.dma_semaphore, #tpu.memory_space<semaphore_mem>>, %arg9: memref<!tpu.dma_semaphore, #tpu.memory_space<semaphore_mem>>, %arg10: memref<!tpu.dma_semaphore, #tpu.memory_space<semaphore_mem>>, %arg11: memref<!tpu.dma_semaphore, #tpu.memory_space<semaphore_mem>>, %arg12: memref<!tpu.dma_semaphore, #tpu.memory_space<semaphore_mem>>, %arg13: memref<!tpu.dma_semaphore, #tpu.memory_space<semaphore_mem>>, %arg14: memref<!tpu.dma_semaphore, #tpu.memory_space<semaphore_mem>>, %arg15: memref<!tpu.dma_semaphore, #tpu.memory_space<semaphore_mem>>, %arg16: memref<!tpu.dma_semaphore, #tpu.memory_space<semaphore_mem>>, %arg17: memref<!tpu.dma_semaphore, #tpu.memory_space<semaphore_mem>>, %arg18: memref<!tpu.dma_semaphore, #tpu.memory_space<semaphore_mem>>, %arg19: memref<!tpu.dma_semaphore, #tpu.memory_space<semaphore_mem>>, %arg20: memref<!tpu.dma_semaphore, #tpu.memory_space<semaphore_mem>>, %arg21: memref<!tpu.dma_semaphore, #tpu.memory_space<semaphore_mem>>, %arg22: memref<!tpu.dma_semaphore, #tpu.memory_space<semaphore_mem>>, %arg23: memref<!tpu.dma_semaphore, #tpu.memory_space<semaphore_mem>>, %arg24: memref<!tpu.dma_semaphore, #tpu.memory_space<semaphore_mem>>, %arg25: memref<!tpu.dma_semaphore, #tpu.memory_space<semaphore_mem>>, %arg26: memref<!tpu.dma_semaphore, #tpu.memory_space<semaphore_mem>>, %arg27: memref<!tpu.dma_semaphore, #tpu.memory_space<semaphore_mem>>, %arg28: memref<!tpu.dma_semaphore, #tpu.memory_space<semaphore_mem>>, %arg29: memref<!tpu.dma_semaphore, #tpu.memory_space<semaphore_mem>>, %arg30: memref<!tpu.dma_semaphore, #tpu.memory_space<semaphore_mem>>, %arg31: memref<!tpu.dma_semaphore, #tpu.memory_space<semaphore_mem>>) attributes {dimension_semantics = [#tpu.dimension_semantics<core_parallel>, #tpu.dimension_semantics<subcore_parallel>], iteration_bounds = array<i64: 2, 16>, scalar_prefetch = 0 : i64, scratch_operands = 27 : i64, tpu.core_type = #tpu.core_type<sc_vector_subcore>, window_params = [{transform_indices = #map}, {transform_indices = #map}, {transform_indices = #map}]} {
    %mul3A = arith.constant 2 : i32
    %mul3A_0 = arith.muli %arg1, %mul3A : i32
    %add3A = arith.addi %mul3A_0, %arg0 : i32
    %mul3A_1 = arith.constant 25600 : i32
    %mul3A_2 = arith.muli %add3A, %mul3A_1 : i32
    %mul3A_3 = arith.constant 200 : i32
    %mul3A_4 = arith.muli %add3A, %mul3A_3 : i32
    %dma_start3A = arith.constant 0 : i32
    %dma_start3A_5 = tpu.memref_slice %arg2[%mul3A_4, %dma_start3A] : memref<6400x128xi32, #tpu.memory_space<hbm>> -> memref<200x128xi32, #tpu.memory_space<hbm>>
    %dma_start3A_6 = arith.constant 0 : i32
    %dma_start3A_7 = tpu.memref_slice %arg2[%mul3A_4, %dma_start3A_6] : memref<6400x128xi32, #tpu.memory_space<hbm>> -> memref<200x128xi32, #tpu.memory_space<hbm>>
    tpu.enqueue_dma source(%dma_start3A_7 : memref<200x128xi32, #tpu.memory_space<hbm>>) target(%arg5 : memref<200x128xi32, #tpu.memory_space<vmem>>) target_semaphore(%arg31 : memref<!tpu.dma_semaphore, #tpu.memory_space<semaphore_mem>>)
    %dma_wait3A = arith.constant 0 : i32
    %dma_wait3A_8 = tpu.memref_slice %arg2[%mul3A_4, %dma_wait3A] : memref<6400x128xi32, #tpu.memory_space<hbm>> -> memref<200x128xi32, #tpu.memory_space<hbm>>
    %dma_wait3A_9 = arith.constant 0 : i32
    %dma_wait3A_10 = tpu.memref_slice %arg2[%mul3A_4, %dma_wait3A_9] : memref<6400x128xi32, #tpu.memory_space<hbm>> -> memref<200x128xi32, #tpu.memory_space<hbm>>
    tpu.wait_dma2 semaphore(%arg31 : memref<!tpu.dma_semaphore, #tpu.memory_space<semaphore_mem>>) src(%dma_wait3A_10 : memref<200x128xi32, #tpu.memory_space<hbm>>) dst(%arg5 : memref<200x128xi32, #tpu.memory_space<vmem>>)
    %dma_start3A_11 = arith.constant 0 : i32
    %dma_start3A_12 = arith.constant 0 : i32
    %dma_start3A_13 = arith.constant 0 : i32
    %dma_start3A_14 = arith.constant 0 : i32
    %dma_start3A_15 = tpu.memref_slice %arg6[%dma_start3A_12, %dma_start3A_13, %dma_start3A_14] : memref<12x128x64xf32, #tpu.memory_space<vmem>> -> memref<1x128x64xf32, #tpu.memory_space<vmem>>
    %dma_start3A_16 = tpu.memref_squeeze %dma_start3A_15 : memref<1x128x64xf32, #tpu.memory_space<vmem>> -> memref<128x64xf32, #tpu.memory_space<vmem>>
    %dma_start3A_17 = arith.constant 0 : i32
    %dma_start3A_18 = tpu.memref_slice %arg5[%dma_start3A_11, %dma_start3A_17] : memref<200x128xi32, #tpu.memory_space<vmem>> -> memref<1x128xi32, #tpu.memory_space<vmem>>
    %dma_start3A_19 = tpu.memref_squeeze %dma_start3A_18 : memref<1x128xi32, #tpu.memory_space<vmem>> -> memref<128xi32, #tpu.memory_space<vmem>>
    %dma_start3A_20 = arith.constant 0 : i32
    %dma_start3A_21 = arith.constant 0 : i32
    %dma_start3A_22 = tpu.memref_slice %arg3[%dma_start3A_20, %dma_start3A_21] : memref<1000000x64xf32, #tpu.memory_space<hbm>> -> memref<1000000x64xf32, #tpu.memory_space<hbm>>
    tpu.enqueue_indirect_dma source(%dma_start3A_22 : memref<1000000x64xf32, #tpu.memory_space<hbm>>) target(%dma_start3A_16 : memref<128x64xf32, #tpu.memory_space<vmem>>) offsets(%dma_start3A_19 : memref<128xi32, #tpu.memory_space<vmem>>) semaphore(%arg7 : memref<!tpu.dma_semaphore, #tpu.memory_space<semaphore_mem>>)
    %dma_start3A_23 = arith.constant 1 : i32
    %dma_start3A_24 = arith.constant 3 : i32
    %dma_start3A_25 = arith.constant 0 : i32
    %dma_start3A_26 = arith.constant 0 : i32
    %dma_start3A_27 = tpu.memref_slice %arg6[%dma_start3A_24, %dma_start3A_25, %dma_start3A_26] : memref<12x128x64xf32, #tpu.memory_space<vmem>> -> memref<1x128x64xf32, #tpu.memory_space<vmem>>
    %dma_start3A_28 = tpu.memref_squeeze %dma_start3A_27 : memref<1x128x64xf32, #tpu.memory_space<vmem>> -> memref<128x64xf32, #tpu.memory_space<vmem>>
    %dma_start3A_29 = arith.constant 0 : i32
    %dma_start3A_30 = tpu.memref_slice %arg5[%dma_start3A_23, %dma_start3A_29] : memref<200x128xi32, #tpu.memory_space<vmem>> -> memref<1x128xi32, #tpu.memory_space<vmem>>
    %dma_start3A_31 = tpu.memref_squeeze %dma_start3A_30 : memref<1x128xi32, #tpu.memory_space<vmem>> -> memref<128xi32, #tpu.memory_space<vmem>>
    %dma_start3A_32 = arith.constant 0 : i32
    %dma_start3A_33 = arith.constant 0 : i32
    %dma_start3A_34 = tpu.memref_slice %arg3[%dma_start3A_32, %dma_start3A_33] : memref<1000000x64xf32, #tpu.memory_space<hbm>> -> memref<1000000x64xf32, #tpu.memory_space<hbm>>
    tpu.enqueue_indirect_dma source(%dma_start3A_34 : memref<1000000x64xf32, #tpu.memory_space<hbm>>) target(%dma_start3A_28 : memref<128x64xf32, #tpu.memory_space<vmem>>) offsets(%dma_start3A_31 : memref<128xi32, #tpu.memory_space<vmem>>) semaphore(%arg10 : memref<!tpu.dma_semaphore, #tpu.memory_space<semaphore_mem>>)
    %dma_start3A_35 = arith.constant 2 : i32
    %dma_start3A_36 = arith.constant 6 : i32
    %dma_start3A_37 = arith.constant 0 : i32
    %dma_start3A_38 = arith.constant 0 : i32
    %dma_start3A_39 = tpu.memref_slice %arg6[%dma_start3A_36, %dma_start3A_37, %dma_start3A_38] : memref<12x128x64xf32, #tpu.memory_space<vmem>> -> memref<1x128x64xf32, #tpu.memory_space<vmem>>
    %dma_start3A_40 = tpu.memref_squeeze %dma_start3A_39 : memref<1x128x64xf32, #tpu.memory_space<vmem>> -> memref<128x64xf32, #tpu.memory_space<vmem>>
    %dma_start3A_41 = arith.constant 0 : i32
    %dma_start3A_42 = tpu.memref_slice %arg5[%dma_start3A_35, %dma_start3A_41] : memref<200x128xi32, #tpu.memory_space<vmem>> -> memref<1x128xi32, #tpu.memory_space<vmem>>
    %dma_start3A_43 = tpu.memref_squeeze %dma_start3A_42 : memref<1x128xi32, #tpu.memory_space<vmem>> -> memref<128xi32, #tpu.memory_space<vmem>>
    %dma_start3A_44 = arith.constant 0 : i32
    %dma_start3A_45 = arith.constant 0 : i32
    %dma_start3A_46 = tpu.memref_slice %arg3[%dma_start3A_44, %dma_start3A_45] : memref<1000000x64xf32, #tpu.memory_space<hbm>> -> memref<1000000x64xf32, #tpu.memory_space<hbm>>
    tpu.enqueue_indirect_dma source(%dma_start3A_46 : memref<1000000x64xf32, #tpu.memory_space<hbm>>) target(%dma_start3A_40 : memref<128x64xf32, #tpu.memory_space<vmem>>) offsets(%dma_start3A_43 : memref<128xi32, #tpu.memory_space<vmem>>) semaphore(%arg13 : memref<!tpu.dma_semaphore, #tpu.memory_space<semaphore_mem>>)
    %dma_start3A_47 = arith.constant 3 : i32
    %dma_start3A_48 = arith.constant 9 : i32
    %dma_start3A_49 = arith.constant 0 : i32
    %dma_start3A_50 = arith.constant 0 : i32
    %dma_start3A_51 = tpu.memref_slice %arg6[%dma_start3A_48, %dma_start3A_49, %dma_start3A_50] : memref<12x128x64xf32, #tpu.memory_space<vmem>> -> memref<1x128x64xf32, #tpu.memory_space<vmem>>
    %dma_start3A_52 = tpu.memref_squeeze %dma_start3A_51 : memref<1x128x64xf32, #tpu.memory_space<vmem>> -> memref<128x64xf32, #tpu.memory_space<vmem>>
    %dma_start3A_53 = arith.constant 0 : i32
    %dma_start3A_54 = tpu.memref_slice %arg5[%dma_start3A_47, %dma_start3A_53] : memref<200x128xi32, #tpu.memory_space<vmem>> -> memref<1x128xi32, #tpu.memory_space<vmem>>
    %dma_start3A_55 = tpu.memref_squeeze %dma_start3A_54 : memref<1x128xi32, #tpu.memory_space<vmem>> -> memref<128xi32, #tpu.memory_space<vmem>>
    %dma_start3A_56 = arith.constant 0 : i32
    %dma_start3A_57 = arith.constant 0 : i32
    %dma_start3A_58 = tpu.memref_slice %arg3[%dma_start3A_56, %dma_start3A_57] : memref<1000000x64xf32, #tpu.memory_space<hbm>> -> memref<1000000x64xf32, #tpu.memory_space<hbm>>
    tpu.enqueue_indirect_dma source(%dma_start3A_58 : memref<1000000x64xf32, #tpu.memory_space<hbm>>) target(%dma_start3A_52 : memref<128x64xf32, #tpu.memory_space<vmem>>) offsets(%dma_start3A_55 : memref<128xi32, #tpu.memory_space<vmem>>) semaphore(%arg16 : memref<!tpu.dma_semaphore, #tpu.memory_space<semaphore_mem>>)
    %dma_wait3A_59 = arith.constant 0 : i32
    %dma_wait3A_60 = arith.constant 0 : i32
    %dma_wait3A_61 = arith.constant 0 : i32
    %dma_wait3A_62 = arith.constant 0 : i32
    %dma_wait3A_63 = tpu.memref_slice %arg6[%dma_wait3A_60, %dma_wait3A_61, %dma_wait3A_62] : memref<12x128x64xf32, #tpu.memory_space<vmem>> -> memref<1x128x64xf32, #tpu.memory_space<vmem>>
    %dma_wait3A_64 = tpu.memref_squeeze %dma_wait3A_63 : memref<1x128x64xf32, #tpu.memory_space<vmem>> -> memref<128x64xf32, #tpu.memory_space<vmem>>
    %dma_wait3A_65 = arith.constant 0 : i32
    %dma_wait3A_66 = tpu.memref_slice %arg5[%dma_wait3A_59, %dma_wait3A_65] : memref<200x128xi32, #tpu.memory_space<vmem>> -> memref<1x128xi32, #tpu.memory_space<vmem>>
    %dma_wait3A_67 = tpu.memref_squeeze %dma_wait3A_66 : memref<1x128xi32, #tpu.memory_space<vmem>> -> memref<128xi32, #tpu.memory_space<vmem>>
    %dma_wait3A_68 = arith.constant 0 : i32
    %dma_wait3A_69 = arith.constant 0 : i32
    %dma_wait3A_70 = tpu.memref_slice %arg3[%dma_wait3A_68, %dma_wait3A_69] : memref<1000000x64xf32, #tpu.memory_space<hbm>> -> memref<1000000x64xf32, #tpu.memory_space<hbm>>
    tpu.wait_indirect_dma semaphore(%arg7 : memref<!tpu.dma_semaphore, #tpu.memory_space<semaphore_mem>>) src(%dma_wait3A_70 : memref<1000000x64xf32, #tpu.memory_space<hbm>>) dst(%dma_wait3A_64 : memref<128x64xf32, #tpu.memory_space<vmem>>)
    %dma_start3A_71 = arith.constant 4 : i32
    %dma_start3A_72 = arith.constant 1 : i32
    %dma_start3A_73 = arith.constant 0 : i32
    %dma_start3A_74 = arith.constant 0 : i32
    %dma_start3A_75 = tpu.memref_slice %arg6[%dma_start3A_72, %dma_start3A_73, %dma_start3A_74] : memref<12x128x64xf32, #tpu.memory_space<vmem>> -> memref<1x128x64xf32, #tpu.memory_space<vmem>>
    %dma_start3A_76 = tpu.memref_squeeze %dma_start3A_75 : memref<1x128x64xf32, #tpu.memory_space<vmem>> -> memref<128x64xf32, #tpu.memory_space<vmem>>
    %dma_start3A_77 = arith.constant 0 : i32
    %dma_start3A_78 = tpu.memref_slice %arg5[%dma_start3A_71, %dma_start3A_77] : memref<200x128xi32, #tpu.memory_space<vmem>> -> memref<1x128xi32, #tpu.memory_space<vmem>>
    %dma_start3A_79 = tpu.memref_squeeze %dma_start3A_78 : memref<1x128xi32, #tpu.memory_space<vmem>> -> memref<128xi32, #tpu.memory_space<vmem>>
    %dma_start3A_80 = arith.constant 0 : i32
    %dma_start3A_81 = arith.constant 0 : i32
    %dma_start3A_82 = tpu.memref_slice %arg3[%dma_start3A_80, %dma_start3A_81] : memref<1000000x64xf32, #tpu.memory_space<hbm>> -> memref<1000000x64xf32, #tpu.memory_space<hbm>>
    tpu.enqueue_indirect_dma source(%dma_start3A_82 : memref<1000000x64xf32, #tpu.memory_space<hbm>>) target(%dma_start3A_76 : memref<128x64xf32, #tpu.memory_space<vmem>>) offsets(%dma_start3A_79 : memref<128xi32, #tpu.memory_space<vmem>>) semaphore(%arg8 : memref<!tpu.dma_semaphore, #tpu.memory_space<semaphore_mem>>)
    %dma_wait3A_83 = arith.constant 1 : i32
    %dma_wait3A_84 = arith.constant 3 : i32
    %dma_wait3A_85 = arith.constant 0 : i32
    %dma_wait3A_86 = arith.constant 0 : i32
    %dma_wait3A_87 = tpu.memref_slice %arg6[%dma_wait3A_84, %dma_wait3A_85, %dma_wait3A_86] : memref<12x128x64xf32, #tpu.memory_space<vmem>> -> memref<1x128x64xf32, #tpu.memory_space<vmem>>
    %dma_wait3A_88 = tpu.memref_squeeze %dma_wait3A_87 : memref<1x128x64xf32, #tpu.memory_space<vmem>> -> memref<128x64xf32, #tpu.memory_space<vmem>>
    %dma_wait3A_89 = arith.constant 0 : i32
    %dma_wait3A_90 = tpu.memref_slice %arg5[%dma_wait3A_83, %dma_wait3A_89] : memref<200x128xi32, #tpu.memory_space<vmem>> -> memref<1x128xi32, #tpu.memory_space<vmem>>
    %dma_wait3A_91 = tpu.memref_squeeze %dma_wait3A_90 : memref<1x128xi32, #tpu.memory_space<vmem>> -> memref<128xi32, #tpu.memory_space<vmem>>
    %dma_wait3A_92 = arith.constant 0 : i32
    %dma_wait3A_93 = arith.constant 0 : i32
    %dma_wait3A_94 = tpu.memref_slice %arg3[%dma_wait3A_92, %dma_wait3A_93] : memref<1000000x64xf32, #tpu.memory_space<hbm>> -> memref<1000000x64xf32, #tpu.memory_space<hbm>>
    tpu.wait_indirect_dma semaphore(%arg10 : memref<!tpu.dma_semaphore, #tpu.memory_space<semaphore_mem>>) src(%dma_wait3A_94 : memref<1000000x64xf32, #tpu.memory_space<hbm>>) dst(%dma_wait3A_88 : memref<128x64xf32, #tpu.memory_space<vmem>>)
    %dma_start3A_95 = arith.constant 5 : i32
    %dma_start3A_96 = arith.constant 4 : i32
    %dma_start3A_97 = arith.constant 0 : i32
    %dma_start3A_98 = arith.constant 0 : i32
    %dma_start3A_99 = tpu.memref_slice %arg6[%dma_start3A_96, %dma_start3A_97, %dma_start3A_98] : memref<12x128x64xf32, #tpu.memory_space<vmem>> -> memref<1x128x64xf32, #tpu.memory_space<vmem>>
    %dma_start3A_100 = tpu.memref_squeeze %dma_start3A_99 : memref<1x128x64xf32, #tpu.memory_space<vmem>> -> memref<128x64xf32, #tpu.memory_space<vmem>>
    %dma_start3A_101 = arith.constant 0 : i32
    %dma_start3A_102 = tpu.memref_slice %arg5[%dma_start3A_95, %dma_start3A_101] : memref<200x128xi32, #tpu.memory_space<vmem>> -> memref<1x128xi32, #tpu.memory_space<vmem>>
    %dma_start3A_103 = tpu.memref_squeeze %dma_start3A_102 : memref<1x128xi32, #tpu.memory_space<vmem>> -> memref<128xi32, #tpu.memory_space<vmem>>
    %dma_start3A_104 = arith.constant 0 : i32
    %dma_start3A_105 = arith.constant 0 : i32
    %dma_start3A_106 = tpu.memref_slice %arg3[%dma_start3A_104, %dma_start3A_105] : memref<1000000x64xf32, #tpu.memory_space<hbm>> -> memref<1000000x64xf32, #tpu.memory_space<hbm>>
    tpu.enqueue_indirect_dma source(%dma_start3A_106 : memref<1000000x64xf32, #tpu.memory_space<hbm>>) target(%dma_start3A_100 : memref<128x64xf32, #tpu.memory_space<vmem>>) offsets(%dma_start3A_103 : memref<128xi32, #tpu.memory_space<vmem>>) semaphore(%arg11 : memref<!tpu.dma_semaphore, #tpu.memory_space<semaphore_mem>>)
    %dma_wait3A_107 = arith.constant 2 : i32
    %dma_wait3A_108 = arith.constant 6 : i32
    %dma_wait3A_109 = arith.constant 0 : i32
    %dma_wait3A_110 = arith.constant 0 : i32
    %dma_wait3A_111 = tpu.memref_slice %arg6[%dma_wait3A_108, %dma_wait3A_109, %dma_wait3A_110] : memref<12x128x64xf32, #tpu.memory_space<vmem>> -> memref<1x128x64xf32, #tpu.memory_space<vmem>>
    %dma_wait3A_112 = tpu.memref_squeeze %dma_wait3A_111 : memref<1x128x64xf32, #tpu.memory_space<vmem>> -> memref<128x64xf32, #tpu.memory_space<vmem>>
    %dma_wait3A_113 = arith.constant 0 : i32
    %dma_wait3A_114 = tpu.memref_slice %arg5[%dma_wait3A_107, %dma_wait3A_113] : memref<200x128xi32, #tpu.memory_space<vmem>> -> memref<1x128xi32, #tpu.memory_space<vmem>>
    %dma_wait3A_115 = tpu.memref_squeeze %dma_wait3A_114 : memref<1x128xi32, #tpu.memory_space<vmem>> -> memref<128xi32, #tpu.memory_space<vmem>>
    %dma_wait3A_116 = arith.constant 0 : i32
    %dma_wait3A_117 = arith.constant 0 : i32
    %dma_wait3A_118 = tpu.memref_slice %arg3[%dma_wait3A_116, %dma_wait3A_117] : memref<1000000x64xf32, #tpu.memory_space<hbm>> -> memref<1000000x64xf32, #tpu.memory_space<hbm>>
    tpu.wait_indirect_dma semaphore(%arg13 : memref<!tpu.dma_semaphore, #tpu.memory_space<semaphore_mem>>) src(%dma_wait3A_118 : memref<1000000x64xf32, #tpu.memory_space<hbm>>) dst(%dma_wait3A_112 : memref<128x64xf32, #tpu.memory_space<vmem>>)
    %dma_start3A_119 = arith.constant 6 : i32
    %dma_start3A_120 = arith.constant 7 : i32
    %dma_start3A_121 = arith.constant 0 : i32
    %dma_start3A_122 = arith.constant 0 : i32
    %dma_start3A_123 = tpu.memref_slice %arg6[%dma_start3A_120, %dma_start3A_121, %dma_start3A_122] : memref<12x128x64xf32, #tpu.memory_space<vmem>> -> memref<1x128x64xf32, #tpu.memory_space<vmem>>
    %dma_start3A_124 = tpu.memref_squeeze %dma_start3A_123 : memref<1x128x64xf32, #tpu.memory_space<vmem>> -> memref<128x64xf32, #tpu.memory_space<vmem>>
    %dma_start3A_125 = arith.constant 0 : i32
    %dma_start3A_126 = tpu.memref_slice %arg5[%dma_start3A_119, %dma_start3A_125] : memref<200x128xi32, #tpu.memory_space<vmem>> -> memref<1x128xi32, #tpu.memory_space<vmem>>
    %dma_start3A_127 = tpu.memref_squeeze %dma_start3A_126 : memref<1x128xi32, #tpu.memory_space<vmem>> -> memref<128xi32, #tpu.memory_space<vmem>>
    %dma_start3A_128 = arith.constant 0 : i32
    %dma_start3A_129 = arith.constant 0 : i32
    %dma_start3A_130 = tpu.memref_slice %arg3[%dma_start3A_128, %dma_start3A_129] : memref<1000000x64xf32, #tpu.memory_space<hbm>> -> memref<1000000x64xf32, #tpu.memory_space<hbm>>
    tpu.enqueue_indirect_dma source(%dma_start3A_130 : memref<1000000x64xf32, #tpu.memory_space<hbm>>) target(%dma_start3A_124 : memref<128x64xf32, #tpu.memory_space<vmem>>) offsets(%dma_start3A_127 : memref<128xi32, #tpu.memory_space<vmem>>) semaphore(%arg14 : memref<!tpu.dma_semaphore, #tpu.memory_space<semaphore_mem>>)
    %dma_wait3A_131 = arith.constant 3 : i32
    %dma_wait3A_132 = arith.constant 9 : i32
    %dma_wait3A_133 = arith.constant 0 : i32
    %dma_wait3A_134 = arith.constant 0 : i32
    %dma_wait3A_135 = tpu.memref_slice %arg6[%dma_wait3A_132, %dma_wait3A_133, %dma_wait3A_134] : memref<12x128x64xf32, #tpu.memory_space<vmem>> -> memref<1x128x64xf32, #tpu.memory_space<vmem>>
    %dma_wait3A_136 = tpu.memref_squeeze %dma_wait3A_135 : memref<1x128x64xf32, #tpu.memory_space<vmem>> -> memref<128x64xf32, #tpu.memory_space<vmem>>
    %dma_wait3A_137 = arith.constant 0 : i32
    %dma_wait3A_138 = tpu.memref_slice %arg5[%dma_wait3A_131, %dma_wait3A_137] : memref<200x128xi32, #tpu.memory_space<vmem>> -> memref<1x128xi32, #tpu.memory_space<vmem>>
    %dma_wait3A_139 = tpu.memref_squeeze %dma_wait3A_138 : memref<1x128xi32, #tpu.memory_space<vmem>> -> memref<128xi32, #tpu.memory_space<vmem>>
    %dma_wait3A_140 = arith.constant 0 : i32
    %dma_wait3A_141 = arith.constant 0 : i32
    %dma_wait3A_142 = tpu.memref_slice %arg3[%dma_wait3A_140, %dma_wait3A_141] : memref<1000000x64xf32, #tpu.memory_space<hbm>> -> memref<1000000x64xf32, #tpu.memory_space<hbm>>
    tpu.wait_indirect_dma semaphore(%arg16 : memref<!tpu.dma_semaphore, #tpu.memory_space<semaphore_mem>>) src(%dma_wait3A_142 : memref<1000000x64xf32, #tpu.memory_space<hbm>>) dst(%dma_wait3A_136 : memref<128x64xf32, #tpu.memory_space<vmem>>)
    %dma_start3A_143 = arith.constant 7 : i32
    %dma_start3A_144 = arith.constant 10 : i32
    %dma_start3A_145 = arith.constant 0 : i32
    %dma_start3A_146 = arith.constant 0 : i32
    %dma_start3A_147 = tpu.memref_slice %arg6[%dma_start3A_144, %dma_start3A_145, %dma_start3A_146] : memref<12x128x64xf32, #tpu.memory_space<vmem>> -> memref<1x128x64xf32, #tpu.memory_space<vmem>>
    %dma_start3A_148 = tpu.memref_squeeze %dma_start3A_147 : memref<1x128x64xf32, #tpu.memory_space<vmem>> -> memref<128x64xf32, #tpu.memory_space<vmem>>
    %dma_start3A_149 = arith.constant 0 : i32
    %dma_start3A_150 = tpu.memref_slice %arg5[%dma_start3A_143, %dma_start3A_149] : memref<200x128xi32, #tpu.memory_space<vmem>> -> memref<1x128xi32, #tpu.memory_space<vmem>>
    %dma_start3A_151 = tpu.memref_squeeze %dma_start3A_150 : memref<1x128xi32, #tpu.memory_space<vmem>> -> memref<128xi32, #tpu.memory_space<vmem>>
    %dma_start3A_152 = arith.constant 0 : i32
    %dma_start3A_153 = arith.constant 0 : i32
    %dma_start3A_154 = tpu.memref_slice %arg3[%dma_start3A_152, %dma_start3A_153] : memref<1000000x64xf32, #tpu.memory_space<hbm>> -> memref<1000000x64xf32, #tpu.memory_space<hbm>>
    tpu.enqueue_indirect_dma source(%dma_start3A_154 : memref<1000000x64xf32, #tpu.memory_space<hbm>>) target(%dma_start3A_148 : memref<128x64xf32, #tpu.memory_space<vmem>>) offsets(%dma_start3A_151 : memref<128xi32, #tpu.memory_space<vmem>>) semaphore(%arg17 : memref<!tpu.dma_semaphore, #tpu.memory_space<semaphore_mem>>)
    %dma_wait3A_155 = arith.constant 4 : i32
    %dma_wait3A_156 = arith.constant 1 : i32
    %dma_wait3A_157 = arith.constant 0 : i32
    %dma_wait3A_158 = arith.constant 0 : i32
    %dma_wait3A_159 = tpu.memref_slice %arg6[%dma_wait3A_156, %dma_wait3A_157, %dma_wait3A_158] : memref<12x128x64xf32, #tpu.memory_space<vmem>> -> memref<1x128x64xf32, #tpu.memory_space<vmem>>
    %dma_wait3A_160 = tpu.memref_squeeze %dma_wait3A_159 : memref<1x128x64xf32, #tpu.memory_space<vmem>> -> memref<128x64xf32, #tpu.memory_space<vmem>>
    %dma_wait3A_161 = arith.constant 0 : i32
    %dma_wait3A_162 = tpu.memref_slice %arg5[%dma_wait3A_155, %dma_wait3A_161] : memref<200x128xi32, #tpu.memory_space<vmem>> -> memref<1x128xi32, #tpu.memory_space<vmem>>
    %dma_wait3A_163 = tpu.memref_squeeze %dma_wait3A_162 : memref<1x128xi32, #tpu.memory_space<vmem>> -> memref<128xi32, #tpu.memory_space<vmem>>
    %dma_wait3A_164 = arith.constant 0 : i32
    %dma_wait3A_165 = arith.constant 0 : i32
    %dma_wait3A_166 = tpu.memref_slice %arg3[%dma_wait3A_164, %dma_wait3A_165] : memref<1000000x64xf32, #tpu.memory_space<hbm>> -> memref<1000000x64xf32, #tpu.memory_space<hbm>>
    tpu.wait_indirect_dma semaphore(%arg8 : memref<!tpu.dma_semaphore, #tpu.memory_space<semaphore_mem>>) src(%dma_wait3A_166 : memref<1000000x64xf32, #tpu.memory_space<hbm>>) dst(%dma_wait3A_160 : memref<128x64xf32, #tpu.memory_space<vmem>>)
    %add3A_167 = arith.constant 0 : i32
    %add3A_168 = arith.addi %mul3A_2, %add3A_167 : i32
    %dma_start3A_169 = arith.constant 0 : i32
    %dma_start3A_170 = arith.constant 0 : i32
    %dma_start3A_171 = arith.constant 0 : i32
    %dma_start3A_172 = tpu.memref_slice %arg6[%dma_start3A_169, %dma_start3A_170, %dma_start3A_171] : memref<12x128x64xf32, #tpu.memory_space<vmem>> -> memref<1x128x64xf32, #tpu.memory_space<vmem>>
    %dma_start3A_173 = tpu.memref_squeeze %dma_start3A_172 : memref<1x128x64xf32, #tpu.memory_space<vmem>> -> memref<128x64xf32, #tpu.memory_space<vmem>>
    %dma_start3A_174 = arith.constant 0 : i32
    %dma_start3A_175 = tpu.memref_slice %arg4[%add3A_168, %dma_start3A_174] : memref<819200x64xf32, #tpu.memory_space<hbm>> -> memref<128x64xf32, #tpu.memory_space<hbm>>
    %dma_start3A_176 = arith.constant 0 : i32
    %dma_start3A_177 = tpu.memref_slice %arg4[%add3A_168, %dma_start3A_176] : memref<819200x64xf32, #tpu.memory_space<hbm>> -> memref<128x64xf32, #tpu.memory_space<hbm>>
    %dma_start3A_178 = arith.constant 0 : i32
    %dma_start3A_179 = arith.constant 0 : i32
    %dma_start3A_180 = tpu.memref_slice %arg6[%dma_start3A_169, %dma_start3A_178, %dma_start3A_179] : memref<12x128x64xf32, #tpu.memory_space<vmem>> -> memref<1x128x64xf32, #tpu.memory_space<vmem>>
    %dma_start3A_181 = tpu.memref_squeeze %dma_start3A_180 : memref<1x128x64xf32, #tpu.memory_space<vmem>> -> memref<128x64xf32, #tpu.memory_space<vmem>>
    tpu.enqueue_dma source(%dma_start3A_181 : memref<128x64xf32, #tpu.memory_space<vmem>>) target(%dma_start3A_177 : memref<128x64xf32, #tpu.memory_space<hbm>>) target_semaphore(%arg19 : memref<!tpu.dma_semaphore, #tpu.memory_space<semaphore_mem>>)
    %dma_start3A_182 = arith.constant 8 : i32
    %dma_start3A_183 = arith.constant 2 : i32
    %dma_start3A_184 = arith.constant 0 : i32
    %dma_start3A_185 = arith.constant 0 : i32
    %dma_start3A_186 = tpu.memref_slice %arg6[%dma_start3A_183, %dma_start3A_184, %dma_start3A_185] : memref<12x128x64xf32, #tpu.memory_space<vmem>> -> memref<1x128x64xf32, #tpu.memory_space<vmem>>
    %dma_start3A_187 = tpu.memref_squeeze %dma_start3A_186 : memref<1x128x64xf32, #tpu.memory_space<vmem>> -> memref<128x64xf32, #tpu.memory_space<vmem>>
    %dma_start3A_188 = arith.constant 0 : i32
    %dma_start3A_189 = tpu.memref_slice %arg5[%dma_start3A_182, %dma_start3A_188] : memref<200x128xi32, #tpu.memory_space<vmem>> -> memref<1x128xi32, #tpu.memory_space<vmem>>
    %dma_start3A_190 = tpu.memref_squeeze %dma_start3A_189 : memref<1x128xi32, #tpu.memory_space<vmem>> -> memref<128xi32, #tpu.memory_space<vmem>>
    %dma_start3A_191 = arith.constant 0 : i32
    %dma_start3A_192 = arith.constant 0 : i32
    %dma_start3A_193 = tpu.memref_slice %arg3[%dma_start3A_191, %dma_start3A_192] : memref<1000000x64xf32, #tpu.memory_space<hbm>> -> memref<1000000x64xf32, #tpu.memory_space<hbm>>
    tpu.enqueue_indirect_dma source(%dma_start3A_193 : memref<1000000x64xf32, #tpu.memory_space<hbm>>) target(%dma_start3A_187 : memref<128x64xf32, #tpu.memory_space<vmem>>) offsets(%dma_start3A_190 : memref<128xi32, #tpu.memory_space<vmem>>) semaphore(%arg9 : memref<!tpu.dma_semaphore, #tpu.memory_space<semaphore_mem>>)
    %dma_wait3A_194 = arith.constant 5 : i32
    %dma_wait3A_195 = arith.constant 4 : i32
    %dma_wait3A_196 = arith.constant 0 : i32
    %dma_wait3A_197 = arith.constant 0 : i32
    %dma_wait3A_198 = tpu.memref_slice %arg6[%dma_wait3A_195, %dma_wait3A_196, %dma_wait3A_197] : memref<12x128x64xf32, #tpu.memory_space<vmem>> -> memref<1x128x64xf32, #tpu.memory_space<vmem>>
    %dma_wait3A_199 = tpu.memref_squeeze %dma_wait3A_198 : memref<1x128x64xf32, #tpu.memory_space<vmem>> -> memref<128x64xf32, #tpu.memory_space<vmem>>
    %dma_wait3A_200 = arith.constant 0 : i32
    %dma_wait3A_201 = tpu.memref_slice %arg5[%dma_wait3A_194, %dma_wait3A_200] : memref<200x128xi32, #tpu.memory_space<vmem>> -> memref<1x128xi32, #tpu.memory_space<vmem>>
    %dma_wait3A_202 = tpu.memref_squeeze %dma_wait3A_201 : memref<1x128xi32, #tpu.memory_space<vmem>> -> memref<128xi32, #tpu.memory_space<vmem>>
    %dma_wait3A_203 = arith.constant 0 : i32
    %dma_wait3A_204 = arith.constant 0 : i32
    %dma_wait3A_205 = tpu.memref_slice %arg3[%dma_wait3A_203, %dma_wait3A_204] : memref<1000000x64xf32, #tpu.memory_space<hbm>> -> memref<1000000x64xf32, #tpu.memory_space<hbm>>
    tpu.wait_indirect_dma semaphore(%arg11 : memref<!tpu.dma_semaphore, #tpu.memory_space<semaphore_mem>>) src(%dma_wait3A_205 : memref<1000000x64xf32, #tpu.memory_space<hbm>>) dst(%dma_wait3A_199 : memref<128x64xf32, #tpu.memory_space<vmem>>)
    %add3A_206 = arith.constant 128 : i32
    %add3A_207 = arith.addi %mul3A_2, %add3A_206 : i32
    %dma_start3A_208 = arith.constant 3 : i32
    %dma_start3A_209 = arith.constant 0 : i32
    %dma_start3A_210 = arith.constant 0 : i32
    %dma_start3A_211 = tpu.memref_slice %arg6[%dma_start3A_208, %dma_start3A_209, %dma_start3A_210] : memref<12x128x64xf32, #tpu.memory_space<vmem>> -> memref<1x128x64xf32, #tpu.memory_space<vmem>>
    %dma_start3A_212 = tpu.memref_squeeze %dma_start3A_211 : memref<1x128x64xf32, #tpu.memory_space<vmem>> -> memref<128x64xf32, #tpu.memory_space<vmem>>
    %dma_start3A_213 = arith.constant 0 : i32
    %dma_start3A_214 = tpu.memref_slice %arg4[%add3A_207, %dma_start3A_213] : memref<819200x64xf32, #tpu.memory_space<hbm>> -> memref<128x64xf32, #tpu.memory_space<hbm>>
    %dma_start3A_215 = arith.constant 0 : i32
    %dma_start3A_216 = tpu.memref_slice %arg4[%add3A_207, %dma_start3A_215] : memref<819200x64xf32, #tpu.memory_space<hbm>> -> memref<128x64xf32, #tpu.memory_space<hbm>>
    %dma_start3A_217 = arith.constant 0 : i32
    %dma_start3A_218 = arith.constant 0 : i32
    %dma_start3A_219 = tpu.memref_slice %arg6[%dma_start3A_208, %dma_start3A_217, %dma_start3A_218] : memref<12x128x64xf32, #tpu.memory_space<vmem>> -> memref<1x128x64xf32, #tpu.memory_space<vmem>>
    %dma_start3A_220 = tpu.memref_squeeze %dma_start3A_219 : memref<1x128x64xf32, #tpu.memory_space<vmem>> -> memref<128x64xf32, #tpu.memory_space<vmem>>
    tpu.enqueue_dma source(%dma_start3A_220 : memref<128x64xf32, #tpu.memory_space<vmem>>) target(%dma_start3A_216 : memref<128x64xf32, #tpu.memory_space<hbm>>) target_semaphore(%arg22 : memref<!tpu.dma_semaphore, #tpu.memory_space<semaphore_mem>>)
    %dma_start3A_221 = arith.constant 9 : i32
    %dma_start3A_222 = arith.constant 5 : i32
    %dma_start3A_223 = arith.constant 0 : i32
    %dma_start3A_224 = arith.constant 0 : i32
    %dma_start3A_225 = tpu.memref_slice %arg6[%dma_start3A_222, %dma_start3A_223, %dma_start3A_224] : memref<12x128x64xf32, #tpu.memory_space<vmem>> -> memref<1x128x64xf32, #tpu.memory_space<vmem>>
    %dma_start3A_226 = tpu.memref_squeeze %dma_start3A_225 : memref<1x128x64xf32, #tpu.memory_space<vmem>> -> memref<128x64xf32, #tpu.memory_space<vmem>>
    %dma_start3A_227 = arith.constant 0 : i32
    %dma_start3A_228 = tpu.memref_slice %arg5[%dma_start3A_221, %dma_start3A_227] : memref<200x128xi32, #tpu.memory_space<vmem>> -> memref<1x128xi32, #tpu.memory_space<vmem>>
    %dma_start3A_229 = tpu.memref_squeeze %dma_start3A_228 : memref<1x128xi32, #tpu.memory_space<vmem>> -> memref<128xi32, #tpu.memory_space<vmem>>
    %dma_start3A_230 = arith.constant 0 : i32
    %dma_start3A_231 = arith.constant 0 : i32
    %dma_start3A_232 = tpu.memref_slice %arg3[%dma_start3A_230, %dma_start3A_231] : memref<1000000x64xf32, #tpu.memory_space<hbm>> -> memref<1000000x64xf32, #tpu.memory_space<hbm>>
    tpu.enqueue_indirect_dma source(%dma_start3A_232 : memref<1000000x64xf32, #tpu.memory_space<hbm>>) target(%dma_start3A_226 : memref<128x64xf32, #tpu.memory_space<vmem>>) offsets(%dma_start3A_229 : memref<128xi32, #tpu.memory_space<vmem>>) semaphore(%arg12 : memref<!tpu.dma_semaphore, #tpu.memory_space<semaphore_mem>>)
    %dma_wait3A_233 = arith.constant 6 : i32
    %dma_wait3A_234 = arith.constant 7 : i32
    %dma_wait3A_235 = arith.constant 0 : i32
    %dma_wait3A_236 = arith.constant 0 : i32
    %dma_wait3A_237 = tpu.memref_slice %arg6[%dma_wait3A_234, %dma_wait3A_235, %dma_wait3A_236] : memref<12x128x64xf32, #tpu.memory_space<vmem>> -> memref<1x128x64xf32, #tpu.memory_space<vmem>>
    %dma_wait3A_238 = tpu.memref_squeeze %dma_wait3A_237 : memref<1x128x64xf32, #tpu.memory_space<vmem>> -> memref<128x64xf32, #tpu.memory_space<vmem>>
    %dma_wait3A_239 = arith.constant 0 : i32
    %dma_wait3A_240 = tpu.memref_slice %arg5[%dma_wait3A_233, %dma_wait3A_239] : memref<200x128xi32, #tpu.memory_space<vmem>> -> memref<1x128xi32, #tpu.memory_space<vmem>>
    %dma_wait3A_241 = tpu.memref_squeeze %dma_wait3A_240 : memref<1x128xi32, #tpu.memory_space<vmem>> -> memref<128xi32, #tpu.memory_space<vmem>>
    %dma_wait3A_242 = arith.constant 0 : i32
    %dma_wait3A_243 = arith.constant 0 : i32
    %dma_wait3A_244 = tpu.memref_slice %arg3[%dma_wait3A_242, %dma_wait3A_243] : memref<1000000x64xf32, #tpu.memory_space<hbm>> -> memref<1000000x64xf32, #tpu.memory_space<hbm>>
    tpu.wait_indirect_dma semaphore(%arg14 : memref<!tpu.dma_semaphore, #tpu.memory_space<semaphore_mem>>) src(%dma_wait3A_244 : memref<1000000x64xf32, #tpu.memory_space<hbm>>) dst(%dma_wait3A_238 : memref<128x64xf32, #tpu.memory_space<vmem>>)
    %add3A_245 = arith.constant 256 : i32
    %add3A_246 = arith.addi %mul3A_2, %add3A_245 : i32
    %dma_start3A_247 = arith.constant 6 : i32
    %dma_start3A_248 = arith.constant 0 : i32
    %dma_start3A_249 = arith.constant 0 : i32
    %dma_start3A_250 = tpu.memref_slice %arg6[%dma_start3A_247, %dma_start3A_248, %dma_start3A_249] : memref<12x128x64xf32, #tpu.memory_space<vmem>> -> memref<1x128x64xf32, #tpu.memory_space<vmem>>
    %dma_start3A_251 = tpu.memref_squeeze %dma_start3A_250 : memref<1x128x64xf32, #tpu.memory_space<vmem>> -> memref<128x64xf32, #tpu.memory_space<vmem>>
    %dma_start3A_252 = arith.constant 0 : i32
    %dma_start3A_253 = tpu.memref_slice %arg4[%add3A_246, %dma_start3A_252] : memref<819200x64xf32, #tpu.memory_space<hbm>> -> memref<128x64xf32, #tpu.memory_space<hbm>>
    %dma_start3A_254 = arith.constant 0 : i32
    %dma_start3A_255 = tpu.memref_slice %arg4[%add3A_246, %dma_start3A_254] : memref<819200x64xf32, #tpu.memory_space<hbm>> -> memref<128x64xf32, #tpu.memory_space<hbm>>
    %dma_start3A_256 = arith.constant 0 : i32
    %dma_start3A_257 = arith.constant 0 : i32
    %dma_start3A_258 = tpu.memref_slice %arg6[%dma_start3A_247, %dma_start3A_256, %dma_start3A_257] : memref<12x128x64xf32, #tpu.memory_space<vmem>> -> memref<1x128x64xf32, #tpu.memory_space<vmem>>
    %dma_start3A_259 = tpu.memref_squeeze %dma_start3A_258 : memref<1x128x64xf32, #tpu.memory_space<vmem>> -> memref<128x64xf32, #tpu.memory_space<vmem>>
    tpu.enqueue_dma source(%dma_start3A_259 : memref<128x64xf32, #tpu.memory_space<vmem>>) target(%dma_start3A_255 : memref<128x64xf32, #tpu.memory_space<hbm>>) target_semaphore(%arg25 : memref<!tpu.dma_semaphore, #tpu.memory_space<semaphore_mem>>)
    %dma_start3A_260 = arith.constant 10 : i32
    %dma_start3A_261 = arith.constant 8 : i32
    %dma_start3A_262 = arith.constant 0 : i32
    %dma_start3A_263 = arith.constant 0 : i32
    %dma_start3A_264 = tpu.memref_slice %arg6[%dma_start3A_261, %dma_start3A_262, %dma_start3A_263] : memref<12x128x64xf32, #tpu.memory_space<vmem>> -> memref<1x128x64xf32, #tpu.memory_space<vmem>>
    %dma_start3A_265 = tpu.memref_squeeze %dma_start3A_264 : memref<1x128x64xf32, #tpu.memory_space<vmem>> -> memref<128x64xf32, #tpu.memory_space<vmem>>
    %dma_start3A_266 = arith.constant 0 : i32
    %dma_start3A_267 = tpu.memref_slice %arg5[%dma_start3A_260, %dma_start3A_266] : memref<200x128xi32, #tpu.memory_space<vmem>> -> memref<1x128xi32, #tpu.memory_space<vmem>>
    %dma_start3A_268 = tpu.memref_squeeze %dma_start3A_267 : memref<1x128xi32, #tpu.memory_space<vmem>> -> memref<128xi32, #tpu.memory_space<vmem>>
    %dma_start3A_269 = arith.constant 0 : i32
    %dma_start3A_270 = arith.constant 0 : i32
    %dma_start3A_271 = tpu.memref_slice %arg3[%dma_start3A_269, %dma_start3A_270] : memref<1000000x64xf32, #tpu.memory_space<hbm>> -> memref<1000000x64xf32, #tpu.memory_space<hbm>>
    tpu.enqueue_indirect_dma source(%dma_start3A_271 : memref<1000000x64xf32, #tpu.memory_space<hbm>>) target(%dma_start3A_265 : memref<128x64xf32, #tpu.memory_space<vmem>>) offsets(%dma_start3A_268 : memref<128xi32, #tpu.memory_space<vmem>>) semaphore(%arg15 : memref<!tpu.dma_semaphore, #tpu.memory_space<semaphore_mem>>)
    %dma_wait3A_272 = arith.constant 7 : i32
    %dma_wait3A_273 = arith.constant 10 : i32
    %dma_wait3A_274 = arith.constant 0 : i32
    %dma_wait3A_275 = arith.constant 0 : i32
    %dma_wait3A_276 = tpu.memref_slice %arg6[%dma_wait3A_273, %dma_wait3A_274, %dma_wait3A_275] : memref<12x128x64xf32, #tpu.memory_space<vmem>> -> memref<1x128x64xf32, #tpu.memory_space<vmem>>
    %dma_wait3A_277 = tpu.memref_squeeze %dma_wait3A_276 : memref<1x128x64xf32, #tpu.memory_space<vmem>> -> memref<128x64xf32, #tpu.memory_space<vmem>>
    %dma_wait3A_278 = arith.constant 0 : i32
    %dma_wait3A_279 = tpu.memref_slice %arg5[%dma_wait3A_272, %dma_wait3A_278] : memref<200x128xi32, #tpu.memory_space<vmem>> -> memref<1x128xi32, #tpu.memory_space<vmem>>
    %dma_wait3A_280 = tpu.memref_squeeze %dma_wait3A_279 : memref<1x128xi32, #tpu.memory_space<vmem>> -> memref<128xi32, #tpu.memory_space<vmem>>
    %dma_wait3A_281 = arith.constant 0 : i32
    %dma_wait3A_282 = arith.constant 0 : i32
    %dma_wait3A_283 = tpu.memref_slice %arg3[%dma_wait3A_281, %dma_wait3A_282] : memref<1000000x64xf32, #tpu.memory_space<hbm>> -> memref<1000000x64xf32, #tpu.memory_space<hbm>>
    tpu.wait_indirect_dma semaphore(%arg17 : memref<!tpu.dma_semaphore, #tpu.memory_space<semaphore_mem>>) src(%dma_wait3A_283 : memref<1000000x64xf32, #tpu.memory_space<hbm>>) dst(%dma_wait3A_277 : memref<128x64xf32, #tpu.memory_space<vmem>>)
    %add3A_284 = arith.constant 384 : i32
    %add3A_285 = arith.addi %mul3A_2, %add3A_284 : i32
    %dma_start3A_286 = arith.constant 9 : i32
    %dma_start3A_287 = arith.constant 0 : i32
    %dma_start3A_288 = arith.constant 0 : i32
    %dma_start3A_289 = tpu.memref_slice %arg6[%dma_start3A_286, %dma_start3A_287, %dma_start3A_288] : memref<12x128x64xf32, #tpu.memory_space<vmem>> -> memref<1x128x64xf32, #tpu.memory_space<vmem>>
    %dma_start3A_290 = tpu.memref_squeeze %dma_start3A_289 : memref<1x128x64xf32, #tpu.memory_space<vmem>> -> memref<128x64xf32, #tpu.memory_space<vmem>>
    %dma_start3A_291 = arith.constant 0 : i32
    %dma_start3A_292 = tpu.memref_slice %arg4[%add3A_285, %dma_start3A_291] : memref<819200x64xf32, #tpu.memory_space<hbm>> -> memref<128x64xf32, #tpu.memory_space<hbm>>
    %dma_start3A_293 = arith.constant 0 : i32
    %dma_start3A_294 = tpu.memref_slice %arg4[%add3A_285, %dma_start3A_293] : memref<819200x64xf32, #tpu.memory_space<hbm>> -> memref<128x64xf32, #tpu.memory_space<hbm>>
    %dma_start3A_295 = arith.constant 0 : i32
    %dma_start3A_296 = arith.constant 0 : i32
    %dma_start3A_297 = tpu.memref_slice %arg6[%dma_start3A_286, %dma_start3A_295, %dma_start3A_296] : memref<12x128x64xf32, #tpu.memory_space<vmem>> -> memref<1x128x64xf32, #tpu.memory_space<vmem>>
    %dma_start3A_298 = tpu.memref_squeeze %dma_start3A_297 : memref<1x128x64xf32, #tpu.memory_space<vmem>> -> memref<128x64xf32, #tpu.memory_space<vmem>>
    tpu.enqueue_dma source(%dma_start3A_298 : memref<128x64xf32, #tpu.memory_space<vmem>>) target(%dma_start3A_294 : memref<128x64xf32, #tpu.memory_space<hbm>>) target_semaphore(%arg28 : memref<!tpu.dma_semaphore, #tpu.memory_space<semaphore_mem>>)
    %dma_start3A_299 = arith.constant 11 : i32
    %dma_start3A_300 = arith.constant 11 : i32
    %dma_start3A_301 = arith.constant 0 : i32
    %dma_start3A_302 = arith.constant 0 : i32
    %dma_start3A_303 = tpu.memref_slice %arg6[%dma_start3A_300, %dma_start3A_301, %dma_start3A_302] : memref<12x128x64xf32, #tpu.memory_space<vmem>> -> memref<1x128x64xf32, #tpu.memory_space<vmem>>
    %dma_start3A_304 = tpu.memref_squeeze %dma_start3A_303 : memref<1x128x64xf32, #tpu.memory_space<vmem>> -> memref<128x64xf32, #tpu.memory_space<vmem>>
    %dma_start3A_305 = arith.constant 0 : i32
    %dma_start3A_306 = tpu.memref_slice %arg5[%dma_start3A_299, %dma_start3A_305] : memref<200x128xi32, #tpu.memory_space<vmem>> -> memref<1x128xi32, #tpu.memory_space<vmem>>
    %dma_start3A_307 = tpu.memref_squeeze %dma_start3A_306 : memref<1x128xi32, #tpu.memory_space<vmem>> -> memref<128xi32, #tpu.memory_space<vmem>>
    %dma_start3A_308 = arith.constant 0 : i32
    %dma_start3A_309 = arith.constant 0 : i32
    %dma_start3A_310 = tpu.memref_slice %arg3[%dma_start3A_308, %dma_start3A_309] : memref<1000000x64xf32, #tpu.memory_space<hbm>> -> memref<1000000x64xf32, #tpu.memory_space<hbm>>
    tpu.enqueue_indirect_dma source(%dma_start3A_310 : memref<1000000x64xf32, #tpu.memory_space<hbm>>) target(%dma_start3A_304 : memref<128x64xf32, #tpu.memory_space<vmem>>) offsets(%dma_start3A_307 : memref<128xi32, #tpu.memory_space<vmem>>) semaphore(%arg18 : memref<!tpu.dma_semaphore, #tpu.memory_space<semaphore_mem>>)
    %dma_wait3A_311 = arith.constant 8 : i32
    %dma_wait3A_312 = arith.constant 2 : i32
    %dma_wait3A_313 = arith.constant 0 : i32
    %dma_wait3A_314 = arith.constant 0 : i32
    %dma_wait3A_315 = tpu.memref_slice %arg6[%dma_wait3A_312, %dma_wait3A_313, %dma_wait3A_314] : memref<12x128x64xf32, #tpu.memory_space<vmem>> -> memref<1x128x64xf32, #tpu.memory_space<vmem>>
    %dma_wait3A_316 = tpu.memref_squeeze %dma_wait3A_315 : memref<1x128x64xf32, #tpu.memory_space<vmem>> -> memref<128x64xf32, #tpu.memory_space<vmem>>
    %dma_wait3A_317 = arith.constant 0 : i32
    %dma_wait3A_318 = tpu.memref_slice %arg5[%dma_wait3A_311, %dma_wait3A_317] : memref<200x128xi32, #tpu.memory_space<vmem>> -> memref<1x128xi32, #tpu.memory_space<vmem>>
    %dma_wait3A_319 = tpu.memref_squeeze %dma_wait3A_318 : memref<1x128xi32, #tpu.memory_space<vmem>> -> memref<128xi32, #tpu.memory_space<vmem>>
    %dma_wait3A_320 = arith.constant 0 : i32
    %dma_wait3A_321 = arith.constant 0 : i32
    %dma_wait3A_322 = tpu.memref_slice %arg3[%dma_wait3A_320, %dma_wait3A_321] : memref<1000000x64xf32, #tpu.memory_space<hbm>> -> memref<1000000x64xf32, #tpu.memory_space<hbm>>
    tpu.wait_indirect_dma semaphore(%arg9 : memref<!tpu.dma_semaphore, #tpu.memory_space<semaphore_mem>>) src(%dma_wait3A_322 : memref<1000000x64xf32, #tpu.memory_space<hbm>>) dst(%dma_wait3A_316 : memref<128x64xf32, #tpu.memory_space<vmem>>)
    %add3A_323 = arith.constant 512 : i32
    %add3A_324 = arith.addi %mul3A_2, %add3A_323 : i32
    %dma_start3A_325 = arith.constant 1 : i32
    %dma_start3A_326 = arith.constant 0 : i32
    %dma_start3A_327 = arith.constant 0 : i32
    %dma_start3A_328 = tpu.memref_slice %arg6[%dma_start3A_325, %dma_start3A_326, %dma_start3A_327] : memref<12x128x64xf32, #tpu.memory_space<vmem>> -> memref<1x128x64xf32, #tpu.memory_space<vmem>>
    %dma_start3A_329 = tpu.memref_squeeze %dma_start3A_328 : memref<1x128x64xf32, #tpu.memory_space<vmem>> -> memref<128x64xf32, #tpu.memory_space<vmem>>
    %dma_start3A_330 = arith.constant 0 : i32
    %dma_start3A_331 = tpu.memref_slice %arg4[%add3A_324, %dma_start3A_330] : memref<819200x64xf32, #tpu.memory_space<hbm>> -> memref<128x64xf32, #tpu.memory_space<hbm>>
    %dma_start3A_332 = arith.constant 0 : i32
    %dma_start3A_333 = tpu.memref_slice %arg4[%add3A_324, %dma_start3A_332] : memref<819200x64xf32, #tpu.memory_space<hbm>> -> memref<128x64xf32, #tpu.memory_space<hbm>>
    %dma_start3A_334 = arith.constant 0 : i32
    %dma_start3A_335 = arith.constant 0 : i32
    %dma_start3A_336 = tpu.memref_slice %arg6[%dma_start3A_325, %dma_start3A_334, %dma_start3A_335] : memref<12x128x64xf32, #tpu.memory_space<vmem>> -> memref<1x128x64xf32, #tpu.memory_space<vmem>>
    %dma_start3A_337 = tpu.memref_squeeze %dma_start3A_336 : memref<1x128x64xf32, #tpu.memory_space<vmem>> -> memref<128x64xf32, #tpu.memory_space<vmem>>
    tpu.enqueue_dma source(%dma_start3A_337 : memref<128x64xf32, #tpu.memory_space<vmem>>) target(%dma_start3A_333 : memref<128x64xf32, #tpu.memory_space<hbm>>) target_semaphore(%arg20 : memref<!tpu.dma_semaphore, #tpu.memory_space<semaphore_mem>>)
    %add3A_338 = arith.constant 0 : i32
    %add3A_339 = arith.addi %mul3A_2, %add3A_338 : i32
    %dma_wait3A_340 = arith.constant 0 : i32
    %dma_wait3A_341 = arith.constant 0 : i32
    %dma_wait3A_342 = arith.constant 0 : i32
    %dma_wait3A_343 = tpu.memref_slice %arg6[%dma_wait3A_340, %dma_wait3A_341, %dma_wait3A_342] : memref<12x128x64xf32, #tpu.memory_space<vmem>> -> memref<1x128x64xf32, #tpu.memory_space<vmem>>
    %dma_wait3A_344 = tpu.memref_squeeze %dma_wait3A_343 : memref<1x128x64xf32, #tpu.memory_space<vmem>> -> memref<128x64xf32, #tpu.memory_space<vmem>>
    %dma_wait3A_345 = arith.constant 0 : i32
    %dma_wait3A_346 = tpu.memref_slice %arg4[%add3A_339, %dma_wait3A_345] : memref<819200x64xf32, #tpu.memory_space<hbm>> -> memref<128x64xf32, #tpu.memory_space<hbm>>
    %dma_wait3A_347 = arith.constant 0 : i32
    %dma_wait3A_348 = tpu.memref_slice %arg4[%add3A_339, %dma_wait3A_347] : memref<819200x64xf32, #tpu.memory_space<hbm>> -> memref<128x64xf32, #tpu.memory_space<hbm>>
    %dma_wait3A_349 = arith.constant 0 : i32
    %dma_wait3A_350 = arith.constant 0 : i32
    %dma_wait3A_351 = tpu.memref_slice %arg6[%dma_wait3A_340, %dma_wait3A_349, %dma_wait3A_350] : memref<12x128x64xf32, #tpu.memory_space<vmem>> -> memref<1x128x64xf32, #tpu.memory_space<vmem>>
    %dma_wait3A_352 = tpu.memref_squeeze %dma_wait3A_351 : memref<1x128x64xf32, #tpu.memory_space<vmem>> -> memref<128x64xf32, #tpu.memory_space<vmem>>
    tpu.wait_dma2 semaphore(%arg19 : memref<!tpu.dma_semaphore, #tpu.memory_space<semaphore_mem>>) src(%dma_wait3A_352 : memref<128x64xf32, #tpu.memory_space<vmem>>) dst(%dma_wait3A_348 : memref<128x64xf32, #tpu.memory_space<hbm>>)
    %dma_start3A_353 = arith.constant 12 : i32
    %dma_start3A_354 = arith.constant 0 : i32
    %dma_start3A_355 = arith.constant 0 : i32
    %dma_start3A_356 = arith.constant 0 : i32
    %dma_start3A_357 = tpu.memref_slice %arg6[%dma_start3A_354, %dma_start3A_355, %dma_start3A_356] : memref<12x128x64xf32, #tpu.memory_space<vmem>> -> memref<1x128x64xf32, #tpu.memory_space<vmem>>
    %dma_start3A_358 = tpu.memref_squeeze %dma_start3A_357 : memref<1x128x64xf32, #tpu.memory_space<vmem>> -> memref<128x64xf32, #tpu.memory_space<vmem>>
    %dma_start3A_359 = arith.constant 0 : i32
    %dma_start3A_360 = tpu.memref_slice %arg5[%dma_start3A_353, %dma_start3A_359] : memref<200x128xi32, #tpu.memory_space<vmem>> -> memref<1x128xi32, #tpu.memory_space<vmem>>
    %dma_start3A_361 = tpu.memref_squeeze %dma_start3A_360 : memref<1x128xi32, #tpu.memory_space<vmem>> -> memref<128xi32, #tpu.memory_space<vmem>>
    %dma_start3A_362 = arith.constant 0 : i32
    %dma_start3A_363 = arith.constant 0 : i32
    %dma_start3A_364 = tpu.memref_slice %arg3[%dma_start3A_362, %dma_start3A_363] : memref<1000000x64xf32, #tpu.memory_space<hbm>> -> memref<1000000x64xf32, #tpu.memory_space<hbm>>
    tpu.enqueue_indirect_dma source(%dma_start3A_364 : memref<1000000x64xf32, #tpu.memory_space<hbm>>) target(%dma_start3A_358 : memref<128x64xf32, #tpu.memory_space<vmem>>) offsets(%dma_start3A_361 : memref<128xi32, #tpu.memory_space<vmem>>) semaphore(%arg7 : memref<!tpu.dma_semaphore, #tpu.memory_space<semaphore_mem>>)
    %dma_wait3A_365 = arith.constant 9 : i32
    %dma_wait3A_366 = arith.constant 5 : i32
    %dma_wait3A_367 = arith.constant 0 : i32
    %dma_wait3A_368 = arith.constant 0 : i32
    %dma_wait3A_369 = tpu.memref_slice %arg6[%dma_wait3A_366, %dma_wait3A_367, %dma_wait3A_368] : memref<12x128x64xf32, #tpu.memory_space<vmem>> -> memref<1x128x64xf32, #tpu.memory_space<vmem>>
    %dma_wait3A_370 = tpu.memref_squeeze %dma_wait3A_369 : memref<1x128x64xf32, #tpu.memory_space<vmem>> -> memref<128x64xf32, #tpu.memory_space<vmem>>
    %dma_wait3A_371 = arith.constant 0 : i32
    %dma_wait3A_372 = tpu.memref_slice %arg5[%dma_wait3A_365, %dma_wait3A_371] : memref<200x128xi32, #tpu.memory_space<vmem>> -> memref<1x128xi32, #tpu.memory_space<vmem>>
    %dma_wait3A_373 = tpu.memref_squeeze %dma_wait3A_372 : memref<1x128xi32, #tpu.memory_space<vmem>> -> memref<128xi32, #tpu.memory_space<vmem>>
    %dma_wait3A_374 = arith.constant 0 : i32
    %dma_wait3A_375 = arith.constant 0 : i32
    %dma_wait3A_376 = tpu.memref_slice %arg3[%dma_wait3A_374, %dma_wait3A_375] : memref<1000000x64xf32, #tpu.memory_space<hbm>> -> memref<1000000x64xf32, #tpu.memory_space<hbm>>
    tpu.wait_indirect_dma semaphore(%arg12 : memref<!tpu.dma_semaphore, #tpu.memory_space<semaphore_mem>>) src(%dma_wait3A_376 : memref<1000000x64xf32, #tpu.memory_space<hbm>>) dst(%dma_wait3A_370 : memref<128x64xf32, #tpu.memory_space<vmem>>)
    %add3A_377 = arith.constant 640 : i32
    %add3A_378 = arith.addi %mul3A_2, %add3A_377 : i32
    %dma_start3A_379 = arith.constant 4 : i32
    %dma_start3A_380 = arith.constant 0 : i32
    %dma_start3A_381 = arith.constant 0 : i32
    %dma_start3A_382 = tpu.memref_slice %arg6[%dma_start3A_379, %dma_start3A_380, %dma_start3A_381] : memref<12x128x64xf32, #tpu.memory_space<vmem>> -> memref<1x128x64xf32, #tpu.memory_space<vmem>>
    %dma_start3A_383 = tpu.memref_squeeze %dma_start3A_382 : memref<1x128x64xf32, #tpu.memory_space<vmem>> -> memref<128x64xf32, #tpu.memory_space<vmem>>
    %dma_start3A_384 = arith.constant 0 : i32
    %dma_start3A_385 = tpu.memref_slice %arg4[%add3A_378, %dma_start3A_384] : memref<819200x64xf32, #tpu.memory_space<hbm>> -> memref<128x64xf32, #tpu.memory_space<hbm>>
    %dma_start3A_386 = arith.constant 0 : i32
    %dma_start3A_387 = tpu.memref_slice %arg4[%add3A_378, %dma_start3A_386] : memref<819200x64xf32, #tpu.memory_space<hbm>> -> memref<128x64xf32, #tpu.memory_space<hbm>>
    %dma_start3A_388 = arith.constant 0 : i32
    %dma_start3A_389 = arith.constant 0 : i32
    %dma_start3A_390 = tpu.memref_slice %arg6[%dma_start3A_379, %dma_start3A_388, %dma_start3A_389] : memref<12x128x64xf32, #tpu.memory_space<vmem>> -> memref<1x128x64xf32, #tpu.memory_space<vmem>>
    %dma_start3A_391 = tpu.memref_squeeze %dma_start3A_390 : memref<1x128x64xf32, #tpu.memory_space<vmem>> -> memref<128x64xf32, #tpu.memory_space<vmem>>
    tpu.enqueue_dma source(%dma_start3A_391 : memref<128x64xf32, #tpu.memory_space<vmem>>) target(%dma_start3A_387 : memref<128x64xf32, #tpu.memory_space<hbm>>) target_semaphore(%arg23 : memref<!tpu.dma_semaphore, #tpu.memory_space<semaphore_mem>>)
    %add3A_392 = arith.constant 128 : i32
    %add3A_393 = arith.addi %mul3A_2, %add3A_392 : i32
    %dma_wait3A_394 = arith.constant 3 : i32
    %dma_wait3A_395 = arith.constant 0 : i32
    %dma_wait3A_396 = arith.constant 0 : i32
    %dma_wait3A_397 = tpu.memref_slice %arg6[%dma_wait3A_394, %dma_wait3A_395, %dma_wait3A_396] : memref<12x128x64xf32, #tpu.memory_space<vmem>> -> memref<1x128x64xf32, #tpu.memory_space<vmem>>
    %dma_wait3A_398 = tpu.memref_squeeze %dma_wait3A_397 : memref<1x128x64xf32, #tpu.memory_space<vmem>> -> memref<128x64xf32, #tpu.memory_space<vmem>>
    %dma_wait3A_399 = arith.constant 0 : i32
    %dma_wait3A_400 = tpu.memref_slice %arg4[%add3A_393, %dma_wait3A_399] : memref<819200x64xf32, #tpu.memory_space<hbm>> -> memref<128x64xf32, #tpu.memory_space<hbm>>
    %dma_wait3A_401 = arith.constant 0 : i32
    %dma_wait3A_402 = tpu.memref_slice %arg4[%add3A_393, %dma_wait3A_401] : memref<819200x64xf32, #tpu.memory_space<hbm>> -> memref<128x64xf32, #tpu.memory_space<hbm>>
    %dma_wait3A_403 = arith.constant 0 : i32
    %dma_wait3A_404 = arith.constant 0 : i32
    %dma_wait3A_405 = tpu.memref_slice %arg6[%dma_wait3A_394, %dma_wait3A_403, %dma_wait3A_404] : memref<12x128x64xf32, #tpu.memory_space<vmem>> -> memref<1x128x64xf32, #tpu.memory_space<vmem>>
    %dma_wait3A_406 = tpu.memref_squeeze %dma_wait3A_405 : memref<1x128x64xf32, #tpu.memory_space<vmem>> -> memref<128x64xf32, #tpu.memory_space<vmem>>
    tpu.wait_dma2 semaphore(%arg22 : memref<!tpu.dma_semaphore, #tpu.memory_space<semaphore_mem>>) src(%dma_wait3A_406 : memref<128x64xf32, #tpu.memory_space<vmem>>) dst(%dma_wait3A_402 : memref<128x64xf32, #tpu.memory_space<hbm>>)
    %dma_start3A_407 = arith.constant 13 : i32
    %dma_start3A_408 = arith.constant 3 : i32
    %dma_start3A_409 = arith.constant 0 : i32
    %dma_start3A_410 = arith.constant 0 : i32
    %dma_start3A_411 = tpu.memref_slice %arg6[%dma_start3A_408, %dma_start3A_409, %dma_start3A_410] : memref<12x128x64xf32, #tpu.memory_space<vmem>> -> memref<1x128x64xf32, #tpu.memory_space<vmem>>
    %dma_start3A_412 = tpu.memref_squeeze %dma_start3A_411 : memref<1x128x64xf32, #tpu.memory_space<vmem>> -> memref<128x64xf32, #tpu.memory_space<vmem>>
    %dma_start3A_413 = arith.constant 0 : i32
    %dma_start3A_414 = tpu.memref_slice %arg5[%dma_start3A_407, %dma_start3A_413] : memref<200x128xi32, #tpu.memory_space<vmem>> -> memref<1x128xi32, #tpu.memory_space<vmem>>
    %dma_start3A_415 = tpu.memref_squeeze %dma_start3A_414 : memref<1x128xi32, #tpu.memory_space<vmem>> -> memref<128xi32, #tpu.memory_space<vmem>>
    %dma_start3A_416 = arith.constant 0 : i32
    %dma_start3A_417 = arith.constant 0 : i32
    %dma_start3A_418 = tpu.memref_slice %arg3[%dma_start3A_416, %dma_start3A_417] : memref<1000000x64xf32, #tpu.memory_space<hbm>> -> memref<1000000x64xf32, #tpu.memory_space<hbm>>
    tpu.enqueue_indirect_dma source(%dma_start3A_418 : memref<1000000x64xf32, #tpu.memory_space<hbm>>) target(%dma_start3A_412 : memref<128x64xf32, #tpu.memory_space<vmem>>) offsets(%dma_start3A_415 : memref<128xi32, #tpu.memory_space<vmem>>) semaphore(%arg10 : memref<!tpu.dma_semaphore, #tpu.memory_space<semaphore_mem>>)
    %dma_wait3A_419 = arith.constant 10 : i32
    %dma_wait3A_420 = arith.constant 8 : i32
    %dma_wait3A_421 = arith.constant 0 : i32
    %dma_wait3A_422 = arith.constant 0 : i32
    %dma_wait3A_423 = tpu.memref_slice %arg6[%dma_wait3A_420, %dma_wait3A_421, %dma_wait3A_422] : memref<12x128x64xf32, #tpu.memory_space<vmem>> -> memref<1x128x64xf32, #tpu.memory_space<vmem>>
    %dma_wait3A_424 = tpu.memref_squeeze %dma_wait3A_423 : memref<1x128x64xf32, #tpu.memory_space<vmem>> -> memref<128x64xf32, #tpu.memory_space<vmem>>
    %dma_wait3A_425 = arith.constant 0 : i32
    %dma_wait3A_426 = tpu.memref_slice %arg5[%dma_wait3A_419, %dma_wait3A_425] : memref<200x128xi32, #tpu.memory_space<vmem>> -> memref<1x128xi32, #tpu.memory_space<vmem>>
    %dma_wait3A_427 = tpu.memref_squeeze %dma_wait3A_426 : memref<1x128xi32, #tpu.memory_space<vmem>> -> memref<128xi32, #tpu.memory_space<vmem>>
    %dma_wait3A_428 = arith.constant 0 : i32
    %dma_wait3A_429 = arith.constant 0 : i32
    %dma_wait3A_430 = tpu.memref_slice %arg3[%dma_wait3A_428, %dma_wait3A_429] : memref<1000000x64xf32, #tpu.memory_space<hbm>> -> memref<1000000x64xf32, #tpu.memory_space<hbm>>
    tpu.wait_indirect_dma semaphore(%arg15 : memref<!tpu.dma_semaphore, #tpu.memory_space<semaphore_mem>>) src(%dma_wait3A_430 : memref<1000000x64xf32, #tpu.memory_space<hbm>>) dst(%dma_wait3A_424 : memref<128x64xf32, #tpu.memory_space<vmem>>)
    %add3A_431 = arith.constant 768 : i32
    %add3A_432 = arith.addi %mul3A_2, %add3A_431 : i32
    %dma_start3A_433 = arith.constant 7 : i32
    %dma_start3A_434 = arith.constant 0 : i32
    %dma_start3A_435 = arith.constant 0 : i32
    %dma_start3A_436 = tpu.memref_slice %arg6[%dma_start3A_433, %dma_start3A_434, %dma_start3A_435] : memref<12x128x64xf32, #tpu.memory_space<vmem>> -> memref<1x128x64xf32, #tpu.memory_space<vmem>>
    %dma_start3A_437 = tpu.memref_squeeze %dma_start3A_436 : memref<1x128x64xf32, #tpu.memory_space<vmem>> -> memref<128x64xf32, #tpu.memory_space<vmem>>
    %dma_start3A_438 = arith.constant 0 : i32
    %dma_start3A_439 = tpu.memref_slice %arg4[%add3A_432, %dma_start3A_438] : memref<819200x64xf32, #tpu.memory_space<hbm>> -> memref<128x64xf32, #tpu.memory_space<hbm>>
    %dma_start3A_440 = arith.constant 0 : i32
    %dma_start3A_441 = tpu.memref_slice %arg4[%add3A_432, %dma_start3A_440] : memref<819200x64xf32, #tpu.memory_space<hbm>> -> memref<128x64xf32, #tpu.memory_space<hbm>>
    %dma_start3A_442 = arith.constant 0 : i32
    %dma_start3A_443 = arith.constant 0 : i32
    %dma_start3A_444 = tpu.memref_slice %arg6[%dma_start3A_433, %dma_start3A_442, %dma_start3A_443] : memref<12x128x64xf32, #tpu.memory_space<vmem>> -> memref<1x128x64xf32, #tpu.memory_space<vmem>>
    %dma_start3A_445 = tpu.memref_squeeze %dma_start3A_444 : memref<1x128x64xf32, #tpu.memory_space<vmem>> -> memref<128x64xf32, #tpu.memory_space<vmem>>
    tpu.enqueue_dma source(%dma_start3A_445 : memref<128x64xf32, #tpu.memory_space<vmem>>) target(%dma_start3A_441 : memref<128x64xf32, #tpu.memory_space<hbm>>) target_semaphore(%arg26 : memref<!tpu.dma_semaphore, #tpu.memory_space<semaphore_mem>>)
    %add3A_446 = arith.constant 256 : i32
    %add3A_447 = arith.addi %mul3A_2, %add3A_446 : i32
    %dma_wait3A_448 = arith.constant 6 : i32
    %dma_wait3A_449 = arith.constant 0 : i32
    %dma_wait3A_450 = arith.constant 0 : i32
    %dma_wait3A_451 = tpu.memref_slice %arg6[%dma_wait3A_448, %dma_wait3A_449, %dma_wait3A_450] : memref<12x128x64xf32, #tpu.memory_space<vmem>> -> memref<1x128x64xf32, #tpu.memory_space<vmem>>
    %dma_wait3A_452 = tpu.memref_squeeze %dma_wait3A_451 : memref<1x128x64xf32, #tpu.memory_space<vmem>> -> memref<128x64xf32, #tpu.memory_space<vmem>>
    %dma_wait3A_453 = arith.constant 0 : i32
    %dma_wait3A_454 = tpu.memref_slice %arg4[%add3A_447, %dma_wait3A_453] : memref<819200x64xf32, #tpu.memory_space<hbm>> -> memref<128x64xf32, #tpu.memory_space<hbm>>
    %dma_wait3A_455 = arith.constant 0 : i32
    %dma_wait3A_456 = tpu.memref_slice %arg4[%add3A_447, %dma_wait3A_455] : memref<819200x64xf32, #tpu.memory_space<hbm>> -> memref<128x64xf32, #tpu.memory_space<hbm>>
    %dma_wait3A_457 = arith.constant 0 : i32
    %dma_wait3A_458 = arith.constant 0 : i32
    %dma_wait3A_459 = tpu.memref_slice %arg6[%dma_wait3A_448, %dma_wait3A_457, %dma_wait3A_458] : memref<12x128x64xf32, #tpu.memory_space<vmem>> -> memref<1x128x64xf32, #tpu.memory_space<vmem>>
    %dma_wait3A_460 = tpu.memref_squeeze %dma_wait3A_459 : memref<1x128x64xf32, #tpu.memory_space<vmem>> -> memref<128x64xf32, #tpu.memory_space<vmem>>
    tpu.wait_dma2 semaphore(%arg25 : memref<!tpu.dma_semaphore, #tpu.memory_space<semaphore_mem>>) src(%dma_wait3A_460 : memref<128x64xf32, #tpu.memory_space<vmem>>) dst(%dma_wait3A_456 : memref<128x64xf32, #tpu.memory_space<hbm>>)
    %dma_start3A_461 = arith.constant 14 : i32
    %dma_start3A_462 = arith.constant 6 : i32
    %dma_start3A_463 = arith.constant 0 : i32
    %dma_start3A_464 = arith.constant 0 : i32
    %dma_start3A_465 = tpu.memref_slice %arg6[%dma_start3A_462, %dma_start3A_463, %dma_start3A_464] : memref<12x128x64xf32, #tpu.memory_space<vmem>> -> memref<1x128x64xf32, #tpu.memory_space<vmem>>
    %dma_start3A_466 = tpu.memref_squeeze %dma_start3A_465 : memref<1x128x64xf32, #tpu.memory_space<vmem>> -> memref<128x64xf32, #tpu.memory_space<vmem>>
    %dma_start3A_467 = arith.constant 0 : i32
    %dma_start3A_468 = tpu.memref_slice %arg5[%dma_start3A_461, %dma_start3A_467] : memref<200x128xi32, #tpu.memory_space<vmem>> -> memref<1x128xi32, #tpu.memory_space<vmem>>
    %dma_start3A_469 = tpu.memref_squeeze %dma_start3A_468 : memref<1x128xi32, #tpu.memory_space<vmem>> -> memref<128xi32, #tpu.memory_space<vmem>>
    %dma_start3A_470 = arith.constant 0 : i32
    %dma_start3A_471 = arith.constant 0 : i32
    %dma_start3A_472 = tpu.memref_slice %arg3[%dma_start3A_470, %dma_start3A_471] : memref<1000000x64xf32, #tpu.memory_space<hbm>> -> memref<1000000x64xf32, #tpu.memory_space<hbm>>
    tpu.enqueue_indirect_dma source(%dma_start3A_472 : memref<1000000x64xf32, #tpu.memory_space<hbm>>) target(%dma_start3A_466 : memref<128x64xf32, #tpu.memory_space<vmem>>) offsets(%dma_start3A_469 : memref<128xi32, #tpu.memory_space<vmem>>) semaphore(%arg13 : memref<!tpu.dma_semaphore, #tpu.memory_space<semaphore_mem>>)
    %dma_wait3A_473 = arith.constant 11 : i32
    %dma_wait3A_474 = arith.constant 11 : i32
    %dma_wait3A_475 = arith.constant 0 : i32
    %dma_wait3A_476 = arith.constant 0 : i32
    %dma_wait3A_477 = tpu.memref_slice %arg6[%dma_wait3A_474, %dma_wait3A_475, %dma_wait3A_476] : memref<12x128x64xf32, #tpu.memory_space<vmem>> -> memref<1x128x64xf32, #tpu.memory_space<vmem>>
    %dma_wait3A_478 = tpu.memref_squeeze %dma_wait3A_477 : memref<1x128x64xf32, #tpu.memory_space<vmem>> -> memref<128x64xf32, #tpu.memory_space<vmem>>
    %dma_wait3A_479 = arith.constant 0 : i32
    %dma_wait3A_480 = tpu.memref_slice %arg5[%dma_wait3A_473, %dma_wait3A_479] : memref<200x128xi32, #tpu.memory_space<vmem>> -> memref<1x128xi32, #tpu.memory_space<vmem>>
    %dma_wait3A_481 = tpu.memref_squeeze %dma_wait3A_480 : memref<1x128xi32, #tpu.memory_space<vmem>> -> memref<128xi32, #tpu.memory_space<vmem>>
    %dma_wait3A_482 = arith.constant 0 : i32
    %dma_wait3A_483 = arith.constant 0 : i32
    %dma_wait3A_484 = tpu.memref_slice %arg3[%dma_wait3A_482, %dma_wait3A_483] : memref<1000000x64xf32, #tpu.memory_space<hbm>> -> memref<1000000x64xf32, #tpu.memory_space<hbm>>
    tpu.wait_indirect_dma semaphore(%arg18 : memref<!tpu.dma_semaphore, #tpu.memory_space<semaphore_mem>>) src(%dma_wait3A_484 : memref<1000000x64xf32, #tpu.memory_space<hbm>>) dst(%dma_wait3A_478 : memref<128x64xf32, #tpu.memory_space<vmem>>)
    %add3A_485 = arith.constant 896 : i32
    %add3A_486 = arith.addi %mul3A_2, %add3A_485 : i32
    %dma_start3A_487 = arith.constant 10 : i32
    %dma_start3A_488 = arith.constant 0 : i32
    %dma_start3A_489 = arith.constant 0 : i32
    %dma_start3A_490 = tpu.memref_slice %arg6[%dma_start3A_487, %dma_start3A_488, %dma_start3A_489] : memref<12x128x64xf32, #tpu.memory_space<vmem>> -> memref<1x128x64xf32, #tpu.memory_space<vmem>>
    %dma_start3A_491 = tpu.memref_squeeze %dma_start3A_490 : memref<1x128x64xf32, #tpu.memory_space<vmem>> -> memref<128x64xf32, #tpu.memory_space<vmem>>
    %dma_start3A_492 = arith.constant 0 : i32
    %dma_start3A_493 = tpu.memref_slice %arg4[%add3A_486, %dma_start3A_492] : memref<819200x64xf32, #tpu.memory_space<hbm>> -> memref<128x64xf32, #tpu.memory_space<hbm>>
    %dma_start3A_494 = arith.constant 0 : i32
    %dma_start3A_495 = tpu.memref_slice %arg4[%add3A_486, %dma_start3A_494] : memref<819200x64xf32, #tpu.memory_space<hbm>> -> memref<128x64xf32, #tpu.memory_space<hbm>>
    %dma_start3A_496 = arith.constant 0 : i32
    %dma_start3A_497 = arith.constant 0 : i32
    %dma_start3A_498 = tpu.memref_slice %arg6[%dma_start3A_487, %dma_start3A_496, %dma_start3A_497] : memref<12x128x64xf32, #tpu.memory_space<vmem>> -> memref<1x128x64xf32, #tpu.memory_space<vmem>>
    %dma_start3A_499 = tpu.memref_squeeze %dma_start3A_498 : memref<1x128x64xf32, #tpu.memory_space<vmem>> -> memref<128x64xf32, #tpu.memory_space<vmem>>
    tpu.enqueue_dma source(%dma_start3A_499 : memref<128x64xf32, #tpu.memory_space<vmem>>) target(%dma_start3A_495 : memref<128x64xf32, #tpu.memory_space<hbm>>) target_semaphore(%arg29 : memref<!tpu.dma_semaphore, #tpu.memory_space<semaphore_mem>>)
    %add3A_500 = arith.constant 384 : i32
    %add3A_501 = arith.addi %mul3A_2, %add3A_500 : i32
    %dma_wait3A_502 = arith.constant 9 : i32
    %dma_wait3A_503 = arith.constant 0 : i32
    %dma_wait3A_504 = arith.constant 0 : i32
    %dma_wait3A_505 = tpu.memref_slice %arg6[%dma_wait3A_502, %dma_wait3A_503, %dma_wait3A_504] : memref<12x128x64xf32, #tpu.memory_space<vmem>> -> memref<1x128x64xf32, #tpu.memory_space<vmem>>
    %dma_wait3A_506 = tpu.memref_squeeze %dma_wait3A_505 : memref<1x128x64xf32, #tpu.memory_space<vmem>> -> memref<128x64xf32, #tpu.memory_space<vmem>>
    %dma_wait3A_507 = arith.constant 0 : i32
    %dma_wait3A_508 = tpu.memref_slice %arg4[%add3A_501, %dma_wait3A_507] : memref<819200x64xf32, #tpu.memory_space<hbm>> -> memref<128x64xf32, #tpu.memory_space<hbm>>
    %dma_wait3A_509 = arith.constant 0 : i32
    %dma_wait3A_510 = tpu.memref_slice %arg4[%add3A_501, %dma_wait3A_509] : memref<819200x64xf32, #tpu.memory_space<hbm>> -> memref<128x64xf32, #tpu.memory_space<hbm>>
    %dma_wait3A_511 = arith.constant 0 : i32
    %dma_wait3A_512 = arith.constant 0 : i32
    %dma_wait3A_513 = tpu.memref_slice %arg6[%dma_wait3A_502, %dma_wait3A_511, %dma_wait3A_512] : memref<12x128x64xf32, #tpu.memory_space<vmem>> -> memref<1x128x64xf32, #tpu.memory_space<vmem>>
    %dma_wait3A_514 = tpu.memref_squeeze %dma_wait3A_513 : memref<1x128x64xf32, #tpu.memory_space<vmem>> -> memref<128x64xf32, #tpu.memory_space<vmem>>
    tpu.wait_dma2 semaphore(%arg28 : memref<!tpu.dma_semaphore, #tpu.memory_space<semaphore_mem>>) src(%dma_wait3A_514 : memref<128x64xf32, #tpu.memory_space<vmem>>) dst(%dma_wait3A_510 : memref<128x64xf32, #tpu.memory_space<hbm>>)
    %dma_start3A_515 = arith.constant 15 : i32
    %dma_start3A_516 = arith.constant 9 : i32
    %dma_start3A_517 = arith.constant 0 : i32
    %dma_start3A_518 = arith.constant 0 : i32
    %dma_start3A_519 = tpu.memref_slice %arg6[%dma_start3A_516, %dma_start3A_517, %dma_start3A_518] : memref<12x128x64xf32, #tpu.memory_space<vmem>> -> memref<1x128x64xf32, #tpu.memory_space<vmem>>
    %dma_start3A_520 = tpu.memref_squeeze %dma_start3A_519 : memref<1x128x64xf32, #tpu.memory_space<vmem>> -> memref<128x64xf32, #tpu.memory_space<vmem>>
    %dma_start3A_521 = arith.constant 0 : i32
    %dma_start3A_522 = tpu.memref_slice %arg5[%dma_start3A_515, %dma_start3A_521] : memref<200x128xi32, #tpu.memory_space<vmem>> -> memref<1x128xi32, #tpu.memory_space<vmem>>
    %dma_start3A_523 = tpu.memref_squeeze %dma_start3A_522 : memref<1x128xi32, #tpu.memory_space<vmem>> -> memref<128xi32, #tpu.memory_space<vmem>>
    %dma_start3A_524 = arith.constant 0 : i32
    %dma_start3A_525 = arith.constant 0 : i32
    %dma_start3A_526 = tpu.memref_slice %arg3[%dma_start3A_524, %dma_start3A_525] : memref<1000000x64xf32, #tpu.memory_space<hbm>> -> memref<1000000x64xf32, #tpu.memory_space<hbm>>
    tpu.enqueue_indirect_dma source(%dma_start3A_526 : memref<1000000x64xf32, #tpu.memory_space<hbm>>) target(%dma_start3A_520 : memref<128x64xf32, #tpu.memory_space<vmem>>) offsets(%dma_start3A_523 : memref<128xi32, #tpu.memory_space<vmem>>) semaphore(%arg16 : memref<!tpu.dma_semaphore, #tpu.memory_space<semaphore_mem>>)
    %scan3A = arith.constant 0 : i32
    %scan3A_527 = arith.constant 1 : i32
    %scan3A_528 = arith.constant 15 : i32
    %scan3A_529 = arith.addi %scan3A_527, %scan3A_528 : i32
    %scan3A_530 = arith.constant 1 : i32
    scf.for %scan3A_1096 = %scan3A_527 to %scan3A_529 step %scan3A_530  : i32 {
      %mul3A_1097 = arith.constant 12 : i32
      %mul3A_1098 = arith.muli %scan3A_1096, %mul3A_1097 : i32
      %add3A_1099 = arith.constant 0 : i32
      %add3A_1100 = arith.addi %mul3A_1098, %add3A_1099 : i32
      %dma_wait3A_1101 = arith.constant 0 : i32
      %dma_wait3A_1102 = arith.constant 0 : i32
      %dma_wait3A_1103 = arith.constant 0 : i32
      %dma_wait3A_1104 = tpu.memref_slice %arg6[%dma_wait3A_1101, %dma_wait3A_1102, %dma_wait3A_1103] : memref<12x128x64xf32, #tpu.memory_space<vmem>> -> memref<1x128x64xf32, #tpu.memory_space<vmem>>
      %dma_wait3A_1105 = tpu.memref_squeeze %dma_wait3A_1104 : memref<1x128x64xf32, #tpu.memory_space<vmem>> -> memref<128x64xf32, #tpu.memory_space<vmem>>
      %dma_wait3A_1106 = arith.constant 0 : i32
      %dma_wait3A_1107 = tpu.memref_slice %arg5[%add3A_1100, %dma_wait3A_1106] : memref<200x128xi32, #tpu.memory_space<vmem>> -> memref<1x128xi32, #tpu.memory_space<vmem>>
      %dma_wait3A_1108 = tpu.memref_squeeze %dma_wait3A_1107 : memref<1x128xi32, #tpu.memory_space<vmem>> -> memref<128xi32, #tpu.memory_space<vmem>>
      %dma_wait3A_1109 = arith.constant 0 : i32
      %dma_wait3A_1110 = arith.constant 0 : i32
      %dma_wait3A_1111 = tpu.memref_slice %arg3[%dma_wait3A_1109, %dma_wait3A_1110] : memref<1000000x64xf32, #tpu.memory_space<hbm>> -> memref<1000000x64xf32, #tpu.memory_space<hbm>>
      tpu.wait_indirect_dma semaphore(%arg7 : memref<!tpu.dma_semaphore, #tpu.memory_space<semaphore_mem>>) src(%dma_wait3A_1111 : memref<1000000x64xf32, #tpu.memory_space<hbm>>) dst(%dma_wait3A_1105 : memref<128x64xf32, #tpu.memory_space<vmem>>)
      %sub3A = arith.constant 4 : i32
      %sub3A_1112 = arith.subi %add3A_1100, %sub3A : i32
      %mul3A_1113 = arith.constant 128 : i32
      %mul3A_1114 = arith.muli %sub3A_1112, %mul3A_1113 : i32
      %add3A_1115 = arith.addi %mul3A_2, %mul3A_1114 : i32
      %dma_start3A_1116 = arith.constant 2 : i32
      %dma_start3A_1117 = arith.constant 0 : i32
      %dma_start3A_1118 = arith.constant 0 : i32
      %dma_start3A_1119 = tpu.memref_slice %arg6[%dma_start3A_1116, %dma_start3A_1117, %dma_start3A_1118] : memref<12x128x64xf32, #tpu.memory_space<vmem>> -> memref<1x128x64xf32, #tpu.memory_space<vmem>>
      %dma_start3A_1120 = tpu.memref_squeeze %dma_start3A_1119 : memref<1x128x64xf32, #tpu.memory_space<vmem>> -> memref<128x64xf32, #tpu.memory_space<vmem>>
      %dma_start3A_1121 = arith.constant 0 : i32
      %dma_start3A_1122 = tpu.memref_slice %arg4[%add3A_1115, %dma_start3A_1121] : memref<819200x64xf32, #tpu.memory_space<hbm>> -> memref<128x64xf32, #tpu.memory_space<hbm>>
      %dma_start3A_1123 = arith.constant 0 : i32
      %dma_start3A_1124 = tpu.memref_slice %arg4[%add3A_1115, %dma_start3A_1123] : memref<819200x64xf32, #tpu.memory_space<hbm>> -> memref<128x64xf32, #tpu.memory_space<hbm>>
      %dma_start3A_1125 = arith.constant 0 : i32
      %dma_start3A_1126 = arith.constant 0 : i32
      %dma_start3A_1127 = tpu.memref_slice %arg6[%dma_start3A_1116, %dma_start3A_1125, %dma_start3A_1126] : memref<12x128x64xf32, #tpu.memory_space<vmem>> -> memref<1x128x64xf32, #tpu.memory_space<vmem>>
      %dma_start3A_1128 = tpu.memref_squeeze %dma_start3A_1127 : memref<1x128x64xf32, #tpu.memory_space<vmem>> -> memref<128x64xf32, #tpu.memory_space<vmem>>
      tpu.enqueue_dma source(%dma_start3A_1128 : memref<128x64xf32, #tpu.memory_space<vmem>>) target(%dma_start3A_1124 : memref<128x64xf32, #tpu.memory_space<hbm>>) target_semaphore(%arg21 : memref<!tpu.dma_semaphore, #tpu.memory_space<semaphore_mem>>)
      %sub3A_1129 = arith.constant 8 : i32
      %sub3A_1130 = arith.subi %add3A_1100, %sub3A_1129 : i32
      %mul3A_1131 = arith.constant 128 : i32
      %mul3A_1132 = arith.muli %sub3A_1130, %mul3A_1131 : i32
      %add3A_1133 = arith.addi %mul3A_2, %mul3A_1132 : i32
      %dma_wait3A_1134 = arith.constant 1 : i32
      %dma_wait3A_1135 = arith.constant 0 : i32
      %dma_wait3A_1136 = arith.constant 0 : i32
      %dma_wait3A_1137 = tpu.memref_slice %arg6[%dma_wait3A_1134, %dma_wait3A_1135, %dma_wait3A_1136] : memref<12x128x64xf32, #tpu.memory_space<vmem>> -> memref<1x128x64xf32, #tpu.memory_space<vmem>>
      %dma_wait3A_1138 = tpu.memref_squeeze %dma_wait3A_1137 : memref<1x128x64xf32, #tpu.memory_space<vmem>> -> memref<128x64xf32, #tpu.memory_space<vmem>>
      %dma_wait3A_1139 = arith.constant 0 : i32
      %dma_wait3A_1140 = tpu.memref_slice %arg4[%add3A_1133, %dma_wait3A_1139] : memref<819200x64xf32, #tpu.memory_space<hbm>> -> memref<128x64xf32, #tpu.memory_space<hbm>>
      %dma_wait3A_1141 = arith.constant 0 : i32
      %dma_wait3A_1142 = tpu.memref_slice %arg4[%add3A_1133, %dma_wait3A_1141] : memref<819200x64xf32, #tpu.memory_space<hbm>> -> memref<128x64xf32, #tpu.memory_space<hbm>>
      %dma_wait3A_1143 = arith.constant 0 : i32
      %dma_wait3A_1144 = arith.constant 0 : i32
      %dma_wait3A_1145 = tpu.memref_slice %arg6[%dma_wait3A_1134, %dma_wait3A_1143, %dma_wait3A_1144] : memref<12x128x64xf32, #tpu.memory_space<vmem>> -> memref<1x128x64xf32, #tpu.memory_space<vmem>>
      %dma_wait3A_1146 = tpu.memref_squeeze %dma_wait3A_1145 : memref<1x128x64xf32, #tpu.memory_space<vmem>> -> memref<128x64xf32, #tpu.memory_space<vmem>>
      tpu.wait_dma2 semaphore(%arg20 : memref<!tpu.dma_semaphore, #tpu.memory_space<semaphore_mem>>) src(%dma_wait3A_1146 : memref<128x64xf32, #tpu.memory_space<vmem>>) dst(%dma_wait3A_1142 : memref<128x64xf32, #tpu.memory_space<hbm>>)
      %add3A_1147 = arith.constant 4 : i32
      %add3A_1148 = arith.addi %add3A_1100, %add3A_1147 : i32
      %dma_start3A_1149 = arith.constant 1 : i32
      %dma_start3A_1150 = arith.constant 0 : i32
      %dma_start3A_1151 = arith.constant 0 : i32
      %dma_start3A_1152 = tpu.memref_slice %arg6[%dma_start3A_1149, %dma_start3A_1150, %dma_start3A_1151] : memref<12x128x64xf32, #tpu.memory_space<vmem>> -> memref<1x128x64xf32, #tpu.memory_space<vmem>>
      %dma_start3A_1153 = tpu.memref_squeeze %dma_start3A_1152 : memref<1x128x64xf32, #tpu.memory_space<vmem>> -> memref<128x64xf32, #tpu.memory_space<vmem>>
      %dma_start3A_1154 = arith.constant 0 : i32
      %dma_start3A_1155 = tpu.memref_slice %arg5[%add3A_1148, %dma_start3A_1154] : memref<200x128xi32, #tpu.memory_space<vmem>> -> memref<1x128xi32, #tpu.memory_space<vmem>>
      %dma_start3A_1156 = tpu.memref_squeeze %dma_start3A_1155 : memref<1x128xi32, #tpu.memory_space<vmem>> -> memref<128xi32, #tpu.memory_space<vmem>>
      %dma_start3A_1157 = arith.constant 0 : i32
      %dma_start3A_1158 = arith.constant 0 : i32
      %dma_start3A_1159 = tpu.memref_slice %arg3[%dma_start3A_1157, %dma_start3A_1158] : memref<1000000x64xf32, #tpu.memory_space<hbm>> -> memref<1000000x64xf32, #tpu.memory_space<hbm>>
      tpu.enqueue_indirect_dma source(%dma_start3A_1159 : memref<1000000x64xf32, #tpu.memory_space<hbm>>) target(%dma_start3A_1153 : memref<128x64xf32, #tpu.memory_space<vmem>>) offsets(%dma_start3A_1156 : memref<128xi32, #tpu.memory_space<vmem>>) semaphore(%arg8 : memref<!tpu.dma_semaphore, #tpu.memory_space<semaphore_mem>>)
      %mul3A_1160 = arith.constant 12 : i32
      %mul3A_1161 = arith.muli %scan3A_1096, %mul3A_1160 : i32
      %add3A_1162 = arith.constant 1 : i32
      %add3A_1163 = arith.addi %mul3A_1161, %add3A_1162 : i32
      %dma_wait3A_1164 = arith.constant 3 : i32
      %dma_wait3A_1165 = arith.constant 0 : i32
      %dma_wait3A_1166 = arith.constant 0 : i32
      %dma_wait3A_1167 = tpu.memref_slice %arg6[%dma_wait3A_1164, %dma_wait3A_1165, %dma_wait3A_1166] : memref<12x128x64xf32, #tpu.memory_space<vmem>> -> memref<1x128x64xf32, #tpu.memory_space<vmem>>
      %dma_wait3A_1168 = tpu.memref_squeeze %dma_wait3A_1167 : memref<1x128x64xf32, #tpu.memory_space<vmem>> -> memref<128x64xf32, #tpu.memory_space<vmem>>
      %dma_wait3A_1169 = arith.constant 0 : i32
      %dma_wait3A_1170 = tpu.memref_slice %arg5[%add3A_1163, %dma_wait3A_1169] : memref<200x128xi32, #tpu.memory_space<vmem>> -> memref<1x128xi32, #tpu.memory_space<vmem>>
      %dma_wait3A_1171 = tpu.memref_squeeze %dma_wait3A_1170 : memref<1x128xi32, #tpu.memory_space<vmem>> -> memref<128xi32, #tpu.memory_space<vmem>>
      %dma_wait3A_1172 = arith.constant 0 : i32
      %dma_wait3A_1173 = arith.constant 0 : i32
      %dma_wait3A_1174 = tpu.memref_slice %arg3[%dma_wait3A_1172, %dma_wait3A_1173] : memref<1000000x64xf32, #tpu.memory_space<hbm>> -> memref<1000000x64xf32, #tpu.memory_space<hbm>>
      tpu.wait_indirect_dma semaphore(%arg10 : memref<!tpu.dma_semaphore, #tpu.memory_space<semaphore_mem>>) src(%dma_wait3A_1174 : memref<1000000x64xf32, #tpu.memory_space<hbm>>) dst(%dma_wait3A_1168 : memref<128x64xf32, #tpu.memory_space<vmem>>)
      %sub3A_1175 = arith.constant 4 : i32
      %sub3A_1176 = arith.subi %add3A_1163, %sub3A_1175 : i32
      %mul3A_1177 = arith.constant 128 : i32
      %mul3A_1178 = arith.muli %sub3A_1176, %mul3A_1177 : i32
      %add3A_1179 = arith.addi %mul3A_2, %mul3A_1178 : i32
      %dma_start3A_1180 = arith.constant 5 : i32
      %dma_start3A_1181 = arith.constant 0 : i32
      %dma_start3A_1182 = arith.constant 0 : i32
      %dma_start3A_1183 = tpu.memref_slice %arg6[%dma_start3A_1180, %dma_start3A_1181, %dma_start3A_1182] : memref<12x128x64xf32, #tpu.memory_space<vmem>> -> memref<1x128x64xf32, #tpu.memory_space<vmem>>
      %dma_start3A_1184 = tpu.memref_squeeze %dma_start3A_1183 : memref<1x128x64xf32, #tpu.memory_space<vmem>> -> memref<128x64xf32, #tpu.memory_space<vmem>>
      %dma_start3A_1185 = arith.constant 0 : i32
      %dma_start3A_1186 = tpu.memref_slice %arg4[%add3A_1179, %dma_start3A_1185] : memref<819200x64xf32, #tpu.memory_space<hbm>> -> memref<128x64xf32, #tpu.memory_space<hbm>>
      %dma_start3A_1187 = arith.constant 0 : i32
      %dma_start3A_1188 = tpu.memref_slice %arg4[%add3A_1179, %dma_start3A_1187] : memref<819200x64xf32, #tpu.memory_space<hbm>> -> memref<128x64xf32, #tpu.memory_space<hbm>>
      %dma_start3A_1189 = arith.constant 0 : i32
      %dma_start3A_1190 = arith.constant 0 : i32
      %dma_start3A_1191 = tpu.memref_slice %arg6[%dma_start3A_1180, %dma_start3A_1189, %dma_start3A_1190] : memref<12x128x64xf32, #tpu.memory_space<vmem>> -> memref<1x128x64xf32, #tpu.memory_space<vmem>>
      %dma_start3A_1192 = tpu.memref_squeeze %dma_start3A_1191 : memref<1x128x64xf32, #tpu.memory_space<vmem>> -> memref<128x64xf32, #tpu.memory_space<vmem>>
      tpu.enqueue_dma source(%dma_start3A_1192 : memref<128x64xf32, #tpu.memory_space<vmem>>) target(%dma_start3A_1188 : memref<128x64xf32, #tpu.memory_space<hbm>>) target_semaphore(%arg24 : memref<!tpu.dma_semaphore, #tpu.memory_space<semaphore_mem>>)
      %sub3A_1193 = arith.constant 8 : i32
      %sub3A_1194 = arith.subi %add3A_1163, %sub3A_1193 : i32
      %mul3A_1195 = arith.constant 128 : i32
      %mul3A_1196 = arith.muli %sub3A_1194, %mul3A_1195 : i32
      %add3A_1197 = arith.addi %mul3A_2, %mul3A_1196 : i32
      %dma_wait3A_1198 = arith.constant 4 : i32
      %dma_wait3A_1199 = arith.constant 0 : i32
      %dma_wait3A_1200 = arith.constant 0 : i32
      %dma_wait3A_1201 = tpu.memref_slice %arg6[%dma_wait3A_1198, %dma_wait3A_1199, %dma_wait3A_1200] : memref<12x128x64xf32, #tpu.memory_space<vmem>> -> memref<1x128x64xf32, #tpu.memory_space<vmem>>
      %dma_wait3A_1202 = tpu.memref_squeeze %dma_wait3A_1201 : memref<1x128x64xf32, #tpu.memory_space<vmem>> -> memref<128x64xf32, #tpu.memory_space<vmem>>
      %dma_wait3A_1203 = arith.constant 0 : i32
      %dma_wait3A_1204 = tpu.memref_slice %arg4[%add3A_1197, %dma_wait3A_1203] : memref<819200x64xf32, #tpu.memory_space<hbm>> -> memref<128x64xf32, #tpu.memory_space<hbm>>
      %dma_wait3A_1205 = arith.constant 0 : i32
      %dma_wait3A_1206 = tpu.memref_slice %arg4[%add3A_1197, %dma_wait3A_1205] : memref<819200x64xf32, #tpu.memory_space<hbm>> -> memref<128x64xf32, #tpu.memory_space<hbm>>
      %dma_wait3A_1207 = arith.constant 0 : i32
      %dma_wait3A_1208 = arith.constant 0 : i32
      %dma_wait3A_1209 = tpu.memref_slice %arg6[%dma_wait3A_1198, %dma_wait3A_1207, %dma_wait3A_1208] : memref<12x128x64xf32, #tpu.memory_space<vmem>> -> memref<1x128x64xf32, #tpu.memory_space<vmem>>
      %dma_wait3A_1210 = tpu.memref_squeeze %dma_wait3A_1209 : memref<1x128x64xf32, #tpu.memory_space<vmem>> -> memref<128x64xf32, #tpu.memory_space<vmem>>
      tpu.wait_dma2 semaphore(%arg23 : memref<!tpu.dma_semaphore, #tpu.memory_space<semaphore_mem>>) src(%dma_wait3A_1210 : memref<128x64xf32, #tpu.memory_space<vmem>>) dst(%dma_wait3A_1206 : memref<128x64xf32, #tpu.memory_space<hbm>>)
      %add3A_1211 = arith.constant 4 : i32
      %add3A_1212 = arith.addi %add3A_1163, %add3A_1211 : i32
      %dma_start3A_1213 = arith.constant 4 : i32
      %dma_start3A_1214 = arith.constant 0 : i32
      %dma_start3A_1215 = arith.constant 0 : i32
      %dma_start3A_1216 = tpu.memref_slice %arg6[%dma_start3A_1213, %dma_start3A_1214, %dma_start3A_1215] : memref<12x128x64xf32, #tpu.memory_space<vmem>> -> memref<1x128x64xf32, #tpu.memory_space<vmem>>
      %dma_start3A_1217 = tpu.memref_squeeze %dma_start3A_1216 : memref<1x128x64xf32, #tpu.memory_space<vmem>> -> memref<128x64xf32, #tpu.memory_space<vmem>>
      %dma_start3A_1218 = arith.constant 0 : i32
      %dma_start3A_1219 = tpu.memref_slice %arg5[%add3A_1212, %dma_start3A_1218] : memref<200x128xi32, #tpu.memory_space<vmem>> -> memref<1x128xi32, #tpu.memory_space<vmem>>
      %dma_start3A_1220 = tpu.memref_squeeze %dma_start3A_1219 : memref<1x128xi32, #tpu.memory_space<vmem>> -> memref<128xi32, #tpu.memory_space<vmem>>
      %dma_start3A_1221 = arith.constant 0 : i32
      %dma_start3A_1222 = arith.constant 0 : i32
      %dma_start3A_1223 = tpu.memref_slice %arg3[%dma_start3A_1221, %dma_start3A_1222] : memref<1000000x64xf32, #tpu.memory_space<hbm>> -> memref<1000000x64xf32, #tpu.memory_space<hbm>>
      tpu.enqueue_indirect_dma source(%dma_start3A_1223 : memref<1000000x64xf32, #tpu.memory_space<hbm>>) target(%dma_start3A_1217 : memref<128x64xf32, #tpu.memory_space<vmem>>) offsets(%dma_start3A_1220 : memref<128xi32, #tpu.memory_space<vmem>>) semaphore(%arg11 : memref<!tpu.dma_semaphore, #tpu.memory_space<semaphore_mem>>)
      %mul3A_1224 = arith.constant 12 : i32
      %mul3A_1225 = arith.muli %scan3A_1096, %mul3A_1224 : i32
      %add3A_1226 = arith.constant 2 : i32
      %add3A_1227 = arith.addi %mul3A_1225, %add3A_1226 : i32
      %dma_wait3A_1228 = arith.constant 6 : i32
      %dma_wait3A_1229 = arith.constant 0 : i32
      %dma_wait3A_1230 = arith.constant 0 : i32
      %dma_wait3A_1231 = tpu.memref_slice %arg6[%dma_wait3A_1228, %dma_wait3A_1229, %dma_wait3A_1230] : memref<12x128x64xf32, #tpu.memory_space<vmem>> -> memref<1x128x64xf32, #tpu.memory_space<vmem>>
      %dma_wait3A_1232 = tpu.memref_squeeze %dma_wait3A_1231 : memref<1x128x64xf32, #tpu.memory_space<vmem>> -> memref<128x64xf32, #tpu.memory_space<vmem>>
      %dma_wait3A_1233 = arith.constant 0 : i32
      %dma_wait3A_1234 = tpu.memref_slice %arg5[%add3A_1227, %dma_wait3A_1233] : memref<200x128xi32, #tpu.memory_space<vmem>> -> memref<1x128xi32, #tpu.memory_space<vmem>>
      %dma_wait3A_1235 = tpu.memref_squeeze %dma_wait3A_1234 : memref<1x128xi32, #tpu.memory_space<vmem>> -> memref<128xi32, #tpu.memory_space<vmem>>
      %dma_wait3A_1236 = arith.constant 0 : i32
      %dma_wait3A_1237 = arith.constant 0 : i32
      %dma_wait3A_1238 = tpu.memref_slice %arg3[%dma_wait3A_1236, %dma_wait3A_1237] : memref<1000000x64xf32, #tpu.memory_space<hbm>> -> memref<1000000x64xf32, #tpu.memory_space<hbm>>
      tpu.wait_indirect_dma semaphore(%arg13 : memref<!tpu.dma_semaphore, #tpu.memory_space<semaphore_mem>>) src(%dma_wait3A_1238 : memref<1000000x64xf32, #tpu.memory_space<hbm>>) dst(%dma_wait3A_1232 : memref<128x64xf32, #tpu.memory_space<vmem>>)
      %sub3A_1239 = arith.constant 4 : i32
      %sub3A_1240 = arith.subi %add3A_1227, %sub3A_1239 : i32
      %mul3A_1241 = arith.constant 128 : i32
      %mul3A_1242 = arith.muli %sub3A_1240, %mul3A_1241 : i32
      %add3A_1243 = arith.addi %mul3A_2, %mul3A_1242 : i32
      %dma_start3A_1244 = arith.constant 8 : i32
      %dma_start3A_1245 = arith.constant 0 : i32
      %dma_start3A_1246 = arith.constant 0 : i32
      %dma_start3A_1247 = tpu.memref_slice %arg6[%dma_start3A_1244, %dma_start3A_1245, %dma_start3A_1246] : memref<12x128x64xf32, #tpu.memory_space<vmem>> -> memref<1x128x64xf32, #tpu.memory_space<vmem>>
      %dma_start3A_1248 = tpu.memref_squeeze %dma_start3A_1247 : memref<1x128x64xf32, #tpu.memory_space<vmem>> -> memref<128x64xf32, #tpu.memory_space<vmem>>
      %dma_start3A_1249 = arith.constant 0 : i32
      %dma_start3A_1250 = tpu.memref_slice %arg4[%add3A_1243, %dma_start3A_1249] : memref<819200x64xf32, #tpu.memory_space<hbm>> -> memref<128x64xf32, #tpu.memory_space<hbm>>
      %dma_start3A_1251 = arith.constant 0 : i32
      %dma_start3A_1252 = tpu.memref_slice %arg4[%add3A_1243, %dma_start3A_1251] : memref<819200x64xf32, #tpu.memory_space<hbm>> -> memref<128x64xf32, #tpu.memory_space<hbm>>
      %dma_start3A_1253 = arith.constant 0 : i32
      %dma_start3A_1254 = arith.constant 0 : i32
      %dma_start3A_1255 = tpu.memref_slice %arg6[%dma_start3A_1244, %dma_start3A_1253, %dma_start3A_1254] : memref<12x128x64xf32, #tpu.memory_space<vmem>> -> memref<1x128x64xf32, #tpu.memory_space<vmem>>
      %dma_start3A_1256 = tpu.memref_squeeze %dma_start3A_1255 : memref<1x128x64xf32, #tpu.memory_space<vmem>> -> memref<128x64xf32, #tpu.memory_space<vmem>>
      tpu.enqueue_dma source(%dma_start3A_1256 : memref<128x64xf32, #tpu.memory_space<vmem>>) target(%dma_start3A_1252 : memref<128x64xf32, #tpu.memory_space<hbm>>) target_semaphore(%arg27 : memref<!tpu.dma_semaphore, #tpu.memory_space<semaphore_mem>>)
      %sub3A_1257 = arith.constant 8 : i32
      %sub3A_1258 = arith.subi %add3A_1227, %sub3A_1257 : i32
      %mul3A_1259 = arith.constant 128 : i32
      %mul3A_1260 = arith.muli %sub3A_1258, %mul3A_1259 : i32
      %add3A_1261 = arith.addi %mul3A_2, %mul3A_1260 : i32
      %dma_wait3A_1262 = arith.constant 7 : i32
      %dma_wait3A_1263 = arith.constant 0 : i32
      %dma_wait3A_1264 = arith.constant 0 : i32
      %dma_wait3A_1265 = tpu.memref_slice %arg6[%dma_wait3A_1262, %dma_wait3A_1263, %dma_wait3A_1264] : memref<12x128x64xf32, #tpu.memory_space<vmem>> -> memref<1x128x64xf32, #tpu.memory_space<vmem>>
      %dma_wait3A_1266 = tpu.memref_squeeze %dma_wait3A_1265 : memref<1x128x64xf32, #tpu.memory_space<vmem>> -> memref<128x64xf32, #tpu.memory_space<vmem>>
      %dma_wait3A_1267 = arith.constant 0 : i32
      %dma_wait3A_1268 = tpu.memref_slice %arg4[%add3A_1261, %dma_wait3A_1267] : memref<819200x64xf32, #tpu.memory_space<hbm>> -> memref<128x64xf32, #tpu.memory_space<hbm>>
      %dma_wait3A_1269 = arith.constant 0 : i32
      %dma_wait3A_1270 = tpu.memref_slice %arg4[%add3A_1261, %dma_wait3A_1269] : memref<819200x64xf32, #tpu.memory_space<hbm>> -> memref<128x64xf32, #tpu.memory_space<hbm>>
      %dma_wait3A_1271 = arith.constant 0 : i32
      %dma_wait3A_1272 = arith.constant 0 : i32
      %dma_wait3A_1273 = tpu.memref_slice %arg6[%dma_wait3A_1262, %dma_wait3A_1271, %dma_wait3A_1272] : memref<12x128x64xf32, #tpu.memory_space<vmem>> -> memref<1x128x64xf32, #tpu.memory_space<vmem>>
      %dma_wait3A_1274 = tpu.memref_squeeze %dma_wait3A_1273 : memref<1x128x64xf32, #tpu.memory_space<vmem>> -> memref<128x64xf32, #tpu.memory_space<vmem>>
      tpu.wait_dma2 semaphore(%arg26 : memref<!tpu.dma_semaphore, #tpu.memory_space<semaphore_mem>>) src(%dma_wait3A_1274 : memref<128x64xf32, #tpu.memory_space<vmem>>) dst(%dma_wait3A_1270 : memref<128x64xf32, #tpu.memory_space<hbm>>)
      %add3A_1275 = arith.constant 4 : i32
      %add3A_1276 = arith.addi %add3A_1227, %add3A_1275 : i32
      %dma_start3A_1277 = arith.constant 7 : i32
      %dma_start3A_1278 = arith.constant 0 : i32
      %dma_start3A_1279 = arith.constant 0 : i32
      %dma_start3A_1280 = tpu.memref_slice %arg6[%dma_start3A_1277, %dma_start3A_1278, %dma_start3A_1279] : memref<12x128x64xf32, #tpu.memory_space<vmem>> -> memref<1x128x64xf32, #tpu.memory_space<vmem>>
      %dma_start3A_1281 = tpu.memref_squeeze %dma_start3A_1280 : memref<1x128x64xf32, #tpu.memory_space<vmem>> -> memref<128x64xf32, #tpu.memory_space<vmem>>
      %dma_start3A_1282 = arith.constant 0 : i32
      %dma_start3A_1283 = tpu.memref_slice %arg5[%add3A_1276, %dma_start3A_1282] : memref<200x128xi32, #tpu.memory_space<vmem>> -> memref<1x128xi32, #tpu.memory_space<vmem>>
      %dma_start3A_1284 = tpu.memref_squeeze %dma_start3A_1283 : memref<1x128xi32, #tpu.memory_space<vmem>> -> memref<128xi32, #tpu.memory_space<vmem>>
      %dma_start3A_1285 = arith.constant 0 : i32
      %dma_start3A_1286 = arith.constant 0 : i32
      %dma_start3A_1287 = tpu.memref_slice %arg3[%dma_start3A_1285, %dma_start3A_1286] : memref<1000000x64xf32, #tpu.memory_space<hbm>> -> memref<1000000x64xf32, #tpu.memory_space<hbm>>
      tpu.enqueue_indirect_dma source(%dma_start3A_1287 : memref<1000000x64xf32, #tpu.memory_space<hbm>>) target(%dma_start3A_1281 : memref<128x64xf32, #tpu.memory_space<vmem>>) offsets(%dma_start3A_1284 : memref<128xi32, #tpu.memory_space<vmem>>) semaphore(%arg14 : memref<!tpu.dma_semaphore, #tpu.memory_space<semaphore_mem>>)
      %mul3A_1288 = arith.constant 12 : i32
      %mul3A_1289 = arith.muli %scan3A_1096, %mul3A_1288 : i32
      %add3A_1290 = arith.constant 3 : i32
      %add3A_1291 = arith.addi %mul3A_1289, %add3A_1290 : i32
      %dma_wait3A_1292 = arith.constant 9 : i32
      %dma_wait3A_1293 = arith.constant 0 : i32
      %dma_wait3A_1294 = arith.constant 0 : i32
      %dma_wait3A_1295 = tpu.memref_slice %arg6[%dma_wait3A_1292, %dma_wait3A_1293, %dma_wait3A_1294] : memref<12x128x64xf32, #tpu.memory_space<vmem>> -> memref<1x128x64xf32, #tpu.memory_space<vmem>>
      %dma_wait3A_1296 = tpu.memref_squeeze %dma_wait3A_1295 : memref<1x128x64xf32, #tpu.memory_space<vmem>> -> memref<128x64xf32, #tpu.memory_space<vmem>>
      %dma_wait3A_1297 = arith.constant 0 : i32
      %dma_wait3A_1298 = tpu.memref_slice %arg5[%add3A_1291, %dma_wait3A_1297] : memref<200x128xi32, #tpu.memory_space<vmem>> -> memref<1x128xi32, #tpu.memory_space<vmem>>
      %dma_wait3A_1299 = tpu.memref_squeeze %dma_wait3A_1298 : memref<1x128xi32, #tpu.memory_space<vmem>> -> memref<128xi32, #tpu.memory_space<vmem>>
      %dma_wait3A_1300 = arith.constant 0 : i32
      %dma_wait3A_1301 = arith.constant 0 : i32
      %dma_wait3A_1302 = tpu.memref_slice %arg3[%dma_wait3A_1300, %dma_wait3A_1301] : memref<1000000x64xf32, #tpu.memory_space<hbm>> -> memref<1000000x64xf32, #tpu.memory_space<hbm>>
      tpu.wait_indirect_dma semaphore(%arg16 : memref<!tpu.dma_semaphore, #tpu.memory_space<semaphore_mem>>) src(%dma_wait3A_1302 : memref<1000000x64xf32, #tpu.memory_space<hbm>>) dst(%dma_wait3A_1296 : memref<128x64xf32, #tpu.memory_space<vmem>>)
      %sub3A_1303 = arith.constant 4 : i32
      %sub3A_1304 = arith.subi %add3A_1291, %sub3A_1303 : i32
      %mul3A_1305 = arith.constant 128 : i32
      %mul3A_1306 = arith.muli %sub3A_1304, %mul3A_1305 : i32
      %add3A_1307 = arith.addi %mul3A_2, %mul3A_1306 : i32
      %dma_start3A_1308 = arith.constant 11 : i32
      %dma_start3A_1309 = arith.constant 0 : i32
      %dma_start3A_1310 = arith.constant 0 : i32
      %dma_start3A_1311 = tpu.memref_slice %arg6[%dma_start3A_1308, %dma_start3A_1309, %dma_start3A_1310] : memref<12x128x64xf32, #tpu.memory_space<vmem>> -> memref<1x128x64xf32, #tpu.memory_space<vmem>>
      %dma_start3A_1312 = tpu.memref_squeeze %dma_start3A_1311 : memref<1x128x64xf32, #tpu.memory_space<vmem>> -> memref<128x64xf32, #tpu.memory_space<vmem>>
      %dma_start3A_1313 = arith.constant 0 : i32
      %dma_start3A_1314 = tpu.memref_slice %arg4[%add3A_1307, %dma_start3A_1313] : memref<819200x64xf32, #tpu.memory_space<hbm>> -> memref<128x64xf32, #tpu.memory_space<hbm>>
      %dma_start3A_1315 = arith.constant 0 : i32
      %dma_start3A_1316 = tpu.memref_slice %arg4[%add3A_1307, %dma_start3A_1315] : memref<819200x64xf32, #tpu.memory_space<hbm>> -> memref<128x64xf32, #tpu.memory_space<hbm>>
      %dma_start3A_1317 = arith.constant 0 : i32
      %dma_start3A_1318 = arith.constant 0 : i32
      %dma_start3A_1319 = tpu.memref_slice %arg6[%dma_start3A_1308, %dma_start3A_1317, %dma_start3A_1318] : memref<12x128x64xf32, #tpu.memory_space<vmem>> -> memref<1x128x64xf32, #tpu.memory_space<vmem>>
      %dma_start3A_1320 = tpu.memref_squeeze %dma_start3A_1319 : memref<1x128x64xf32, #tpu.memory_space<vmem>> -> memref<128x64xf32, #tpu.memory_space<vmem>>
      tpu.enqueue_dma source(%dma_start3A_1320 : memref<128x64xf32, #tpu.memory_space<vmem>>) target(%dma_start3A_1316 : memref<128x64xf32, #tpu.memory_space<hbm>>) target_semaphore(%arg30 : memref<!tpu.dma_semaphore, #tpu.memory_space<semaphore_mem>>)
      %sub3A_1321 = arith.constant 8 : i32
      %sub3A_1322 = arith.subi %add3A_1291, %sub3A_1321 : i32
      %mul3A_1323 = arith.constant 128 : i32
      %mul3A_1324 = arith.muli %sub3A_1322, %mul3A_1323 : i32
      %add3A_1325 = arith.addi %mul3A_2, %mul3A_1324 : i32
      %dma_wait3A_1326 = arith.constant 10 : i32
      %dma_wait3A_1327 = arith.constant 0 : i32
      %dma_wait3A_1328 = arith.constant 0 : i32
      %dma_wait3A_1329 = tpu.memref_slice %arg6[%dma_wait3A_1326, %dma_wait3A_1327, %dma_wait3A_1328] : memref<12x128x64xf32, #tpu.memory_space<vmem>> -> memref<1x128x64xf32, #tpu.memory_space<vmem>>
      %dma_wait3A_1330 = tpu.memref_squeeze %dma_wait3A_1329 : memref<1x128x64xf32, #tpu.memory_space<vmem>> -> memref<128x64xf32, #tpu.memory_space<vmem>>
      %dma_wait3A_1331 = arith.constant 0 : i32
      %dma_wait3A_1332 = tpu.memref_slice %arg4[%add3A_1325, %dma_wait3A_1331] : memref<819200x64xf32, #tpu.memory_space<hbm>> -> memref<128x64xf32, #tpu.memory_space<hbm>>
      %dma_wait3A_1333 = arith.constant 0 : i32
      %dma_wait3A_1334 = tpu.memref_slice %arg4[%add3A_1325, %dma_wait3A_1333] : memref<819200x64xf32, #tpu.memory_space<hbm>> -> memref<128x64xf32, #tpu.memory_space<hbm>>
      %dma_wait3A_1335 = arith.constant 0 : i32
      %dma_wait3A_1336 = arith.constant 0 : i32
      %dma_wait3A_1337 = tpu.memref_slice %arg6[%dma_wait3A_1326, %dma_wait3A_1335, %dma_wait3A_1336] : memref<12x128x64xf32, #tpu.memory_space<vmem>> -> memref<1x128x64xf32, #tpu.memory_space<vmem>>
      %dma_wait3A_1338 = tpu.memref_squeeze %dma_wait3A_1337 : memref<1x128x64xf32, #tpu.memory_space<vmem>> -> memref<128x64xf32, #tpu.memory_space<vmem>>
      tpu.wait_dma2 semaphore(%arg29 : memref<!tpu.dma_semaphore, #tpu.memory_space<semaphore_mem>>) src(%dma_wait3A_1338 : memref<128x64xf32, #tpu.memory_space<vmem>>) dst(%dma_wait3A_1334 : memref<128x64xf32, #tpu.memory_space<hbm>>)
      %add3A_1339 = arith.constant 4 : i32
      %add3A_1340 = arith.addi %add3A_1291, %add3A_1339 : i32
      %dma_start3A_1341 = arith.constant 10 : i32
      %dma_start3A_1342 = arith.constant 0 : i32
      %dma_start3A_1343 = arith.constant 0 : i32
      %dma_start3A_1344 = tpu.memref_slice %arg6[%dma_start3A_1341, %dma_start3A_1342, %dma_start3A_1343] : memref<12x128x64xf32, #tpu.memory_space<vmem>> -> memref<1x128x64xf32, #tpu.memory_space<vmem>>
      %dma_start3A_1345 = tpu.memref_squeeze %dma_start3A_1344 : memref<1x128x64xf32, #tpu.memory_space<vmem>> -> memref<128x64xf32, #tpu.memory_space<vmem>>
      %dma_start3A_1346 = arith.constant 0 : i32
      %dma_start3A_1347 = tpu.memref_slice %arg5[%add3A_1340, %dma_start3A_1346] : memref<200x128xi32, #tpu.memory_space<vmem>> -> memref<1x128xi32, #tpu.memory_space<vmem>>
      %dma_start3A_1348 = tpu.memref_squeeze %dma_start3A_1347 : memref<1x128xi32, #tpu.memory_space<vmem>> -> memref<128xi32, #tpu.memory_space<vmem>>
      %dma_start3A_1349 = arith.constant 0 : i32
      %dma_start3A_1350 = arith.constant 0 : i32
      %dma_start3A_1351 = tpu.memref_slice %arg3[%dma_start3A_1349, %dma_start3A_1350] : memref<1000000x64xf32, #tpu.memory_space<hbm>> -> memref<1000000x64xf32, #tpu.memory_space<hbm>>
      tpu.enqueue_indirect_dma source(%dma_start3A_1351 : memref<1000000x64xf32, #tpu.memory_space<hbm>>) target(%dma_start3A_1345 : memref<128x64xf32, #tpu.memory_space<vmem>>) offsets(%dma_start3A_1348 : memref<128xi32, #tpu.memory_space<vmem>>) semaphore(%arg17 : memref<!tpu.dma_semaphore, #tpu.memory_space<semaphore_mem>>)
      %mul3A_1352 = arith.constant 12 : i32
      %mul3A_1353 = arith.muli %scan3A_1096, %mul3A_1352 : i32
      %add3A_1354 = arith.constant 4 : i32
      %add3A_1355 = arith.addi %mul3A_1353, %add3A_1354 : i32
      %dma_wait3A_1356 = arith.constant 1 : i32
      %dma_wait3A_1357 = arith.constant 0 : i32
      %dma_wait3A_1358 = arith.constant 0 : i32
      %dma_wait3A_1359 = tpu.memref_slice %arg6[%dma_wait3A_1356, %dma_wait3A_1357, %dma_wait3A_1358] : memref<12x128x64xf32, #tpu.memory_space<vmem>> -> memref<1x128x64xf32, #tpu.memory_space<vmem>>
      %dma_wait3A_1360 = tpu.memref_squeeze %dma_wait3A_1359 : memref<1x128x64xf32, #tpu.memory_space<vmem>> -> memref<128x64xf32, #tpu.memory_space<vmem>>
      %dma_wait3A_1361 = arith.constant 0 : i32
      %dma_wait3A_1362 = tpu.memref_slice %arg5[%add3A_1355, %dma_wait3A_1361] : memref<200x128xi32, #tpu.memory_space<vmem>> -> memref<1x128xi32, #tpu.memory_space<vmem>>
      %dma_wait3A_1363 = tpu.memref_squeeze %dma_wait3A_1362 : memref<1x128xi32, #tpu.memory_space<vmem>> -> memref<128xi32, #tpu.memory_space<vmem>>
      %dma_wait3A_1364 = arith.constant 0 : i32
      %dma_wait3A_1365 = arith.constant 0 : i32
      %dma_wait3A_1366 = tpu.memref_slice %arg3[%dma_wait3A_1364, %dma_wait3A_1365] : memref<1000000x64xf32, #tpu.memory_space<hbm>> -> memref<1000000x64xf32, #tpu.memory_space<hbm>>
      tpu.wait_indirect_dma semaphore(%arg8 : memref<!tpu.dma_semaphore, #tpu.memory_space<semaphore_mem>>) src(%dma_wait3A_1366 : memref<1000000x64xf32, #tpu.memory_space<hbm>>) dst(%dma_wait3A_1360 : memref<128x64xf32, #tpu.memory_space<vmem>>)
      %sub3A_1367 = arith.constant 4 : i32
      %sub3A_1368 = arith.subi %add3A_1355, %sub3A_1367 : i32
      %mul3A_1369 = arith.constant 128 : i32
      %mul3A_1370 = arith.muli %sub3A_1368, %mul3A_1369 : i32
      %add3A_1371 = arith.addi %mul3A_2, %mul3A_1370 : i32
      %dma_start3A_1372 = arith.constant 0 : i32
      %dma_start3A_1373 = arith.constant 0 : i32
      %dma_start3A_1374 = arith.constant 0 : i32
      %dma_start3A_1375 = tpu.memref_slice %arg6[%dma_start3A_1372, %dma_start3A_1373, %dma_start3A_1374] : memref<12x128x64xf32, #tpu.memory_space<vmem>> -> memref<1x128x64xf32, #tpu.memory_space<vmem>>
      %dma_start3A_1376 = tpu.memref_squeeze %dma_start3A_1375 : memref<1x128x64xf32, #tpu.memory_space<vmem>> -> memref<128x64xf32, #tpu.memory_space<vmem>>
      %dma_start3A_1377 = arith.constant 0 : i32
      %dma_start3A_1378 = tpu.memref_slice %arg4[%add3A_1371, %dma_start3A_1377] : memref<819200x64xf32, #tpu.memory_space<hbm>> -> memref<128x64xf32, #tpu.memory_space<hbm>>
      %dma_start3A_1379 = arith.constant 0 : i32
      %dma_start3A_1380 = tpu.memref_slice %arg4[%add3A_1371, %dma_start3A_1379] : memref<819200x64xf32, #tpu.memory_space<hbm>> -> memref<128x64xf32, #tpu.memory_space<hbm>>
      %dma_start3A_1381 = arith.constant 0 : i32
      %dma_start3A_1382 = arith.constant 0 : i32
      %dma_start3A_1383 = tpu.memref_slice %arg6[%dma_start3A_1372, %dma_start3A_1381, %dma_start3A_1382] : memref<12x128x64xf32, #tpu.memory_space<vmem>> -> memref<1x128x64xf32, #tpu.memory_space<vmem>>
      %dma_start3A_1384 = tpu.memref_squeeze %dma_start3A_1383 : memref<1x128x64xf32, #tpu.memory_space<vmem>> -> memref<128x64xf32, #tpu.memory_space<vmem>>
      tpu.enqueue_dma source(%dma_start3A_1384 : memref<128x64xf32, #tpu.memory_space<vmem>>) target(%dma_start3A_1380 : memref<128x64xf32, #tpu.memory_space<hbm>>) target_semaphore(%arg19 : memref<!tpu.dma_semaphore, #tpu.memory_space<semaphore_mem>>)
      %sub3A_1385 = arith.constant 8 : i32
      %sub3A_1386 = arith.subi %add3A_1355, %sub3A_1385 : i32
      %mul3A_1387 = arith.constant 128 : i32
      %mul3A_1388 = arith.muli %sub3A_1386, %mul3A_1387 : i32
      %add3A_1389 = arith.addi %mul3A_2, %mul3A_1388 : i32
      %dma_wait3A_1390 = arith.constant 2 : i32
      %dma_wait3A_1391 = arith.constant 0 : i32
      %dma_wait3A_1392 = arith.constant 0 : i32
      %dma_wait3A_1393 = tpu.memref_slice %arg6[%dma_wait3A_1390, %dma_wait3A_1391, %dma_wait3A_1392] : memref<12x128x64xf32, #tpu.memory_space<vmem>> -> memref<1x128x64xf32, #tpu.memory_space<vmem>>
      %dma_wait3A_1394 = tpu.memref_squeeze %dma_wait3A_1393 : memref<1x128x64xf32, #tpu.memory_space<vmem>> -> memref<128x64xf32, #tpu.memory_space<vmem>>
      %dma_wait3A_1395 = arith.constant 0 : i32
      %dma_wait3A_1396 = tpu.memref_slice %arg4[%add3A_1389, %dma_wait3A_1395] : memref<819200x64xf32, #tpu.memory_space<hbm>> -> memref<128x64xf32, #tpu.memory_space<hbm>>
      %dma_wait3A_1397 = arith.constant 0 : i32
      %dma_wait3A_1398 = tpu.memref_slice %arg4[%add3A_1389, %dma_wait3A_1397] : memref<819200x64xf32, #tpu.memory_space<hbm>> -> memref<128x64xf32, #tpu.memory_space<hbm>>
      %dma_wait3A_1399 = arith.constant 0 : i32
      %dma_wait3A_1400 = arith.constant 0 : i32
      %dma_wait3A_1401 = tpu.memref_slice %arg6[%dma_wait3A_1390, %dma_wait3A_1399, %dma_wait3A_1400] : memref<12x128x64xf32, #tpu.memory_space<vmem>> -> memref<1x128x64xf32, #tpu.memory_space<vmem>>
      %dma_wait3A_1402 = tpu.memref_squeeze %dma_wait3A_1401 : memref<1x128x64xf32, #tpu.memory_space<vmem>> -> memref<128x64xf32, #tpu.memory_space<vmem>>
      tpu.wait_dma2 semaphore(%arg21 : memref<!tpu.dma_semaphore, #tpu.memory_space<semaphore_mem>>) src(%dma_wait3A_1402 : memref<128x64xf32, #tpu.memory_space<vmem>>) dst(%dma_wait3A_1398 : memref<128x64xf32, #tpu.memory_space<hbm>>)
      %add3A_1403 = arith.constant 4 : i32
      %add3A_1404 = arith.addi %add3A_1355, %add3A_1403 : i32
      %dma_start3A_1405 = arith.constant 2 : i32
      %dma_start3A_1406 = arith.constant 0 : i32
      %dma_start3A_1407 = arith.constant 0 : i32
      %dma_start3A_1408 = tpu.memref_slice %arg6[%dma_start3A_1405, %dma_start3A_1406, %dma_start3A_1407] : memref<12x128x64xf32, #tpu.memory_space<vmem>> -> memref<1x128x64xf32, #tpu.memory_space<vmem>>
      %dma_start3A_1409 = tpu.memref_squeeze %dma_start3A_1408 : memref<1x128x64xf32, #tpu.memory_space<vmem>> -> memref<128x64xf32, #tpu.memory_space<vmem>>
      %dma_start3A_1410 = arith.constant 0 : i32
      %dma_start3A_1411 = tpu.memref_slice %arg5[%add3A_1404, %dma_start3A_1410] : memref<200x128xi32, #tpu.memory_space<vmem>> -> memref<1x128xi32, #tpu.memory_space<vmem>>
      %dma_start3A_1412 = tpu.memref_squeeze %dma_start3A_1411 : memref<1x128xi32, #tpu.memory_space<vmem>> -> memref<128xi32, #tpu.memory_space<vmem>>
      %dma_start3A_1413 = arith.constant 0 : i32
      %dma_start3A_1414 = arith.constant 0 : i32
      %dma_start3A_1415 = tpu.memref_slice %arg3[%dma_start3A_1413, %dma_start3A_1414] : memref<1000000x64xf32, #tpu.memory_space<hbm>> -> memref<1000000x64xf32, #tpu.memory_space<hbm>>
      tpu.enqueue_indirect_dma source(%dma_start3A_1415 : memref<1000000x64xf32, #tpu.memory_space<hbm>>) target(%dma_start3A_1409 : memref<128x64xf32, #tpu.memory_space<vmem>>) offsets(%dma_start3A_1412 : memref<128xi32, #tpu.memory_space<vmem>>) semaphore(%arg9 : memref<!tpu.dma_semaphore, #tpu.memory_space<semaphore_mem>>)
      %mul3A_1416 = arith.constant 12 : i32
      %mul3A_1417 = arith.muli %scan3A_1096, %mul3A_1416 : i32
      %add3A_1418 = arith.constant 5 : i32
      %add3A_1419 = arith.addi %mul3A_1417, %add3A_1418 : i32
      %dma_wait3A_1420 = arith.constant 4 : i32
      %dma_wait3A_1421 = arith.constant 0 : i32
      %dma_wait3A_1422 = arith.constant 0 : i32
      %dma_wait3A_1423 = tpu.memref_slice %arg6[%dma_wait3A_1420, %dma_wait3A_1421, %dma_wait3A_1422] : memref<12x128x64xf32, #tpu.memory_space<vmem>> -> memref<1x128x64xf32, #tpu.memory_space<vmem>>
      %dma_wait3A_1424 = tpu.memref_squeeze %dma_wait3A_1423 : memref<1x128x64xf32, #tpu.memory_space<vmem>> -> memref<128x64xf32, #tpu.memory_space<vmem>>
      %dma_wait3A_1425 = arith.constant 0 : i32
      %dma_wait3A_1426 = tpu.memref_slice %arg5[%add3A_1419, %dma_wait3A_1425] : memref<200x128xi32, #tpu.memory_space<vmem>> -> memref<1x128xi32, #tpu.memory_space<vmem>>
      %dma_wait3A_1427 = tpu.memref_squeeze %dma_wait3A_1426 : memref<1x128xi32, #tpu.memory_space<vmem>> -> memref<128xi32, #tpu.memory_space<vmem>>
      %dma_wait3A_1428 = arith.constant 0 : i32
      %dma_wait3A_1429 = arith.constant 0 : i32
      %dma_wait3A_1430 = tpu.memref_slice %arg3[%dma_wait3A_1428, %dma_wait3A_1429] : memref<1000000x64xf32, #tpu.memory_space<hbm>> -> memref<1000000x64xf32, #tpu.memory_space<hbm>>
      tpu.wait_indirect_dma semaphore(%arg11 : memref<!tpu.dma_semaphore, #tpu.memory_space<semaphore_mem>>) src(%dma_wait3A_1430 : memref<1000000x64xf32, #tpu.memory_space<hbm>>) dst(%dma_wait3A_1424 : memref<128x64xf32, #tpu.memory_space<vmem>>)
      %sub3A_1431 = arith.constant 4 : i32
      %sub3A_1432 = arith.subi %add3A_1419, %sub3A_1431 : i32
      %mul3A_1433 = arith.constant 128 : i32
      %mul3A_1434 = arith.muli %sub3A_1432, %mul3A_1433 : i32
      %add3A_1435 = arith.addi %mul3A_2, %mul3A_1434 : i32
      %dma_start3A_1436 = arith.constant 3 : i32
      %dma_start3A_1437 = arith.constant 0 : i32
      %dma_start3A_1438 = arith.constant 0 : i32
      %dma_start3A_1439 = tpu.memref_slice %arg6[%dma_start3A_1436, %dma_start3A_1437, %dma_start3A_1438] : memref<12x128x64xf32, #tpu.memory_space<vmem>> -> memref<1x128x64xf32, #tpu.memory_space<vmem>>
      %dma_start3A_1440 = tpu.memref_squeeze %dma_start3A_1439 : memref<1x128x64xf32, #tpu.memory_space<vmem>> -> memref<128x64xf32, #tpu.memory_space<vmem>>
      %dma_start3A_1441 = arith.constant 0 : i32
      %dma_start3A_1442 = tpu.memref_slice %arg4[%add3A_1435, %dma_start3A_1441] : memref<819200x64xf32, #tpu.memory_space<hbm>> -> memref<128x64xf32, #tpu.memory_space<hbm>>
      %dma_start3A_1443 = arith.constant 0 : i32
      %dma_start3A_1444 = tpu.memref_slice %arg4[%add3A_1435, %dma_start3A_1443] : memref<819200x64xf32, #tpu.memory_space<hbm>> -> memref<128x64xf32, #tpu.memory_space<hbm>>
      %dma_start3A_1445 = arith.constant 0 : i32
      %dma_start3A_1446 = arith.constant 0 : i32
      %dma_start3A_1447 = tpu.memref_slice %arg6[%dma_start3A_1436, %dma_start3A_1445, %dma_start3A_1446] : memref<12x128x64xf32, #tpu.memory_space<vmem>> -> memref<1x128x64xf32, #tpu.memory_space<vmem>>
      %dma_start3A_1448 = tpu.memref_squeeze %dma_start3A_1447 : memref<1x128x64xf32, #tpu.memory_space<vmem>> -> memref<128x64xf32, #tpu.memory_space<vmem>>
      tpu.enqueue_dma source(%dma_start3A_1448 : memref<128x64xf32, #tpu.memory_space<vmem>>) target(%dma_start3A_1444 : memref<128x64xf32, #tpu.memory_space<hbm>>) target_semaphore(%arg22 : memref<!tpu.dma_semaphore, #tpu.memory_space<semaphore_mem>>)
      %sub3A_1449 = arith.constant 8 : i32
      %sub3A_1450 = arith.subi %add3A_1419, %sub3A_1449 : i32
      %mul3A_1451 = arith.constant 128 : i32
      %mul3A_1452 = arith.muli %sub3A_1450, %mul3A_1451 : i32
      %add3A_1453 = arith.addi %mul3A_2, %mul3A_1452 : i32
      %dma_wait3A_1454 = arith.constant 5 : i32
      %dma_wait3A_1455 = arith.constant 0 : i32
      %dma_wait3A_1456 = arith.constant 0 : i32
      %dma_wait3A_1457 = tpu.memref_slice %arg6[%dma_wait3A_1454, %dma_wait3A_1455, %dma_wait3A_1456] : memref<12x128x64xf32, #tpu.memory_space<vmem>> -> memref<1x128x64xf32, #tpu.memory_space<vmem>>
      %dma_wait3A_1458 = tpu.memref_squeeze %dma_wait3A_1457 : memref<1x128x64xf32, #tpu.memory_space<vmem>> -> memref<128x64xf32, #tpu.memory_space<vmem>>
      %dma_wait3A_1459 = arith.constant 0 : i32
      %dma_wait3A_1460 = tpu.memref_slice %arg4[%add3A_1453, %dma_wait3A_1459] : memref<819200x64xf32, #tpu.memory_space<hbm>> -> memref<128x64xf32, #tpu.memory_space<hbm>>
      %dma_wait3A_1461 = arith.constant 0 : i32
      %dma_wait3A_1462 = tpu.memref_slice %arg4[%add3A_1453, %dma_wait3A_1461] : memref<819200x64xf32, #tpu.memory_space<hbm>> -> memref<128x64xf32, #tpu.memory_space<hbm>>
      %dma_wait3A_1463 = arith.constant 0 : i32
      %dma_wait3A_1464 = arith.constant 0 : i32
      %dma_wait3A_1465 = tpu.memref_slice %arg6[%dma_wait3A_1454, %dma_wait3A_1463, %dma_wait3A_1464] : memref<12x128x64xf32, #tpu.memory_space<vmem>> -> memref<1x128x64xf32, #tpu.memory_space<vmem>>
      %dma_wait3A_1466 = tpu.memref_squeeze %dma_wait3A_1465 : memref<1x128x64xf32, #tpu.memory_space<vmem>> -> memref<128x64xf32, #tpu.memory_space<vmem>>
      tpu.wait_dma2 semaphore(%arg24 : memref<!tpu.dma_semaphore, #tpu.memory_space<semaphore_mem>>) src(%dma_wait3A_1466 : memref<128x64xf32, #tpu.memory_space<vmem>>) dst(%dma_wait3A_1462 : memref<128x64xf32, #tpu.memory_space<hbm>>)
      %add3A_1467 = arith.constant 4 : i32
      %add3A_1468 = arith.addi %add3A_1419, %add3A_1467 : i32
      %dma_start3A_1469 = arith.constant 5 : i32
      %dma_start3A_1470 = arith.constant 0 : i32
      %dma_start3A_1471 = arith.constant 0 : i32
      %dma_start3A_1472 = tpu.memref_slice %arg6[%dma_start3A_1469, %dma_start3A_1470, %dma_start3A_1471] : memref<12x128x64xf32, #tpu.memory_space<vmem>> -> memref<1x128x64xf32, #tpu.memory_space<vmem>>
      %dma_start3A_1473 = tpu.memref_squeeze %dma_start3A_1472 : memref<1x128x64xf32, #tpu.memory_space<vmem>> -> memref<128x64xf32, #tpu.memory_space<vmem>>
      %dma_start3A_1474 = arith.constant 0 : i32
      %dma_start3A_1475 = tpu.memref_slice %arg5[%add3A_1468, %dma_start3A_1474] : memref<200x128xi32, #tpu.memory_space<vmem>> -> memref<1x128xi32, #tpu.memory_space<vmem>>
      %dma_start3A_1476 = tpu.memref_squeeze %dma_start3A_1475 : memref<1x128xi32, #tpu.memory_space<vmem>> -> memref<128xi32, #tpu.memory_space<vmem>>
      %dma_start3A_1477 = arith.constant 0 : i32
      %dma_start3A_1478 = arith.constant 0 : i32
      %dma_start3A_1479 = tpu.memref_slice %arg3[%dma_start3A_1477, %dma_start3A_1478] : memref<1000000x64xf32, #tpu.memory_space<hbm>> -> memref<1000000x64xf32, #tpu.memory_space<hbm>>
      tpu.enqueue_indirect_dma source(%dma_start3A_1479 : memref<1000000x64xf32, #tpu.memory_space<hbm>>) target(%dma_start3A_1473 : memref<128x64xf32, #tpu.memory_space<vmem>>) offsets(%dma_start3A_1476 : memref<128xi32, #tpu.memory_space<vmem>>) semaphore(%arg12 : memref<!tpu.dma_semaphore, #tpu.memory_space<semaphore_mem>>)
      %mul3A_1480 = arith.constant 12 : i32
      %mul3A_1481 = arith.muli %scan3A_1096, %mul3A_1480 : i32
      %add3A_1482 = arith.constant 6 : i32
      %add3A_1483 = arith.addi %mul3A_1481, %add3A_1482 : i32
      %dma_wait3A_1484 = arith.constant 7 : i32
      %dma_wait3A_1485 = arith.constant 0 : i32
      %dma_wait3A_1486 = arith.constant 0 : i32
      %dma_wait3A_1487 = tpu.memref_slice %arg6[%dma_wait3A_1484, %dma_wait3A_1485, %dma_wait3A_1486] : memref<12x128x64xf32, #tpu.memory_space<vmem>> -> memref<1x128x64xf32, #tpu.memory_space<vmem>>
      %dma_wait3A_1488 = tpu.memref_squeeze %dma_wait3A_1487 : memref<1x128x64xf32, #tpu.memory_space<vmem>> -> memref<128x64xf32, #tpu.memory_space<vmem>>
      %dma_wait3A_1489 = arith.constant 0 : i32
      %dma_wait3A_1490 = tpu.memref_slice %arg5[%add3A_1483, %dma_wait3A_1489] : memref<200x128xi32, #tpu.memory_space<vmem>> -> memref<1x128xi32, #tpu.memory_space<vmem>>
      %dma_wait3A_1491 = tpu.memref_squeeze %dma_wait3A_1490 : memref<1x128xi32, #tpu.memory_space<vmem>> -> memref<128xi32, #tpu.memory_space<vmem>>
      %dma_wait3A_1492 = arith.constant 0 : i32
      %dma_wait3A_1493 = arith.constant 0 : i32
      %dma_wait3A_1494 = tpu.memref_slice %arg3[%dma_wait3A_1492, %dma_wait3A_1493] : memref<1000000x64xf32, #tpu.memory_space<hbm>> -> memref<1000000x64xf32, #tpu.memory_space<hbm>>
      tpu.wait_indirect_dma semaphore(%arg14 : memref<!tpu.dma_semaphore, #tpu.memory_space<semaphore_mem>>) src(%dma_wait3A_1494 : memref<1000000x64xf32, #tpu.memory_space<hbm>>) dst(%dma_wait3A_1488 : memref<128x64xf32, #tpu.memory_space<vmem>>)
      %sub3A_1495 = arith.constant 4 : i32
      %sub3A_1496 = arith.subi %add3A_1483, %sub3A_1495 : i32
      %mul3A_1497 = arith.constant 128 : i32
      %mul3A_1498 = arith.muli %sub3A_1496, %mul3A_1497 : i32
      %add3A_1499 = arith.addi %mul3A_2, %mul3A_1498 : i32
      %dma_start3A_1500 = arith.constant 6 : i32
      %dma_start3A_1501 = arith.constant 0 : i32
      %dma_start3A_1502 = arith.constant 0 : i32
      %dma_start3A_1503 = tpu.memref_slice %arg6[%dma_start3A_1500, %dma_start3A_1501, %dma_start3A_1502] : memref<12x128x64xf32, #tpu.memory_space<vmem>> -> memref<1x128x64xf32, #tpu.memory_space<vmem>>
      %dma_start3A_1504 = tpu.memref_squeeze %dma_start3A_1503 : memref<1x128x64xf32, #tpu.memory_space<vmem>> -> memref<128x64xf32, #tpu.memory_space<vmem>>
      %dma_start3A_1505 = arith.constant 0 : i32
      %dma_start3A_1506 = tpu.memref_slice %arg4[%add3A_1499, %dma_start3A_1505] : memref<819200x64xf32, #tpu.memory_space<hbm>> -> memref<128x64xf32, #tpu.memory_space<hbm>>
      %dma_start3A_1507 = arith.constant 0 : i32
      %dma_start3A_1508 = tpu.memref_slice %arg4[%add3A_1499, %dma_start3A_1507] : memref<819200x64xf32, #tpu.memory_space<hbm>> -> memref<128x64xf32, #tpu.memory_space<hbm>>
      %dma_start3A_1509 = arith.constant 0 : i32
      %dma_start3A_1510 = arith.constant 0 : i32
      %dma_start3A_1511 = tpu.memref_slice %arg6[%dma_start3A_1500, %dma_start3A_1509, %dma_start3A_1510] : memref<12x128x64xf32, #tpu.memory_space<vmem>> -> memref<1x128x64xf32, #tpu.memory_space<vmem>>
      %dma_start3A_1512 = tpu.memref_squeeze %dma_start3A_1511 : memref<1x128x64xf32, #tpu.memory_space<vmem>> -> memref<128x64xf32, #tpu.memory_space<vmem>>
      tpu.enqueue_dma source(%dma_start3A_1512 : memref<128x64xf32, #tpu.memory_space<vmem>>) target(%dma_start3A_1508 : memref<128x64xf32, #tpu.memory_space<hbm>>) target_semaphore(%arg25 : memref<!tpu.dma_semaphore, #tpu.memory_space<semaphore_mem>>)
      %sub3A_1513 = arith.constant 8 : i32
      %sub3A_1514 = arith.subi %add3A_1483, %sub3A_1513 : i32
      %mul3A_1515 = arith.constant 128 : i32
      %mul3A_1516 = arith.muli %sub3A_1514, %mul3A_1515 : i32
      %add3A_1517 = arith.addi %mul3A_2, %mul3A_1516 : i32
      %dma_wait3A_1518 = arith.constant 8 : i32
      %dma_wait3A_1519 = arith.constant 0 : i32
      %dma_wait3A_1520 = arith.constant 0 : i32
      %dma_wait3A_1521 = tpu.memref_slice %arg6[%dma_wait3A_1518, %dma_wait3A_1519, %dma_wait3A_1520] : memref<12x128x64xf32, #tpu.memory_space<vmem>> -> memref<1x128x64xf32, #tpu.memory_space<vmem>>
      %dma_wait3A_1522 = tpu.memref_squeeze %dma_wait3A_1521 : memref<1x128x64xf32, #tpu.memory_space<vmem>> -> memref<128x64xf32, #tpu.memory_space<vmem>>
      %dma_wait3A_1523 = arith.constant 0 : i32
      %dma_wait3A_1524 = tpu.memref_slice %arg4[%add3A_1517, %dma_wait3A_1523] : memref<819200x64xf32, #tpu.memory_space<hbm>> -> memref<128x64xf32, #tpu.memory_space<hbm>>
      %dma_wait3A_1525 = arith.constant 0 : i32
      %dma_wait3A_1526 = tpu.memref_slice %arg4[%add3A_1517, %dma_wait3A_1525] : memref<819200x64xf32, #tpu.memory_space<hbm>> -> memref<128x64xf32, #tpu.memory_space<hbm>>
      %dma_wait3A_1527 = arith.constant 0 : i32
      %dma_wait3A_1528 = arith.constant 0 : i32
      %dma_wait3A_1529 = tpu.memref_slice %arg6[%dma_wait3A_1518, %dma_wait3A_1527, %dma_wait3A_1528] : memref<12x128x64xf32, #tpu.memory_space<vmem>> -> memref<1x128x64xf32, #tpu.memory_space<vmem>>
      %dma_wait3A_1530 = tpu.memref_squeeze %dma_wait3A_1529 : memref<1x128x64xf32, #tpu.memory_space<vmem>> -> memref<128x64xf32, #tpu.memory_space<vmem>>
      tpu.wait_dma2 semaphore(%arg27 : memref<!tpu.dma_semaphore, #tpu.memory_space<semaphore_mem>>) src(%dma_wait3A_1530 : memref<128x64xf32, #tpu.memory_space<vmem>>) dst(%dma_wait3A_1526 : memref<128x64xf32, #tpu.memory_space<hbm>>)
      %add3A_1531 = arith.constant 4 : i32
      %add3A_1532 = arith.addi %add3A_1483, %add3A_1531 : i32
      %dma_start3A_1533 = arith.constant 8 : i32
      %dma_start3A_1534 = arith.constant 0 : i32
      %dma_start3A_1535 = arith.constant 0 : i32
      %dma_start3A_1536 = tpu.memref_slice %arg6[%dma_start3A_1533, %dma_start3A_1534, %dma_start3A_1535] : memref<12x128x64xf32, #tpu.memory_space<vmem>> -> memref<1x128x64xf32, #tpu.memory_space<vmem>>
      %dma_start3A_1537 = tpu.memref_squeeze %dma_start3A_1536 : memref<1x128x64xf32, #tpu.memory_space<vmem>> -> memref<128x64xf32, #tpu.memory_space<vmem>>
      %dma_start3A_1538 = arith.constant 0 : i32
      %dma_start3A_1539 = tpu.memref_slice %arg5[%add3A_1532, %dma_start3A_1538] : memref<200x128xi32, #tpu.memory_space<vmem>> -> memref<1x128xi32, #tpu.memory_space<vmem>>
      %dma_start3A_1540 = tpu.memref_squeeze %dma_start3A_1539 : memref<1x128xi32, #tpu.memory_space<vmem>> -> memref<128xi32, #tpu.memory_space<vmem>>
      %dma_start3A_1541 = arith.constant 0 : i32
      %dma_start3A_1542 = arith.constant 0 : i32
      %dma_start3A_1543 = tpu.memref_slice %arg3[%dma_start3A_1541, %dma_start3A_1542] : memref<1000000x64xf32, #tpu.memory_space<hbm>> -> memref<1000000x64xf32, #tpu.memory_space<hbm>>
      tpu.enqueue_indirect_dma source(%dma_start3A_1543 : memref<1000000x64xf32, #tpu.memory_space<hbm>>) target(%dma_start3A_1537 : memref<128x64xf32, #tpu.memory_space<vmem>>) offsets(%dma_start3A_1540 : memref<128xi32, #tpu.memory_space<vmem>>) semaphore(%arg15 : memref<!tpu.dma_semaphore, #tpu.memory_space<semaphore_mem>>)
      %mul3A_1544 = arith.constant 12 : i32
      %mul3A_1545 = arith.muli %scan3A_1096, %mul3A_1544 : i32
      %add3A_1546 = arith.constant 7 : i32
      %add3A_1547 = arith.addi %mul3A_1545, %add3A_1546 : i32
      %dma_wait3A_1548 = arith.constant 10 : i32
      %dma_wait3A_1549 = arith.constant 0 : i32
      %dma_wait3A_1550 = arith.constant 0 : i32
      %dma_wait3A_1551 = tpu.memref_slice %arg6[%dma_wait3A_1548, %dma_wait3A_1549, %dma_wait3A_1550] : memref<12x128x64xf32, #tpu.memory_space<vmem>> -> memref<1x128x64xf32, #tpu.memory_space<vmem>>
      %dma_wait3A_1552 = tpu.memref_squeeze %dma_wait3A_1551 : memref<1x128x64xf32, #tpu.memory_space<vmem>> -> memref<128x64xf32, #tpu.memory_space<vmem>>
      %dma_wait3A_1553 = arith.constant 0 : i32
      %dma_wait3A_1554 = tpu.memref_slice %arg5[%add3A_1547, %dma_wait3A_1553] : memref<200x128xi32, #tpu.memory_space<vmem>> -> memref<1x128xi32, #tpu.memory_space<vmem>>
      %dma_wait3A_1555 = tpu.memref_squeeze %dma_wait3A_1554 : memref<1x128xi32, #tpu.memory_space<vmem>> -> memref<128xi32, #tpu.memory_space<vmem>>
      %dma_wait3A_1556 = arith.constant 0 : i32
      %dma_wait3A_1557 = arith.constant 0 : i32
      %dma_wait3A_1558 = tpu.memref_slice %arg3[%dma_wait3A_1556, %dma_wait3A_1557] : memref<1000000x64xf32, #tpu.memory_space<hbm>> -> memref<1000000x64xf32, #tpu.memory_space<hbm>>
      tpu.wait_indirect_dma semaphore(%arg17 : memref<!tpu.dma_semaphore, #tpu.memory_space<semaphore_mem>>) src(%dma_wait3A_1558 : memref<1000000x64xf32, #tpu.memory_space<hbm>>) dst(%dma_wait3A_1552 : memref<128x64xf32, #tpu.memory_space<vmem>>)
      %sub3A_1559 = arith.constant 4 : i32
      %sub3A_1560 = arith.subi %add3A_1547, %sub3A_1559 : i32
      %mul3A_1561 = arith.constant 128 : i32
      %mul3A_1562 = arith.muli %sub3A_1560, %mul3A_1561 : i32
      %add3A_1563 = arith.addi %mul3A_2, %mul3A_1562 : i32
      %dma_start3A_1564 = arith.constant 9 : i32
      %dma_start3A_1565 = arith.constant 0 : i32
      %dma_start3A_1566 = arith.constant 0 : i32
      %dma_start3A_1567 = tpu.memref_slice %arg6[%dma_start3A_1564, %dma_start3A_1565, %dma_start3A_1566] : memref<12x128x64xf32, #tpu.memory_space<vmem>> -> memref<1x128x64xf32, #tpu.memory_space<vmem>>
      %dma_start3A_1568 = tpu.memref_squeeze %dma_start3A_1567 : memref<1x128x64xf32, #tpu.memory_space<vmem>> -> memref<128x64xf32, #tpu.memory_space<vmem>>
      %dma_start3A_1569 = arith.constant 0 : i32
      %dma_start3A_1570 = tpu.memref_slice %arg4[%add3A_1563, %dma_start3A_1569] : memref<819200x64xf32, #tpu.memory_space<hbm>> -> memref<128x64xf32, #tpu.memory_space<hbm>>
      %dma_start3A_1571 = arith.constant 0 : i32
      %dma_start3A_1572 = tpu.memref_slice %arg4[%add3A_1563, %dma_start3A_1571] : memref<819200x64xf32, #tpu.memory_space<hbm>> -> memref<128x64xf32, #tpu.memory_space<hbm>>
      %dma_start3A_1573 = arith.constant 0 : i32
      %dma_start3A_1574 = arith.constant 0 : i32
      %dma_start3A_1575 = tpu.memref_slice %arg6[%dma_start3A_1564, %dma_start3A_1573, %dma_start3A_1574] : memref<12x128x64xf32, #tpu.memory_space<vmem>> -> memref<1x128x64xf32, #tpu.memory_space<vmem>>
      %dma_start3A_1576 = tpu.memref_squeeze %dma_start3A_1575 : memref<1x128x64xf32, #tpu.memory_space<vmem>> -> memref<128x64xf32, #tpu.memory_space<vmem>>
      tpu.enqueue_dma source(%dma_start3A_1576 : memref<128x64xf32, #tpu.memory_space<vmem>>) target(%dma_start3A_1572 : memref<128x64xf32, #tpu.memory_space<hbm>>) target_semaphore(%arg28 : memref<!tpu.dma_semaphore, #tpu.memory_space<semaphore_mem>>)
      %sub3A_1577 = arith.constant 8 : i32
      %sub3A_1578 = arith.subi %add3A_1547, %sub3A_1577 : i32
      %mul3A_1579 = arith.constant 128 : i32
      %mul3A_1580 = arith.muli %sub3A_1578, %mul3A_1579 : i32
      %add3A_1581 = arith.addi %mul3A_2, %mul3A_1580 : i32
      %dma_wait3A_1582 = arith.constant 11 : i32
      %dma_wait3A_1583 = arith.constant 0 : i32
      %dma_wait3A_1584 = arith.constant 0 : i32
      %dma_wait3A_1585 = tpu.memref_slice %arg6[%dma_wait3A_1582, %dma_wait3A_1583, %dma_wait3A_1584] : memref<12x128x64xf32, #tpu.memory_space<vmem>> -> memref<1x128x64xf32, #tpu.memory_space<vmem>>
      %dma_wait3A_1586 = tpu.memref_squeeze %dma_wait3A_1585 : memref<1x128x64xf32, #tpu.memory_space<vmem>> -> memref<128x64xf32, #tpu.memory_space<vmem>>
      %dma_wait3A_1587 = arith.constant 0 : i32
      %dma_wait3A_1588 = tpu.memref_slice %arg4[%add3A_1581, %dma_wait3A_1587] : memref<819200x64xf32, #tpu.memory_space<hbm>> -> memref<128x64xf32, #tpu.memory_space<hbm>>
      %dma_wait3A_1589 = arith.constant 0 : i32
      %dma_wait3A_1590 = tpu.memref_slice %arg4[%add3A_1581, %dma_wait3A_1589] : memref<819200x64xf32, #tpu.memory_space<hbm>> -> memref<128x64xf32, #tpu.memory_space<hbm>>
      %dma_wait3A_1591 = arith.constant 0 : i32
      %dma_wait3A_1592 = arith.constant 0 : i32
      %dma_wait3A_1593 = tpu.memref_slice %arg6[%dma_wait3A_1582, %dma_wait3A_1591, %dma_wait3A_1592] : memref<12x128x64xf32, #tpu.memory_space<vmem>> -> memref<1x128x64xf32, #tpu.memory_space<vmem>>
      %dma_wait3A_1594 = tpu.memref_squeeze %dma_wait3A_1593 : memref<1x128x64xf32, #tpu.memory_space<vmem>> -> memref<128x64xf32, #tpu.memory_space<vmem>>
      tpu.wait_dma2 semaphore(%arg30 : memref<!tpu.dma_semaphore, #tpu.memory_space<semaphore_mem>>) src(%dma_wait3A_1594 : memref<128x64xf32, #tpu.memory_space<vmem>>) dst(%dma_wait3A_1590 : memref<128x64xf32, #tpu.memory_space<hbm>>)
      %add3A_1595 = arith.constant 4 : i32
      %add3A_1596 = arith.addi %add3A_1547, %add3A_1595 : i32
      %dma_start3A_1597 = arith.constant 11 : i32
      %dma_start3A_1598 = arith.constant 0 : i32
      %dma_start3A_1599 = arith.constant 0 : i32
      %dma_start3A_1600 = tpu.memref_slice %arg6[%dma_start3A_1597, %dma_start3A_1598, %dma_start3A_1599] : memref<12x128x64xf32, #tpu.memory_space<vmem>> -> memref<1x128x64xf32, #tpu.memory_space<vmem>>
      %dma_start3A_1601 = tpu.memref_squeeze %dma_start3A_1600 : memref<1x128x64xf32, #tpu.memory_space<vmem>> -> memref<128x64xf32, #tpu.memory_space<vmem>>
      %dma_start3A_1602 = arith.constant 0 : i32
      %dma_start3A_1603 = tpu.memref_slice %arg5[%add3A_1596, %dma_start3A_1602] : memref<200x128xi32, #tpu.memory_space<vmem>> -> memref<1x128xi32, #tpu.memory_space<vmem>>
      %dma_start3A_1604 = tpu.memref_squeeze %dma_start3A_1603 : memref<1x128xi32, #tpu.memory_space<vmem>> -> memref<128xi32, #tpu.memory_space<vmem>>
      %dma_start3A_1605 = arith.constant 0 : i32
      %dma_start3A_1606 = arith.constant 0 : i32
      %dma_start3A_1607 = tpu.memref_slice %arg3[%dma_start3A_1605, %dma_start3A_1606] : memref<1000000x64xf32, #tpu.memory_space<hbm>> -> memref<1000000x64xf32, #tpu.memory_space<hbm>>
      tpu.enqueue_indirect_dma source(%dma_start3A_1607 : memref<1000000x64xf32, #tpu.memory_space<hbm>>) target(%dma_start3A_1601 : memref<128x64xf32, #tpu.memory_space<vmem>>) offsets(%dma_start3A_1604 : memref<128xi32, #tpu.memory_space<vmem>>) semaphore(%arg18 : memref<!tpu.dma_semaphore, #tpu.memory_space<semaphore_mem>>)
      %mul3A_1608 = arith.constant 12 : i32
      %mul3A_1609 = arith.muli %scan3A_1096, %mul3A_1608 : i32
      %add3A_1610 = arith.constant 8 : i32
      %add3A_1611 = arith.addi %mul3A_1609, %add3A_1610 : i32
      %dma_wait3A_1612 = arith.constant 2 : i32
      %dma_wait3A_1613 = arith.constant 0 : i32
      %dma_wait3A_1614 = arith.constant 0 : i32
      %dma_wait3A_1615 = tpu.memref_slice %arg6[%dma_wait3A_1612, %dma_wait3A_1613, %dma_wait3A_1614] : memref<12x128x64xf32, #tpu.memory_space<vmem>> -> memref<1x128x64xf32, #tpu.memory_space<vmem>>
      %dma_wait3A_1616 = tpu.memref_squeeze %dma_wait3A_1615 : memref<1x128x64xf32, #tpu.memory_space<vmem>> -> memref<128x64xf32, #tpu.memory_space<vmem>>
      %dma_wait3A_1617 = arith.constant 0 : i32
      %dma_wait3A_1618 = tpu.memref_slice %arg5[%add3A_1611, %dma_wait3A_1617] : memref<200x128xi32, #tpu.memory_space<vmem>> -> memref<1x128xi32, #tpu.memory_space<vmem>>
      %dma_wait3A_1619 = tpu.memref_squeeze %dma_wait3A_1618 : memref<1x128xi32, #tpu.memory_space<vmem>> -> memref<128xi32, #tpu.memory_space<vmem>>
      %dma_wait3A_1620 = arith.constant 0 : i32
      %dma_wait3A_1621 = arith.constant 0 : i32
      %dma_wait3A_1622 = tpu.memref_slice %arg3[%dma_wait3A_1620, %dma_wait3A_1621] : memref<1000000x64xf32, #tpu.memory_space<hbm>> -> memref<1000000x64xf32, #tpu.memory_space<hbm>>
      tpu.wait_indirect_dma semaphore(%arg9 : memref<!tpu.dma_semaphore, #tpu.memory_space<semaphore_mem>>) src(%dma_wait3A_1622 : memref<1000000x64xf32, #tpu.memory_space<hbm>>) dst(%dma_wait3A_1616 : memref<128x64xf32, #tpu.memory_space<vmem>>)
      %sub3A_1623 = arith.constant 4 : i32
      %sub3A_1624 = arith.subi %add3A_1611, %sub3A_1623 : i32
      %mul3A_1625 = arith.constant 128 : i32
      %mul3A_1626 = arith.muli %sub3A_1624, %mul3A_1625 : i32
      %add3A_1627 = arith.addi %mul3A_2, %mul3A_1626 : i32
      %dma_start3A_1628 = arith.constant 1 : i32
      %dma_start3A_1629 = arith.constant 0 : i32
      %dma_start3A_1630 = arith.constant 0 : i32
      %dma_start3A_1631 = tpu.memref_slice %arg6[%dma_start3A_1628, %dma_start3A_1629, %dma_start3A_1630] : memref<12x128x64xf32, #tpu.memory_space<vmem>> -> memref<1x128x64xf32, #tpu.memory_space<vmem>>
      %dma_start3A_1632 = tpu.memref_squeeze %dma_start3A_1631 : memref<1x128x64xf32, #tpu.memory_space<vmem>> -> memref<128x64xf32, #tpu.memory_space<vmem>>
      %dma_start3A_1633 = arith.constant 0 : i32
      %dma_start3A_1634 = tpu.memref_slice %arg4[%add3A_1627, %dma_start3A_1633] : memref<819200x64xf32, #tpu.memory_space<hbm>> -> memref<128x64xf32, #tpu.memory_space<hbm>>
      %dma_start3A_1635 = arith.constant 0 : i32
      %dma_start3A_1636 = tpu.memref_slice %arg4[%add3A_1627, %dma_start3A_1635] : memref<819200x64xf32, #tpu.memory_space<hbm>> -> memref<128x64xf32, #tpu.memory_space<hbm>>
      %dma_start3A_1637 = arith.constant 0 : i32
      %dma_start3A_1638 = arith.constant 0 : i32
      %dma_start3A_1639 = tpu.memref_slice %arg6[%dma_start3A_1628, %dma_start3A_1637, %dma_start3A_1638] : memref<12x128x64xf32, #tpu.memory_space<vmem>> -> memref<1x128x64xf32, #tpu.memory_space<vmem>>
      %dma_start3A_1640 = tpu.memref_squeeze %dma_start3A_1639 : memref<1x128x64xf32, #tpu.memory_space<vmem>> -> memref<128x64xf32, #tpu.memory_space<vmem>>
      tpu.enqueue_dma source(%dma_start3A_1640 : memref<128x64xf32, #tpu.memory_space<vmem>>) target(%dma_start3A_1636 : memref<128x64xf32, #tpu.memory_space<hbm>>) target_semaphore(%arg20 : memref<!tpu.dma_semaphore, #tpu.memory_space<semaphore_mem>>)
      %sub3A_1641 = arith.constant 8 : i32
      %sub3A_1642 = arith.subi %add3A_1611, %sub3A_1641 : i32
      %mul3A_1643 = arith.constant 128 : i32
      %mul3A_1644 = arith.muli %sub3A_1642, %mul3A_1643 : i32
      %add3A_1645 = arith.addi %mul3A_2, %mul3A_1644 : i32
      %dma_wait3A_1646 = arith.constant 0 : i32
      %dma_wait3A_1647 = arith.constant 0 : i32
      %dma_wait3A_1648 = arith.constant 0 : i32
      %dma_wait3A_1649 = tpu.memref_slice %arg6[%dma_wait3A_1646, %dma_wait3A_1647, %dma_wait3A_1648] : memref<12x128x64xf32, #tpu.memory_space<vmem>> -> memref<1x128x64xf32, #tpu.memory_space<vmem>>
      %dma_wait3A_1650 = tpu.memref_squeeze %dma_wait3A_1649 : memref<1x128x64xf32, #tpu.memory_space<vmem>> -> memref<128x64xf32, #tpu.memory_space<vmem>>
      %dma_wait3A_1651 = arith.constant 0 : i32
      %dma_wait3A_1652 = tpu.memref_slice %arg4[%add3A_1645, %dma_wait3A_1651] : memref<819200x64xf32, #tpu.memory_space<hbm>> -> memref<128x64xf32, #tpu.memory_space<hbm>>
      %dma_wait3A_1653 = arith.constant 0 : i32
      %dma_wait3A_1654 = tpu.memref_slice %arg4[%add3A_1645, %dma_wait3A_1653] : memref<819200x64xf32, #tpu.memory_space<hbm>> -> memref<128x64xf32, #tpu.memory_space<hbm>>
      %dma_wait3A_1655 = arith.constant 0 : i32
      %dma_wait3A_1656 = arith.constant 0 : i32
      %dma_wait3A_1657 = tpu.memref_slice %arg6[%dma_wait3A_1646, %dma_wait3A_1655, %dma_wait3A_1656] : memref<12x128x64xf32, #tpu.memory_space<vmem>> -> memref<1x128x64xf32, #tpu.memory_space<vmem>>
      %dma_wait3A_1658 = tpu.memref_squeeze %dma_wait3A_1657 : memref<1x128x64xf32, #tpu.memory_space<vmem>> -> memref<128x64xf32, #tpu.memory_space<vmem>>
      tpu.wait_dma2 semaphore(%arg19 : memref<!tpu.dma_semaphore, #tpu.memory_space<semaphore_mem>>) src(%dma_wait3A_1658 : memref<128x64xf32, #tpu.memory_space<vmem>>) dst(%dma_wait3A_1654 : memref<128x64xf32, #tpu.memory_space<hbm>>)
      %add3A_1659 = arith.constant 4 : i32
      %add3A_1660 = arith.addi %add3A_1611, %add3A_1659 : i32
      %dma_start3A_1661 = arith.constant 0 : i32
      %dma_start3A_1662 = arith.constant 0 : i32
      %dma_start3A_1663 = arith.constant 0 : i32
      %dma_start3A_1664 = tpu.memref_slice %arg6[%dma_start3A_1661, %dma_start3A_1662, %dma_start3A_1663] : memref<12x128x64xf32, #tpu.memory_space<vmem>> -> memref<1x128x64xf32, #tpu.memory_space<vmem>>
      %dma_start3A_1665 = tpu.memref_squeeze %dma_start3A_1664 : memref<1x128x64xf32, #tpu.memory_space<vmem>> -> memref<128x64xf32, #tpu.memory_space<vmem>>
      %dma_start3A_1666 = arith.constant 0 : i32
      %dma_start3A_1667 = tpu.memref_slice %arg5[%add3A_1660, %dma_start3A_1666] : memref<200x128xi32, #tpu.memory_space<vmem>> -> memref<1x128xi32, #tpu.memory_space<vmem>>
      %dma_start3A_1668 = tpu.memref_squeeze %dma_start3A_1667 : memref<1x128xi32, #tpu.memory_space<vmem>> -> memref<128xi32, #tpu.memory_space<vmem>>
      %dma_start3A_1669 = arith.constant 0 : i32
      %dma_start3A_1670 = arith.constant 0 : i32
      %dma_start3A_1671 = tpu.memref_slice %arg3[%dma_start3A_1669, %dma_start3A_1670] : memref<1000000x64xf32, #tpu.memory_space<hbm>> -> memref<1000000x64xf32, #tpu.memory_space<hbm>>
      tpu.enqueue_indirect_dma source(%dma_start3A_1671 : memref<1000000x64xf32, #tpu.memory_space<hbm>>) target(%dma_start3A_1665 : memref<128x64xf32, #tpu.memory_space<vmem>>) offsets(%dma_start3A_1668 : memref<128xi32, #tpu.memory_space<vmem>>) semaphore(%arg7 : memref<!tpu.dma_semaphore, #tpu.memory_space<semaphore_mem>>)
      %mul3A_1672 = arith.constant 12 : i32
      %mul3A_1673 = arith.muli %scan3A_1096, %mul3A_1672 : i32
      %add3A_1674 = arith.constant 9 : i32
      %add3A_1675 = arith.addi %mul3A_1673, %add3A_1674 : i32
      %dma_wait3A_1676 = arith.constant 5 : i32
      %dma_wait3A_1677 = arith.constant 0 : i32
      %dma_wait3A_1678 = arith.constant 0 : i32
      %dma_wait3A_1679 = tpu.memref_slice %arg6[%dma_wait3A_1676, %dma_wait3A_1677, %dma_wait3A_1678] : memref<12x128x64xf32, #tpu.memory_space<vmem>> -> memref<1x128x64xf32, #tpu.memory_space<vmem>>
      %dma_wait3A_1680 = tpu.memref_squeeze %dma_wait3A_1679 : memref<1x128x64xf32, #tpu.memory_space<vmem>> -> memref<128x64xf32, #tpu.memory_space<vmem>>
      %dma_wait3A_1681 = arith.constant 0 : i32
      %dma_wait3A_1682 = tpu.memref_slice %arg5[%add3A_1675, %dma_wait3A_1681] : memref<200x128xi32, #tpu.memory_space<vmem>> -> memref<1x128xi32, #tpu.memory_space<vmem>>
      %dma_wait3A_1683 = tpu.memref_squeeze %dma_wait3A_1682 : memref<1x128xi32, #tpu.memory_space<vmem>> -> memref<128xi32, #tpu.memory_space<vmem>>
      %dma_wait3A_1684 = arith.constant 0 : i32
      %dma_wait3A_1685 = arith.constant 0 : i32
      %dma_wait3A_1686 = tpu.memref_slice %arg3[%dma_wait3A_1684, %dma_wait3A_1685] : memref<1000000x64xf32, #tpu.memory_space<hbm>> -> memref<1000000x64xf32, #tpu.memory_space<hbm>>
      tpu.wait_indirect_dma semaphore(%arg12 : memref<!tpu.dma_semaphore, #tpu.memory_space<semaphore_mem>>) src(%dma_wait3A_1686 : memref<1000000x64xf32, #tpu.memory_space<hbm>>) dst(%dma_wait3A_1680 : memref<128x64xf32, #tpu.memory_space<vmem>>)
      %sub3A_1687 = arith.constant 4 : i32
      %sub3A_1688 = arith.subi %add3A_1675, %sub3A_1687 : i32
      %mul3A_1689 = arith.constant 128 : i32
      %mul3A_1690 = arith.muli %sub3A_1688, %mul3A_1689 : i32
      %add3A_1691 = arith.addi %mul3A_2, %mul3A_1690 : i32
      %dma_start3A_1692 = arith.constant 4 : i32
      %dma_start3A_1693 = arith.constant 0 : i32
      %dma_start3A_1694 = arith.constant 0 : i32
      %dma_start3A_1695 = tpu.memref_slice %arg6[%dma_start3A_1692, %dma_start3A_1693, %dma_start3A_1694] : memref<12x128x64xf32, #tpu.memory_space<vmem>> -> memref<1x128x64xf32, #tpu.memory_space<vmem>>
      %dma_start3A_1696 = tpu.memref_squeeze %dma_start3A_1695 : memref<1x128x64xf32, #tpu.memory_space<vmem>> -> memref<128x64xf32, #tpu.memory_space<vmem>>
      %dma_start3A_1697 = arith.constant 0 : i32
      %dma_start3A_1698 = tpu.memref_slice %arg4[%add3A_1691, %dma_start3A_1697] : memref<819200x64xf32, #tpu.memory_space<hbm>> -> memref<128x64xf32, #tpu.memory_space<hbm>>
      %dma_start3A_1699 = arith.constant 0 : i32
      %dma_start3A_1700 = tpu.memref_slice %arg4[%add3A_1691, %dma_start3A_1699] : memref<819200x64xf32, #tpu.memory_space<hbm>> -> memref<128x64xf32, #tpu.memory_space<hbm>>
      %dma_start3A_1701 = arith.constant 0 : i32
      %dma_start3A_1702 = arith.constant 0 : i32
      %dma_start3A_1703 = tpu.memref_slice %arg6[%dma_start3A_1692, %dma_start3A_1701, %dma_start3A_1702] : memref<12x128x64xf32, #tpu.memory_space<vmem>> -> memref<1x128x64xf32, #tpu.memory_space<vmem>>
      %dma_start3A_1704 = tpu.memref_squeeze %dma_start3A_1703 : memref<1x128x64xf32, #tpu.memory_space<vmem>> -> memref<128x64xf32, #tpu.memory_space<vmem>>
      tpu.enqueue_dma source(%dma_start3A_1704 : memref<128x64xf32, #tpu.memory_space<vmem>>) target(%dma_start3A_1700 : memref<128x64xf32, #tpu.memory_space<hbm>>) target_semaphore(%arg23 : memref<!tpu.dma_semaphore, #tpu.memory_space<semaphore_mem>>)
      %sub3A_1705 = arith.constant 8 : i32
      %sub3A_1706 = arith.subi %add3A_1675, %sub3A_1705 : i32
      %mul3A_1707 = arith.constant 128 : i32
      %mul3A_1708 = arith.muli %sub3A_1706, %mul3A_1707 : i32
      %add3A_1709 = arith.addi %mul3A_2, %mul3A_1708 : i32
      %dma_wait3A_1710 = arith.constant 3 : i32
      %dma_wait3A_1711 = arith.constant 0 : i32
      %dma_wait3A_1712 = arith.constant 0 : i32
      %dma_wait3A_1713 = tpu.memref_slice %arg6[%dma_wait3A_1710, %dma_wait3A_1711, %dma_wait3A_1712] : memref<12x128x64xf32, #tpu.memory_space<vmem>> -> memref<1x128x64xf32, #tpu.memory_space<vmem>>
      %dma_wait3A_1714 = tpu.memref_squeeze %dma_wait3A_1713 : memref<1x128x64xf32, #tpu.memory_space<vmem>> -> memref<128x64xf32, #tpu.memory_space<vmem>>
      %dma_wait3A_1715 = arith.constant 0 : i32
      %dma_wait3A_1716 = tpu.memref_slice %arg4[%add3A_1709, %dma_wait3A_1715] : memref<819200x64xf32, #tpu.memory_space<hbm>> -> memref<128x64xf32, #tpu.memory_space<hbm>>
      %dma_wait3A_1717 = arith.constant 0 : i32
      %dma_wait3A_1718 = tpu.memref_slice %arg4[%add3A_1709, %dma_wait3A_1717] : memref<819200x64xf32, #tpu.memory_space<hbm>> -> memref<128x64xf32, #tpu.memory_space<hbm>>
      %dma_wait3A_1719 = arith.constant 0 : i32
      %dma_wait3A_1720 = arith.constant 0 : i32
      %dma_wait3A_1721 = tpu.memref_slice %arg6[%dma_wait3A_1710, %dma_wait3A_1719, %dma_wait3A_1720] : memref<12x128x64xf32, #tpu.memory_space<vmem>> -> memref<1x128x64xf32, #tpu.memory_space<vmem>>
      %dma_wait3A_1722 = tpu.memref_squeeze %dma_wait3A_1721 : memref<1x128x64xf32, #tpu.memory_space<vmem>> -> memref<128x64xf32, #tpu.memory_space<vmem>>
      tpu.wait_dma2 semaphore(%arg22 : memref<!tpu.dma_semaphore, #tpu.memory_space<semaphore_mem>>) src(%dma_wait3A_1722 : memref<128x64xf32, #tpu.memory_space<vmem>>) dst(%dma_wait3A_1718 : memref<128x64xf32, #tpu.memory_space<hbm>>)
      %add3A_1723 = arith.constant 4 : i32
      %add3A_1724 = arith.addi %add3A_1675, %add3A_1723 : i32
      %dma_start3A_1725 = arith.constant 3 : i32
      %dma_start3A_1726 = arith.constant 0 : i32
      %dma_start3A_1727 = arith.constant 0 : i32
      %dma_start3A_1728 = tpu.memref_slice %arg6[%dma_start3A_1725, %dma_start3A_1726, %dma_start3A_1727] : memref<12x128x64xf32, #tpu.memory_space<vmem>> -> memref<1x128x64xf32, #tpu.memory_space<vmem>>
      %dma_start3A_1729 = tpu.memref_squeeze %dma_start3A_1728 : memref<1x128x64xf32, #tpu.memory_space<vmem>> -> memref<128x64xf32, #tpu.memory_space<vmem>>
      %dma_start3A_1730 = arith.constant 0 : i32
      %dma_start3A_1731 = tpu.memref_slice %arg5[%add3A_1724, %dma_start3A_1730] : memref<200x128xi32, #tpu.memory_space<vmem>> -> memref<1x128xi32, #tpu.memory_space<vmem>>
      %dma_start3A_1732 = tpu.memref_squeeze %dma_start3A_1731 : memref<1x128xi32, #tpu.memory_space<vmem>> -> memref<128xi32, #tpu.memory_space<vmem>>
      %dma_start3A_1733 = arith.constant 0 : i32
      %dma_start3A_1734 = arith.constant 0 : i32
      %dma_start3A_1735 = tpu.memref_slice %arg3[%dma_start3A_1733, %dma_start3A_1734] : memref<1000000x64xf32, #tpu.memory_space<hbm>> -> memref<1000000x64xf32, #tpu.memory_space<hbm>>
      tpu.enqueue_indirect_dma source(%dma_start3A_1735 : memref<1000000x64xf32, #tpu.memory_space<hbm>>) target(%dma_start3A_1729 : memref<128x64xf32, #tpu.memory_space<vmem>>) offsets(%dma_start3A_1732 : memref<128xi32, #tpu.memory_space<vmem>>) semaphore(%arg10 : memref<!tpu.dma_semaphore, #tpu.memory_space<semaphore_mem>>)
      %mul3A_1736 = arith.constant 12 : i32
      %mul3A_1737 = arith.muli %scan3A_1096, %mul3A_1736 : i32
      %add3A_1738 = arith.constant 10 : i32
      %add3A_1739 = arith.addi %mul3A_1737, %add3A_1738 : i32
      %dma_wait3A_1740 = arith.constant 8 : i32
      %dma_wait3A_1741 = arith.constant 0 : i32
      %dma_wait3A_1742 = arith.constant 0 : i32
      %dma_wait3A_1743 = tpu.memref_slice %arg6[%dma_wait3A_1740, %dma_wait3A_1741, %dma_wait3A_1742] : memref<12x128x64xf32, #tpu.memory_space<vmem>> -> memref<1x128x64xf32, #tpu.memory_space<vmem>>
      %dma_wait3A_1744 = tpu.memref_squeeze %dma_wait3A_1743 : memref<1x128x64xf32, #tpu.memory_space<vmem>> -> memref<128x64xf32, #tpu.memory_space<vmem>>
      %dma_wait3A_1745 = arith.constant 0 : i32
      %dma_wait3A_1746 = tpu.memref_slice %arg5[%add3A_1739, %dma_wait3A_1745] : memref<200x128xi32, #tpu.memory_space<vmem>> -> memref<1x128xi32, #tpu.memory_space<vmem>>
      %dma_wait3A_1747 = tpu.memref_squeeze %dma_wait3A_1746 : memref<1x128xi32, #tpu.memory_space<vmem>> -> memref<128xi32, #tpu.memory_space<vmem>>
      %dma_wait3A_1748 = arith.constant 0 : i32
      %dma_wait3A_1749 = arith.constant 0 : i32
      %dma_wait3A_1750 = tpu.memref_slice %arg3[%dma_wait3A_1748, %dma_wait3A_1749] : memref<1000000x64xf32, #tpu.memory_space<hbm>> -> memref<1000000x64xf32, #tpu.memory_space<hbm>>
      tpu.wait_indirect_dma semaphore(%arg15 : memref<!tpu.dma_semaphore, #tpu.memory_space<semaphore_mem>>) src(%dma_wait3A_1750 : memref<1000000x64xf32, #tpu.memory_space<hbm>>) dst(%dma_wait3A_1744 : memref<128x64xf32, #tpu.memory_space<vmem>>)
      %sub3A_1751 = arith.constant 4 : i32
      %sub3A_1752 = arith.subi %add3A_1739, %sub3A_1751 : i32
      %mul3A_1753 = arith.constant 128 : i32
      %mul3A_1754 = arith.muli %sub3A_1752, %mul3A_1753 : i32
      %add3A_1755 = arith.addi %mul3A_2, %mul3A_1754 : i32
      %dma_start3A_1756 = arith.constant 7 : i32
      %dma_start3A_1757 = arith.constant 0 : i32
      %dma_start3A_1758 = arith.constant 0 : i32
      %dma_start3A_1759 = tpu.memref_slice %arg6[%dma_start3A_1756, %dma_start3A_1757, %dma_start3A_1758] : memref<12x128x64xf32, #tpu.memory_space<vmem>> -> memref<1x128x64xf32, #tpu.memory_space<vmem>>
      %dma_start3A_1760 = tpu.memref_squeeze %dma_start3A_1759 : memref<1x128x64xf32, #tpu.memory_space<vmem>> -> memref<128x64xf32, #tpu.memory_space<vmem>>
      %dma_start3A_1761 = arith.constant 0 : i32
      %dma_start3A_1762 = tpu.memref_slice %arg4[%add3A_1755, %dma_start3A_1761] : memref<819200x64xf32, #tpu.memory_space<hbm>> -> memref<128x64xf32, #tpu.memory_space<hbm>>
      %dma_start3A_1763 = arith.constant 0 : i32
      %dma_start3A_1764 = tpu.memref_slice %arg4[%add3A_1755, %dma_start3A_1763] : memref<819200x64xf32, #tpu.memory_space<hbm>> -> memref<128x64xf32, #tpu.memory_space<hbm>>
      %dma_start3A_1765 = arith.constant 0 : i32
      %dma_start3A_1766 = arith.constant 0 : i32
      %dma_start3A_1767 = tpu.memref_slice %arg6[%dma_start3A_1756, %dma_start3A_1765, %dma_start3A_1766] : memref<12x128x64xf32, #tpu.memory_space<vmem>> -> memref<1x128x64xf32, #tpu.memory_space<vmem>>
      %dma_start3A_1768 = tpu.memref_squeeze %dma_start3A_1767 : memref<1x128x64xf32, #tpu.memory_space<vmem>> -> memref<128x64xf32, #tpu.memory_space<vmem>>
      tpu.enqueue_dma source(%dma_start3A_1768 : memref<128x64xf32, #tpu.memory_space<vmem>>) target(%dma_start3A_1764 : memref<128x64xf32, #tpu.memory_space<hbm>>) target_semaphore(%arg26 : memref<!tpu.dma_semaphore, #tpu.memory_space<semaphore_mem>>)
      %sub3A_1769 = arith.constant 8 : i32
      %sub3A_1770 = arith.subi %add3A_1739, %sub3A_1769 : i32
      %mul3A_1771 = arith.constant 128 : i32
      %mul3A_1772 = arith.muli %sub3A_1770, %mul3A_1771 : i32
      %add3A_1773 = arith.addi %mul3A_2, %mul3A_1772 : i32
      %dma_wait3A_1774 = arith.constant 6 : i32
      %dma_wait3A_1775 = arith.constant 0 : i32
      %dma_wait3A_1776 = arith.constant 0 : i32
      %dma_wait3A_1777 = tpu.memref_slice %arg6[%dma_wait3A_1774, %dma_wait3A_1775, %dma_wait3A_1776] : memref<12x128x64xf32, #tpu.memory_space<vmem>> -> memref<1x128x64xf32, #tpu.memory_space<vmem>>
      %dma_wait3A_1778 = tpu.memref_squeeze %dma_wait3A_1777 : memref<1x128x64xf32, #tpu.memory_space<vmem>> -> memref<128x64xf32, #tpu.memory_space<vmem>>
      %dma_wait3A_1779 = arith.constant 0 : i32
      %dma_wait3A_1780 = tpu.memref_slice %arg4[%add3A_1773, %dma_wait3A_1779] : memref<819200x64xf32, #tpu.memory_space<hbm>> -> memref<128x64xf32, #tpu.memory_space<hbm>>
      %dma_wait3A_1781 = arith.constant 0 : i32
      %dma_wait3A_1782 = tpu.memref_slice %arg4[%add3A_1773, %dma_wait3A_1781] : memref<819200x64xf32, #tpu.memory_space<hbm>> -> memref<128x64xf32, #tpu.memory_space<hbm>>
      %dma_wait3A_1783 = arith.constant 0 : i32
      %dma_wait3A_1784 = arith.constant 0 : i32
      %dma_wait3A_1785 = tpu.memref_slice %arg6[%dma_wait3A_1774, %dma_wait3A_1783, %dma_wait3A_1784] : memref<12x128x64xf32, #tpu.memory_space<vmem>> -> memref<1x128x64xf32, #tpu.memory_space<vmem>>
      %dma_wait3A_1786 = tpu.memref_squeeze %dma_wait3A_1785 : memref<1x128x64xf32, #tpu.memory_space<vmem>> -> memref<128x64xf32, #tpu.memory_space<vmem>>
      tpu.wait_dma2 semaphore(%arg25 : memref<!tpu.dma_semaphore, #tpu.memory_space<semaphore_mem>>) src(%dma_wait3A_1786 : memref<128x64xf32, #tpu.memory_space<vmem>>) dst(%dma_wait3A_1782 : memref<128x64xf32, #tpu.memory_space<hbm>>)
      %add3A_1787 = arith.constant 4 : i32
      %add3A_1788 = arith.addi %add3A_1739, %add3A_1787 : i32
      %dma_start3A_1789 = arith.constant 6 : i32
      %dma_start3A_1790 = arith.constant 0 : i32
      %dma_start3A_1791 = arith.constant 0 : i32
      %dma_start3A_1792 = tpu.memref_slice %arg6[%dma_start3A_1789, %dma_start3A_1790, %dma_start3A_1791] : memref<12x128x64xf32, #tpu.memory_space<vmem>> -> memref<1x128x64xf32, #tpu.memory_space<vmem>>
      %dma_start3A_1793 = tpu.memref_squeeze %dma_start3A_1792 : memref<1x128x64xf32, #tpu.memory_space<vmem>> -> memref<128x64xf32, #tpu.memory_space<vmem>>
      %dma_start3A_1794 = arith.constant 0 : i32
      %dma_start3A_1795 = tpu.memref_slice %arg5[%add3A_1788, %dma_start3A_1794] : memref<200x128xi32, #tpu.memory_space<vmem>> -> memref<1x128xi32, #tpu.memory_space<vmem>>
      %dma_start3A_1796 = tpu.memref_squeeze %dma_start3A_1795 : memref<1x128xi32, #tpu.memory_space<vmem>> -> memref<128xi32, #tpu.memory_space<vmem>>
      %dma_start3A_1797 = arith.constant 0 : i32
      %dma_start3A_1798 = arith.constant 0 : i32
      %dma_start3A_1799 = tpu.memref_slice %arg3[%dma_start3A_1797, %dma_start3A_1798] : memref<1000000x64xf32, #tpu.memory_space<hbm>> -> memref<1000000x64xf32, #tpu.memory_space<hbm>>
      tpu.enqueue_indirect_dma source(%dma_start3A_1799 : memref<1000000x64xf32, #tpu.memory_space<hbm>>) target(%dma_start3A_1793 : memref<128x64xf32, #tpu.memory_space<vmem>>) offsets(%dma_start3A_1796 : memref<128xi32, #tpu.memory_space<vmem>>) semaphore(%arg13 : memref<!tpu.dma_semaphore, #tpu.memory_space<semaphore_mem>>)
      %mul3A_1800 = arith.constant 12 : i32
      %mul3A_1801 = arith.muli %scan3A_1096, %mul3A_1800 : i32
      %add3A_1802 = arith.constant 11 : i32
      %add3A_1803 = arith.addi %mul3A_1801, %add3A_1802 : i32
      %dma_wait3A_1804 = arith.constant 11 : i32
      %dma_wait3A_1805 = arith.constant 0 : i32
      %dma_wait3A_1806 = arith.constant 0 : i32
      %dma_wait3A_1807 = tpu.memref_slice %arg6[%dma_wait3A_1804, %dma_wait3A_1805, %dma_wait3A_1806] : memref<12x128x64xf32, #tpu.memory_space<vmem>> -> memref<1x128x64xf32, #tpu.memory_space<vmem>>
      %dma_wait3A_1808 = tpu.memref_squeeze %dma_wait3A_1807 : memref<1x128x64xf32, #tpu.memory_space<vmem>> -> memref<128x64xf32, #tpu.memory_space<vmem>>
      %dma_wait3A_1809 = arith.constant 0 : i32
      %dma_wait3A_1810 = tpu.memref_slice %arg5[%add3A_1803, %dma_wait3A_1809] : memref<200x128xi32, #tpu.memory_space<vmem>> -> memref<1x128xi32, #tpu.memory_space<vmem>>
      %dma_wait3A_1811 = tpu.memref_squeeze %dma_wait3A_1810 : memref<1x128xi32, #tpu.memory_space<vmem>> -> memref<128xi32, #tpu.memory_space<vmem>>
      %dma_wait3A_1812 = arith.constant 0 : i32
      %dma_wait3A_1813 = arith.constant 0 : i32
      %dma_wait3A_1814 = tpu.memref_slice %arg3[%dma_wait3A_1812, %dma_wait3A_1813] : memref<1000000x64xf32, #tpu.memory_space<hbm>> -> memref<1000000x64xf32, #tpu.memory_space<hbm>>
      tpu.wait_indirect_dma semaphore(%arg18 : memref<!tpu.dma_semaphore, #tpu.memory_space<semaphore_mem>>) src(%dma_wait3A_1814 : memref<1000000x64xf32, #tpu.memory_space<hbm>>) dst(%dma_wait3A_1808 : memref<128x64xf32, #tpu.memory_space<vmem>>)
      %sub3A_1815 = arith.constant 4 : i32
      %sub3A_1816 = arith.subi %add3A_1803, %sub3A_1815 : i32
      %mul3A_1817 = arith.constant 128 : i32
      %mul3A_1818 = arith.muli %sub3A_1816, %mul3A_1817 : i32
      %add3A_1819 = arith.addi %mul3A_2, %mul3A_1818 : i32
      %dma_start3A_1820 = arith.constant 10 : i32
      %dma_start3A_1821 = arith.constant 0 : i32
      %dma_start3A_1822 = arith.constant 0 : i32
      %dma_start3A_1823 = tpu.memref_slice %arg6[%dma_start3A_1820, %dma_start3A_1821, %dma_start3A_1822] : memref<12x128x64xf32, #tpu.memory_space<vmem>> -> memref<1x128x64xf32, #tpu.memory_space<vmem>>
      %dma_start3A_1824 = tpu.memref_squeeze %dma_start3A_1823 : memref<1x128x64xf32, #tpu.memory_space<vmem>> -> memref<128x64xf32, #tpu.memory_space<vmem>>
      %dma_start3A_1825 = arith.constant 0 : i32
      %dma_start3A_1826 = tpu.memref_slice %arg4[%add3A_1819, %dma_start3A_1825] : memref<819200x64xf32, #tpu.memory_space<hbm>> -> memref<128x64xf32, #tpu.memory_space<hbm>>
      %dma_start3A_1827 = arith.constant 0 : i32
      %dma_start3A_1828 = tpu.memref_slice %arg4[%add3A_1819, %dma_start3A_1827] : memref<819200x64xf32, #tpu.memory_space<hbm>> -> memref<128x64xf32, #tpu.memory_space<hbm>>
      %dma_start3A_1829 = arith.constant 0 : i32
      %dma_start3A_1830 = arith.constant 0 : i32
      %dma_start3A_1831 = tpu.memref_slice %arg6[%dma_start3A_1820, %dma_start3A_1829, %dma_start3A_1830] : memref<12x128x64xf32, #tpu.memory_space<vmem>> -> memref<1x128x64xf32, #tpu.memory_space<vmem>>
      %dma_start3A_1832 = tpu.memref_squeeze %dma_start3A_1831 : memref<1x128x64xf32, #tpu.memory_space<vmem>> -> memref<128x64xf32, #tpu.memory_space<vmem>>
      tpu.enqueue_dma source(%dma_start3A_1832 : memref<128x64xf32, #tpu.memory_space<vmem>>) target(%dma_start3A_1828 : memref<128x64xf32, #tpu.memory_space<hbm>>) target_semaphore(%arg29 : memref<!tpu.dma_semaphore, #tpu.memory_space<semaphore_mem>>)
      %sub3A_1833 = arith.constant 8 : i32
      %sub3A_1834 = arith.subi %add3A_1803, %sub3A_1833 : i32
      %mul3A_1835 = arith.constant 128 : i32
      %mul3A_1836 = arith.muli %sub3A_1834, %mul3A_1835 : i32
      %add3A_1837 = arith.addi %mul3A_2, %mul3A_1836 : i32
      %dma_wait3A_1838 = arith.constant 9 : i32
      %dma_wait3A_1839 = arith.constant 0 : i32
      %dma_wait3A_1840 = arith.constant 0 : i32
      %dma_wait3A_1841 = tpu.memref_slice %arg6[%dma_wait3A_1838, %dma_wait3A_1839, %dma_wait3A_1840] : memref<12x128x64xf32, #tpu.memory_space<vmem>> -> memref<1x128x64xf32, #tpu.memory_space<vmem>>
      %dma_wait3A_1842 = tpu.memref_squeeze %dma_wait3A_1841 : memref<1x128x64xf32, #tpu.memory_space<vmem>> -> memref<128x64xf32, #tpu.memory_space<vmem>>
      %dma_wait3A_1843 = arith.constant 0 : i32
      %dma_wait3A_1844 = tpu.memref_slice %arg4[%add3A_1837, %dma_wait3A_1843] : memref<819200x64xf32, #tpu.memory_space<hbm>> -> memref<128x64xf32, #tpu.memory_space<hbm>>
      %dma_wait3A_1845 = arith.constant 0 : i32
      %dma_wait3A_1846 = tpu.memref_slice %arg4[%add3A_1837, %dma_wait3A_1845] : memref<819200x64xf32, #tpu.memory_space<hbm>> -> memref<128x64xf32, #tpu.memory_space<hbm>>
      %dma_wait3A_1847 = arith.constant 0 : i32
      %dma_wait3A_1848 = arith.constant 0 : i32
      %dma_wait3A_1849 = tpu.memref_slice %arg6[%dma_wait3A_1838, %dma_wait3A_1847, %dma_wait3A_1848] : memref<12x128x64xf32, #tpu.memory_space<vmem>> -> memref<1x128x64xf32, #tpu.memory_space<vmem>>
      %dma_wait3A_1850 = tpu.memref_squeeze %dma_wait3A_1849 : memref<1x128x64xf32, #tpu.memory_space<vmem>> -> memref<128x64xf32, #tpu.memory_space<vmem>>
      tpu.wait_dma2 semaphore(%arg28 : memref<!tpu.dma_semaphore, #tpu.memory_space<semaphore_mem>>) src(%dma_wait3A_1850 : memref<128x64xf32, #tpu.memory_space<vmem>>) dst(%dma_wait3A_1846 : memref<128x64xf32, #tpu.memory_space<hbm>>)
      %add3A_1851 = arith.constant 4 : i32
      %add3A_1852 = arith.addi %add3A_1803, %add3A_1851 : i32
      %dma_start3A_1853 = arith.constant 9 : i32
      %dma_start3A_1854 = arith.constant 0 : i32
      %dma_start3A_1855 = arith.constant 0 : i32
      %dma_start3A_1856 = tpu.memref_slice %arg6[%dma_start3A_1853, %dma_start3A_1854, %dma_start3A_1855] : memref<12x128x64xf32, #tpu.memory_space<vmem>> -> memref<1x128x64xf32, #tpu.memory_space<vmem>>
      %dma_start3A_1857 = tpu.memref_squeeze %dma_start3A_1856 : memref<1x128x64xf32, #tpu.memory_space<vmem>> -> memref<128x64xf32, #tpu.memory_space<vmem>>
      %dma_start3A_1858 = arith.constant 0 : i32
      %dma_start3A_1859 = tpu.memref_slice %arg5[%add3A_1852, %dma_start3A_1858] : memref<200x128xi32, #tpu.memory_space<vmem>> -> memref<1x128xi32, #tpu.memory_space<vmem>>
      %dma_start3A_1860 = tpu.memref_squeeze %dma_start3A_1859 : memref<1x128xi32, #tpu.memory_space<vmem>> -> memref<128xi32, #tpu.memory_space<vmem>>
      %dma_start3A_1861 = arith.constant 0 : i32
      %dma_start3A_1862 = arith.constant 0 : i32
      %dma_start3A_1863 = tpu.memref_slice %arg3[%dma_start3A_1861, %dma_start3A_1862] : memref<1000000x64xf32, #tpu.memory_space<hbm>> -> memref<1000000x64xf32, #tpu.memory_space<hbm>>
      tpu.enqueue_indirect_dma source(%dma_start3A_1863 : memref<1000000x64xf32, #tpu.memory_space<hbm>>) target(%dma_start3A_1857 : memref<128x64xf32, #tpu.memory_space<vmem>>) offsets(%dma_start3A_1860 : memref<128xi32, #tpu.memory_space<vmem>>) semaphore(%arg16 : memref<!tpu.dma_semaphore, #tpu.memory_space<semaphore_mem>>)
    }
    %scan3A_531 = arith.constant 15 : i32
    %dma_wait3A_532 = arith.constant 192 : i32
    %dma_wait3A_533 = arith.constant 0 : i32
    %dma_wait3A_534 = arith.constant 0 : i32
    %dma_wait3A_535 = arith.constant 0 : i32
    %dma_wait3A_536 = tpu.memref_slice %arg6[%dma_wait3A_533, %dma_wait3A_534, %dma_wait3A_535] : memref<12x128x64xf32, #tpu.memory_space<vmem>> -> memref<1x128x64xf32, #tpu.memory_space<vmem>>
    %dma_wait3A_537 = tpu.memref_squeeze %dma_wait3A_536 : memref<1x128x64xf32, #tpu.memory_space<vmem>> -> memref<128x64xf32, #tpu.memory_space<vmem>>
    %dma_wait3A_538 = arith.constant 0 : i32
    %dma_wait3A_539 = tpu.memref_slice %arg5[%dma_wait3A_532, %dma_wait3A_538] : memref<200x128xi32, #tpu.memory_space<vmem>> -> memref<1x128xi32, #tpu.memory_space<vmem>>
    %dma_wait3A_540 = tpu.memref_squeeze %dma_wait3A_539 : memref<1x128xi32, #tpu.memory_space<vmem>> -> memref<128xi32, #tpu.memory_space<vmem>>
    %dma_wait3A_541 = arith.constant 0 : i32
    %dma_wait3A_542 = arith.constant 0 : i32
    %dma_wait3A_543 = tpu.memref_slice %arg3[%dma_wait3A_541, %dma_wait3A_542] : memref<1000000x64xf32, #tpu.memory_space<hbm>> -> memref<1000000x64xf32, #tpu.memory_space<hbm>>
    tpu.wait_indirect_dma semaphore(%arg7 : memref<!tpu.dma_semaphore, #tpu.memory_space<semaphore_mem>>) src(%dma_wait3A_543 : memref<1000000x64xf32, #tpu.memory_space<hbm>>) dst(%dma_wait3A_537 : memref<128x64xf32, #tpu.memory_space<vmem>>)
    %add3A_544 = arith.constant 24064 : i32
    %add3A_545 = arith.addi %mul3A_2, %add3A_544 : i32
    %dma_start3A_546 = arith.constant 2 : i32
    %dma_start3A_547 = arith.constant 0 : i32
    %dma_start3A_548 = arith.constant 0 : i32
    %dma_start3A_549 = tpu.memref_slice %arg6[%dma_start3A_546, %dma_start3A_547, %dma_start3A_548] : memref<12x128x64xf32, #tpu.memory_space<vmem>> -> memref<1x128x64xf32, #tpu.memory_space<vmem>>
    %dma_start3A_550 = tpu.memref_squeeze %dma_start3A_549 : memref<1x128x64xf32, #tpu.memory_space<vmem>> -> memref<128x64xf32, #tpu.memory_space<vmem>>
    %dma_start3A_551 = arith.constant 0 : i32
    %dma_start3A_552 = tpu.memref_slice %arg4[%add3A_545, %dma_start3A_551] : memref<819200x64xf32, #tpu.memory_space<hbm>> -> memref<128x64xf32, #tpu.memory_space<hbm>>
    %dma_start3A_553 = arith.constant 0 : i32
    %dma_start3A_554 = tpu.memref_slice %arg4[%add3A_545, %dma_start3A_553] : memref<819200x64xf32, #tpu.memory_space<hbm>> -> memref<128x64xf32, #tpu.memory_space<hbm>>
    %dma_start3A_555 = arith.constant 0 : i32
    %dma_start3A_556 = arith.constant 0 : i32
    %dma_start3A_557 = tpu.memref_slice %arg6[%dma_start3A_546, %dma_start3A_555, %dma_start3A_556] : memref<12x128x64xf32, #tpu.memory_space<vmem>> -> memref<1x128x64xf32, #tpu.memory_space<vmem>>
    %dma_start3A_558 = tpu.memref_squeeze %dma_start3A_557 : memref<1x128x64xf32, #tpu.memory_space<vmem>> -> memref<128x64xf32, #tpu.memory_space<vmem>>
    tpu.enqueue_dma source(%dma_start3A_558 : memref<128x64xf32, #tpu.memory_space<vmem>>) target(%dma_start3A_554 : memref<128x64xf32, #tpu.memory_space<hbm>>) target_semaphore(%arg21 : memref<!tpu.dma_semaphore, #tpu.memory_space<semaphore_mem>>)
    %add3A_559 = arith.constant 23552 : i32
    %add3A_560 = arith.addi %mul3A_2, %add3A_559 : i32
    %dma_wait3A_561 = arith.constant 1 : i32
    %dma_wait3A_562 = arith.constant 0 : i32
    %dma_wait3A_563 = arith.constant 0 : i32
    %dma_wait3A_564 = tpu.memref_slice %arg6[%dma_wait3A_561, %dma_wait3A_562, %dma_wait3A_563] : memref<12x128x64xf32, #tpu.memory_space<vmem>> -> memref<1x128x64xf32, #tpu.memory_space<vmem>>
    %dma_wait3A_565 = tpu.memref_squeeze %dma_wait3A_564 : memref<1x128x64xf32, #tpu.memory_space<vmem>> -> memref<128x64xf32, #tpu.memory_space<vmem>>
    %dma_wait3A_566 = arith.constant 0 : i32
    %dma_wait3A_567 = tpu.memref_slice %arg4[%add3A_560, %dma_wait3A_566] : memref<819200x64xf32, #tpu.memory_space<hbm>> -> memref<128x64xf32, #tpu.memory_space<hbm>>
    %dma_wait3A_568 = arith.constant 0 : i32
    %dma_wait3A_569 = tpu.memref_slice %arg4[%add3A_560, %dma_wait3A_568] : memref<819200x64xf32, #tpu.memory_space<hbm>> -> memref<128x64xf32, #tpu.memory_space<hbm>>
    %dma_wait3A_570 = arith.constant 0 : i32
    %dma_wait3A_571 = arith.constant 0 : i32
    %dma_wait3A_572 = tpu.memref_slice %arg6[%dma_wait3A_561, %dma_wait3A_570, %dma_wait3A_571] : memref<12x128x64xf32, #tpu.memory_space<vmem>> -> memref<1x128x64xf32, #tpu.memory_space<vmem>>
    %dma_wait3A_573 = tpu.memref_squeeze %dma_wait3A_572 : memref<1x128x64xf32, #tpu.memory_space<vmem>> -> memref<128x64xf32, #tpu.memory_space<vmem>>
    tpu.wait_dma2 semaphore(%arg20 : memref<!tpu.dma_semaphore, #tpu.memory_space<semaphore_mem>>) src(%dma_wait3A_573 : memref<128x64xf32, #tpu.memory_space<vmem>>) dst(%dma_wait3A_569 : memref<128x64xf32, #tpu.memory_space<hbm>>)
    %dma_start3A_574 = arith.constant 196 : i32
    %dma_start3A_575 = arith.constant 1 : i32
    %dma_start3A_576 = arith.constant 0 : i32
    %dma_start3A_577 = arith.constant 0 : i32
    %dma_start3A_578 = tpu.memref_slice %arg6[%dma_start3A_575, %dma_start3A_576, %dma_start3A_577] : memref<12x128x64xf32, #tpu.memory_space<vmem>> -> memref<1x128x64xf32, #tpu.memory_space<vmem>>
    %dma_start3A_579 = tpu.memref_squeeze %dma_start3A_578 : memref<1x128x64xf32, #tpu.memory_space<vmem>> -> memref<128x64xf32, #tpu.memory_space<vmem>>
    %dma_start3A_580 = arith.constant 0 : i32
    %dma_start3A_581 = tpu.memref_slice %arg5[%dma_start3A_574, %dma_start3A_580] : memref<200x128xi32, #tpu.memory_space<vmem>> -> memref<1x128xi32, #tpu.memory_space<vmem>>
    %dma_start3A_582 = tpu.memref_squeeze %dma_start3A_581 : memref<1x128xi32, #tpu.memory_space<vmem>> -> memref<128xi32, #tpu.memory_space<vmem>>
    %dma_start3A_583 = arith.constant 0 : i32
    %dma_start3A_584 = arith.constant 0 : i32
    %dma_start3A_585 = tpu.memref_slice %arg3[%dma_start3A_583, %dma_start3A_584] : memref<1000000x64xf32, #tpu.memory_space<hbm>> -> memref<1000000x64xf32, #tpu.memory_space<hbm>>
    tpu.enqueue_indirect_dma source(%dma_start3A_585 : memref<1000000x64xf32, #tpu.memory_space<hbm>>) target(%dma_start3A_579 : memref<128x64xf32, #tpu.memory_space<vmem>>) offsets(%dma_start3A_582 : memref<128xi32, #tpu.memory_space<vmem>>) semaphore(%arg8 : memref<!tpu.dma_semaphore, #tpu.memory_space<semaphore_mem>>)
    %dma_wait3A_586 = arith.constant 193 : i32
    %dma_wait3A_587 = arith.constant 3 : i32
    %dma_wait3A_588 = arith.constant 0 : i32
    %dma_wait3A_589 = arith.constant 0 : i32
    %dma_wait3A_590 = tpu.memref_slice %arg6[%dma_wait3A_587, %dma_wait3A_588, %dma_wait3A_589] : memref<12x128x64xf32, #tpu.memory_space<vmem>> -> memref<1x128x64xf32, #tpu.memory_space<vmem>>
    %dma_wait3A_591 = tpu.memref_squeeze %dma_wait3A_590 : memref<1x128x64xf32, #tpu.memory_space<vmem>> -> memref<128x64xf32, #tpu.memory_space<vmem>>
    %dma_wait3A_592 = arith.constant 0 : i32
    %dma_wait3A_593 = tpu.memref_slice %arg5[%dma_wait3A_586, %dma_wait3A_592] : memref<200x128xi32, #tpu.memory_space<vmem>> -> memref<1x128xi32, #tpu.memory_space<vmem>>
    %dma_wait3A_594 = tpu.memref_squeeze %dma_wait3A_593 : memref<1x128xi32, #tpu.memory_space<vmem>> -> memref<128xi32, #tpu.memory_space<vmem>>
    %dma_wait3A_595 = arith.constant 0 : i32
    %dma_wait3A_596 = arith.constant 0 : i32
    %dma_wait3A_597 = tpu.memref_slice %arg3[%dma_wait3A_595, %dma_wait3A_596] : memref<1000000x64xf32, #tpu.memory_space<hbm>> -> memref<1000000x64xf32, #tpu.memory_space<hbm>>
    tpu.wait_indirect_dma semaphore(%arg10 : memref<!tpu.dma_semaphore, #tpu.memory_space<semaphore_mem>>) src(%dma_wait3A_597 : memref<1000000x64xf32, #tpu.memory_space<hbm>>) dst(%dma_wait3A_591 : memref<128x64xf32, #tpu.memory_space<vmem>>)
    %add3A_598 = arith.constant 24192 : i32
    %add3A_599 = arith.addi %mul3A_2, %add3A_598 : i32
    %dma_start3A_600 = arith.constant 5 : i32
    %dma_start3A_601 = arith.constant 0 : i32
    %dma_start3A_602 = arith.constant 0 : i32
    %dma_start3A_603 = tpu.memref_slice %arg6[%dma_start3A_600, %dma_start3A_601, %dma_start3A_602] : memref<12x128x64xf32, #tpu.memory_space<vmem>> -> memref<1x128x64xf32, #tpu.memory_space<vmem>>
    %dma_start3A_604 = tpu.memref_squeeze %dma_start3A_603 : memref<1x128x64xf32, #tpu.memory_space<vmem>> -> memref<128x64xf32, #tpu.memory_space<vmem>>
    %dma_start3A_605 = arith.constant 0 : i32
    %dma_start3A_606 = tpu.memref_slice %arg4[%add3A_599, %dma_start3A_605] : memref<819200x64xf32, #tpu.memory_space<hbm>> -> memref<128x64xf32, #tpu.memory_space<hbm>>
    %dma_start3A_607 = arith.constant 0 : i32
    %dma_start3A_608 = tpu.memref_slice %arg4[%add3A_599, %dma_start3A_607] : memref<819200x64xf32, #tpu.memory_space<hbm>> -> memref<128x64xf32, #tpu.memory_space<hbm>>
    %dma_start3A_609 = arith.constant 0 : i32
    %dma_start3A_610 = arith.constant 0 : i32
    %dma_start3A_611 = tpu.memref_slice %arg6[%dma_start3A_600, %dma_start3A_609, %dma_start3A_610] : memref<12x128x64xf32, #tpu.memory_space<vmem>> -> memref<1x128x64xf32, #tpu.memory_space<vmem>>
    %dma_start3A_612 = tpu.memref_squeeze %dma_start3A_611 : memref<1x128x64xf32, #tpu.memory_space<vmem>> -> memref<128x64xf32, #tpu.memory_space<vmem>>
    tpu.enqueue_dma source(%dma_start3A_612 : memref<128x64xf32, #tpu.memory_space<vmem>>) target(%dma_start3A_608 : memref<128x64xf32, #tpu.memory_space<hbm>>) target_semaphore(%arg24 : memref<!tpu.dma_semaphore, #tpu.memory_space<semaphore_mem>>)
    %add3A_613 = arith.constant 23680 : i32
    %add3A_614 = arith.addi %mul3A_2, %add3A_613 : i32
    %dma_wait3A_615 = arith.constant 4 : i32
    %dma_wait3A_616 = arith.constant 0 : i32
    %dma_wait3A_617 = arith.constant 0 : i32
    %dma_wait3A_618 = tpu.memref_slice %arg6[%dma_wait3A_615, %dma_wait3A_616, %dma_wait3A_617] : memref<12x128x64xf32, #tpu.memory_space<vmem>> -> memref<1x128x64xf32, #tpu.memory_space<vmem>>
    %dma_wait3A_619 = tpu.memref_squeeze %dma_wait3A_618 : memref<1x128x64xf32, #tpu.memory_space<vmem>> -> memref<128x64xf32, #tpu.memory_space<vmem>>
    %dma_wait3A_620 = arith.constant 0 : i32
    %dma_wait3A_621 = tpu.memref_slice %arg4[%add3A_614, %dma_wait3A_620] : memref<819200x64xf32, #tpu.memory_space<hbm>> -> memref<128x64xf32, #tpu.memory_space<hbm>>
    %dma_wait3A_622 = arith.constant 0 : i32
    %dma_wait3A_623 = tpu.memref_slice %arg4[%add3A_614, %dma_wait3A_622] : memref<819200x64xf32, #tpu.memory_space<hbm>> -> memref<128x64xf32, #tpu.memory_space<hbm>>
    %dma_wait3A_624 = arith.constant 0 : i32
    %dma_wait3A_625 = arith.constant 0 : i32
    %dma_wait3A_626 = tpu.memref_slice %arg6[%dma_wait3A_615, %dma_wait3A_624, %dma_wait3A_625] : memref<12x128x64xf32, #tpu.memory_space<vmem>> -> memref<1x128x64xf32, #tpu.memory_space<vmem>>
    %dma_wait3A_627 = tpu.memref_squeeze %dma_wait3A_626 : memref<1x128x64xf32, #tpu.memory_space<vmem>> -> memref<128x64xf32, #tpu.memory_space<vmem>>
    tpu.wait_dma2 semaphore(%arg23 : memref<!tpu.dma_semaphore, #tpu.memory_space<semaphore_mem>>) src(%dma_wait3A_627 : memref<128x64xf32, #tpu.memory_space<vmem>>) dst(%dma_wait3A_623 : memref<128x64xf32, #tpu.memory_space<hbm>>)
    %dma_start3A_628 = arith.constant 197 : i32
    %dma_start3A_629 = arith.constant 4 : i32
    %dma_start3A_630 = arith.constant 0 : i32
    %dma_start3A_631 = arith.constant 0 : i32
    %dma_start3A_632 = tpu.memref_slice %arg6[%dma_start3A_629, %dma_start3A_630, %dma_start3A_631] : memref<12x128x64xf32, #tpu.memory_space<vmem>> -> memref<1x128x64xf32, #tpu.memory_space<vmem>>
    %dma_start3A_633 = tpu.memref_squeeze %dma_start3A_632 : memref<1x128x64xf32, #tpu.memory_space<vmem>> -> memref<128x64xf32, #tpu.memory_space<vmem>>
    %dma_start3A_634 = arith.constant 0 : i32
    %dma_start3A_635 = tpu.memref_slice %arg5[%dma_start3A_628, %dma_start3A_634] : memref<200x128xi32, #tpu.memory_space<vmem>> -> memref<1x128xi32, #tpu.memory_space<vmem>>
    %dma_start3A_636 = tpu.memref_squeeze %dma_start3A_635 : memref<1x128xi32, #tpu.memory_space<vmem>> -> memref<128xi32, #tpu.memory_space<vmem>>
    %dma_start3A_637 = arith.constant 0 : i32
    %dma_start3A_638 = arith.constant 0 : i32
    %dma_start3A_639 = tpu.memref_slice %arg3[%dma_start3A_637, %dma_start3A_638] : memref<1000000x64xf32, #tpu.memory_space<hbm>> -> memref<1000000x64xf32, #tpu.memory_space<hbm>>
    tpu.enqueue_indirect_dma source(%dma_start3A_639 : memref<1000000x64xf32, #tpu.memory_space<hbm>>) target(%dma_start3A_633 : memref<128x64xf32, #tpu.memory_space<vmem>>) offsets(%dma_start3A_636 : memref<128xi32, #tpu.memory_space<vmem>>) semaphore(%arg11 : memref<!tpu.dma_semaphore, #tpu.memory_space<semaphore_mem>>)
    %dma_wait3A_640 = arith.constant 194 : i32
    %dma_wait3A_641 = arith.constant 6 : i32
    %dma_wait3A_642 = arith.constant 0 : i32
    %dma_wait3A_643 = arith.constant 0 : i32
    %dma_wait3A_644 = tpu.memref_slice %arg6[%dma_wait3A_641, %dma_wait3A_642, %dma_wait3A_643] : memref<12x128x64xf32, #tpu.memory_space<vmem>> -> memref<1x128x64xf32, #tpu.memory_space<vmem>>
    %dma_wait3A_645 = tpu.memref_squeeze %dma_wait3A_644 : memref<1x128x64xf32, #tpu.memory_space<vmem>> -> memref<128x64xf32, #tpu.memory_space<vmem>>
    %dma_wait3A_646 = arith.constant 0 : i32
    %dma_wait3A_647 = tpu.memref_slice %arg5[%dma_wait3A_640, %dma_wait3A_646] : memref<200x128xi32, #tpu.memory_space<vmem>> -> memref<1x128xi32, #tpu.memory_space<vmem>>
    %dma_wait3A_648 = tpu.memref_squeeze %dma_wait3A_647 : memref<1x128xi32, #tpu.memory_space<vmem>> -> memref<128xi32, #tpu.memory_space<vmem>>
    %dma_wait3A_649 = arith.constant 0 : i32
    %dma_wait3A_650 = arith.constant 0 : i32
    %dma_wait3A_651 = tpu.memref_slice %arg3[%dma_wait3A_649, %dma_wait3A_650] : memref<1000000x64xf32, #tpu.memory_space<hbm>> -> memref<1000000x64xf32, #tpu.memory_space<hbm>>
    tpu.wait_indirect_dma semaphore(%arg13 : memref<!tpu.dma_semaphore, #tpu.memory_space<semaphore_mem>>) src(%dma_wait3A_651 : memref<1000000x64xf32, #tpu.memory_space<hbm>>) dst(%dma_wait3A_645 : memref<128x64xf32, #tpu.memory_space<vmem>>)
    %add3A_652 = arith.constant 24320 : i32
    %add3A_653 = arith.addi %mul3A_2, %add3A_652 : i32
    %dma_start3A_654 = arith.constant 8 : i32
    %dma_start3A_655 = arith.constant 0 : i32
    %dma_start3A_656 = arith.constant 0 : i32
    %dma_start3A_657 = tpu.memref_slice %arg6[%dma_start3A_654, %dma_start3A_655, %dma_start3A_656] : memref<12x128x64xf32, #tpu.memory_space<vmem>> -> memref<1x128x64xf32, #tpu.memory_space<vmem>>
    %dma_start3A_658 = tpu.memref_squeeze %dma_start3A_657 : memref<1x128x64xf32, #tpu.memory_space<vmem>> -> memref<128x64xf32, #tpu.memory_space<vmem>>
    %dma_start3A_659 = arith.constant 0 : i32
    %dma_start3A_660 = tpu.memref_slice %arg4[%add3A_653, %dma_start3A_659] : memref<819200x64xf32, #tpu.memory_space<hbm>> -> memref<128x64xf32, #tpu.memory_space<hbm>>
    %dma_start3A_661 = arith.constant 0 : i32
    %dma_start3A_662 = tpu.memref_slice %arg4[%add3A_653, %dma_start3A_661] : memref<819200x64xf32, #tpu.memory_space<hbm>> -> memref<128x64xf32, #tpu.memory_space<hbm>>
    %dma_start3A_663 = arith.constant 0 : i32
    %dma_start3A_664 = arith.constant 0 : i32
    %dma_start3A_665 = tpu.memref_slice %arg6[%dma_start3A_654, %dma_start3A_663, %dma_start3A_664] : memref<12x128x64xf32, #tpu.memory_space<vmem>> -> memref<1x128x64xf32, #tpu.memory_space<vmem>>
    %dma_start3A_666 = tpu.memref_squeeze %dma_start3A_665 : memref<1x128x64xf32, #tpu.memory_space<vmem>> -> memref<128x64xf32, #tpu.memory_space<vmem>>
    tpu.enqueue_dma source(%dma_start3A_666 : memref<128x64xf32, #tpu.memory_space<vmem>>) target(%dma_start3A_662 : memref<128x64xf32, #tpu.memory_space<hbm>>) target_semaphore(%arg27 : memref<!tpu.dma_semaphore, #tpu.memory_space<semaphore_mem>>)
    %add3A_667 = arith.constant 23808 : i32
    %add3A_668 = arith.addi %mul3A_2, %add3A_667 : i32
    %dma_wait3A_669 = arith.constant 7 : i32
    %dma_wait3A_670 = arith.constant 0 : i32
    %dma_wait3A_671 = arith.constant 0 : i32
    %dma_wait3A_672 = tpu.memref_slice %arg6[%dma_wait3A_669, %dma_wait3A_670, %dma_wait3A_671] : memref<12x128x64xf32, #tpu.memory_space<vmem>> -> memref<1x128x64xf32, #tpu.memory_space<vmem>>
    %dma_wait3A_673 = tpu.memref_squeeze %dma_wait3A_672 : memref<1x128x64xf32, #tpu.memory_space<vmem>> -> memref<128x64xf32, #tpu.memory_space<vmem>>
    %dma_wait3A_674 = arith.constant 0 : i32
    %dma_wait3A_675 = tpu.memref_slice %arg4[%add3A_668, %dma_wait3A_674] : memref<819200x64xf32, #tpu.memory_space<hbm>> -> memref<128x64xf32, #tpu.memory_space<hbm>>
    %dma_wait3A_676 = arith.constant 0 : i32
    %dma_wait3A_677 = tpu.memref_slice %arg4[%add3A_668, %dma_wait3A_676] : memref<819200x64xf32, #tpu.memory_space<hbm>> -> memref<128x64xf32, #tpu.memory_space<hbm>>
    %dma_wait3A_678 = arith.constant 0 : i32
    %dma_wait3A_679 = arith.constant 0 : i32
    %dma_wait3A_680 = tpu.memref_slice %arg6[%dma_wait3A_669, %dma_wait3A_678, %dma_wait3A_679] : memref<12x128x64xf32, #tpu.memory_space<vmem>> -> memref<1x128x64xf32, #tpu.memory_space<vmem>>
    %dma_wait3A_681 = tpu.memref_squeeze %dma_wait3A_680 : memref<1x128x64xf32, #tpu.memory_space<vmem>> -> memref<128x64xf32, #tpu.memory_space<vmem>>
    tpu.wait_dma2 semaphore(%arg26 : memref<!tpu.dma_semaphore, #tpu.memory_space<semaphore_mem>>) src(%dma_wait3A_681 : memref<128x64xf32, #tpu.memory_space<vmem>>) dst(%dma_wait3A_677 : memref<128x64xf32, #tpu.memory_space<hbm>>)
    %dma_start3A_682 = arith.constant 198 : i32
    %dma_start3A_683 = arith.constant 7 : i32
    %dma_start3A_684 = arith.constant 0 : i32
    %dma_start3A_685 = arith.constant 0 : i32
    %dma_start3A_686 = tpu.memref_slice %arg6[%dma_start3A_683, %dma_start3A_684, %dma_start3A_685] : memref<12x128x64xf32, #tpu.memory_space<vmem>> -> memref<1x128x64xf32, #tpu.memory_space<vmem>>
    %dma_start3A_687 = tpu.memref_squeeze %dma_start3A_686 : memref<1x128x64xf32, #tpu.memory_space<vmem>> -> memref<128x64xf32, #tpu.memory_space<vmem>>
    %dma_start3A_688 = arith.constant 0 : i32
    %dma_start3A_689 = tpu.memref_slice %arg5[%dma_start3A_682, %dma_start3A_688] : memref<200x128xi32, #tpu.memory_space<vmem>> -> memref<1x128xi32, #tpu.memory_space<vmem>>
    %dma_start3A_690 = tpu.memref_squeeze %dma_start3A_689 : memref<1x128xi32, #tpu.memory_space<vmem>> -> memref<128xi32, #tpu.memory_space<vmem>>
    %dma_start3A_691 = arith.constant 0 : i32
    %dma_start3A_692 = arith.constant 0 : i32
    %dma_start3A_693 = tpu.memref_slice %arg3[%dma_start3A_691, %dma_start3A_692] : memref<1000000x64xf32, #tpu.memory_space<hbm>> -> memref<1000000x64xf32, #tpu.memory_space<hbm>>
    tpu.enqueue_indirect_dma source(%dma_start3A_693 : memref<1000000x64xf32, #tpu.memory_space<hbm>>) target(%dma_start3A_687 : memref<128x64xf32, #tpu.memory_space<vmem>>) offsets(%dma_start3A_690 : memref<128xi32, #tpu.memory_space<vmem>>) semaphore(%arg14 : memref<!tpu.dma_semaphore, #tpu.memory_space<semaphore_mem>>)
    %dma_wait3A_694 = arith.constant 195 : i32
    %dma_wait3A_695 = arith.constant 9 : i32
    %dma_wait3A_696 = arith.constant 0 : i32
    %dma_wait3A_697 = arith.constant 0 : i32
    %dma_wait3A_698 = tpu.memref_slice %arg6[%dma_wait3A_695, %dma_wait3A_696, %dma_wait3A_697] : memref<12x128x64xf32, #tpu.memory_space<vmem>> -> memref<1x128x64xf32, #tpu.memory_space<vmem>>
    %dma_wait3A_699 = tpu.memref_squeeze %dma_wait3A_698 : memref<1x128x64xf32, #tpu.memory_space<vmem>> -> memref<128x64xf32, #tpu.memory_space<vmem>>
    %dma_wait3A_700 = arith.constant 0 : i32
    %dma_wait3A_701 = tpu.memref_slice %arg5[%dma_wait3A_694, %dma_wait3A_700] : memref<200x128xi32, #tpu.memory_space<vmem>> -> memref<1x128xi32, #tpu.memory_space<vmem>>
    %dma_wait3A_702 = tpu.memref_squeeze %dma_wait3A_701 : memref<1x128xi32, #tpu.memory_space<vmem>> -> memref<128xi32, #tpu.memory_space<vmem>>
    %dma_wait3A_703 = arith.constant 0 : i32
    %dma_wait3A_704 = arith.constant 0 : i32
    %dma_wait3A_705 = tpu.memref_slice %arg3[%dma_wait3A_703, %dma_wait3A_704] : memref<1000000x64xf32, #tpu.memory_space<hbm>> -> memref<1000000x64xf32, #tpu.memory_space<hbm>>
    tpu.wait_indirect_dma semaphore(%arg16 : memref<!tpu.dma_semaphore, #tpu.memory_space<semaphore_mem>>) src(%dma_wait3A_705 : memref<1000000x64xf32, #tpu.memory_space<hbm>>) dst(%dma_wait3A_699 : memref<128x64xf32, #tpu.memory_space<vmem>>)
    %add3A_706 = arith.constant 24448 : i32
    %add3A_707 = arith.addi %mul3A_2, %add3A_706 : i32
    %dma_start3A_708 = arith.constant 11 : i32
    %dma_start3A_709 = arith.constant 0 : i32
    %dma_start3A_710 = arith.constant 0 : i32
    %dma_start3A_711 = tpu.memref_slice %arg6[%dma_start3A_708, %dma_start3A_709, %dma_start3A_710] : memref<12x128x64xf32, #tpu.memory_space<vmem>> -> memref<1x128x64xf32, #tpu.memory_space<vmem>>
    %dma_start3A_712 = tpu.memref_squeeze %dma_start3A_711 : memref<1x128x64xf32, #tpu.memory_space<vmem>> -> memref<128x64xf32, #tpu.memory_space<vmem>>
    %dma_start3A_713 = arith.constant 0 : i32
    %dma_start3A_714 = tpu.memref_slice %arg4[%add3A_707, %dma_start3A_713] : memref<819200x64xf32, #tpu.memory_space<hbm>> -> memref<128x64xf32, #tpu.memory_space<hbm>>
    %dma_start3A_715 = arith.constant 0 : i32
    %dma_start3A_716 = tpu.memref_slice %arg4[%add3A_707, %dma_start3A_715] : memref<819200x64xf32, #tpu.memory_space<hbm>> -> memref<128x64xf32, #tpu.memory_space<hbm>>
    %dma_start3A_717 = arith.constant 0 : i32
    %dma_start3A_718 = arith.constant 0 : i32
    %dma_start3A_719 = tpu.memref_slice %arg6[%dma_start3A_708, %dma_start3A_717, %dma_start3A_718] : memref<12x128x64xf32, #tpu.memory_space<vmem>> -> memref<1x128x64xf32, #tpu.memory_space<vmem>>
    %dma_start3A_720 = tpu.memref_squeeze %dma_start3A_719 : memref<1x128x64xf32, #tpu.memory_space<vmem>> -> memref<128x64xf32, #tpu.memory_space<vmem>>
    tpu.enqueue_dma source(%dma_start3A_720 : memref<128x64xf32, #tpu.memory_space<vmem>>) target(%dma_start3A_716 : memref<128x64xf32, #tpu.memory_space<hbm>>) target_semaphore(%arg30 : memref<!tpu.dma_semaphore, #tpu.memory_space<semaphore_mem>>)
    %add3A_721 = arith.constant 23936 : i32
    %add3A_722 = arith.addi %mul3A_2, %add3A_721 : i32
    %dma_wait3A_723 = arith.constant 10 : i32
    %dma_wait3A_724 = arith.constant 0 : i32
    %dma_wait3A_725 = arith.constant 0 : i32
    %dma_wait3A_726 = tpu.memref_slice %arg6[%dma_wait3A_723, %dma_wait3A_724, %dma_wait3A_725] : memref<12x128x64xf32, #tpu.memory_space<vmem>> -> memref<1x128x64xf32, #tpu.memory_space<vmem>>
    %dma_wait3A_727 = tpu.memref_squeeze %dma_wait3A_726 : memref<1x128x64xf32, #tpu.memory_space<vmem>> -> memref<128x64xf32, #tpu.memory_space<vmem>>
    %dma_wait3A_728 = arith.constant 0 : i32
    %dma_wait3A_729 = tpu.memref_slice %arg4[%add3A_722, %dma_wait3A_728] : memref<819200x64xf32, #tpu.memory_space<hbm>> -> memref<128x64xf32, #tpu.memory_space<hbm>>
    %dma_wait3A_730 = arith.constant 0 : i32
    %dma_wait3A_731 = tpu.memref_slice %arg4[%add3A_722, %dma_wait3A_730] : memref<819200x64xf32, #tpu.memory_space<hbm>> -> memref<128x64xf32, #tpu.memory_space<hbm>>
    %dma_wait3A_732 = arith.constant 0 : i32
    %dma_wait3A_733 = arith.constant 0 : i32
    %dma_wait3A_734 = tpu.memref_slice %arg6[%dma_wait3A_723, %dma_wait3A_732, %dma_wait3A_733] : memref<12x128x64xf32, #tpu.memory_space<vmem>> -> memref<1x128x64xf32, #tpu.memory_space<vmem>>
    %dma_wait3A_735 = tpu.memref_squeeze %dma_wait3A_734 : memref<1x128x64xf32, #tpu.memory_space<vmem>> -> memref<128x64xf32, #tpu.memory_space<vmem>>
    tpu.wait_dma2 semaphore(%arg29 : memref<!tpu.dma_semaphore, #tpu.memory_space<semaphore_mem>>) src(%dma_wait3A_735 : memref<128x64xf32, #tpu.memory_space<vmem>>) dst(%dma_wait3A_731 : memref<128x64xf32, #tpu.memory_space<hbm>>)
    %dma_start3A_736 = arith.constant 199 : i32
    %dma_start3A_737 = arith.constant 10 : i32
    %dma_start3A_738 = arith.constant 0 : i32
    %dma_start3A_739 = arith.constant 0 : i32
    %dma_start3A_740 = tpu.memref_slice %arg6[%dma_start3A_737, %dma_start3A_738, %dma_start3A_739] : memref<12x128x64xf32, #tpu.memory_space<vmem>> -> memref<1x128x64xf32, #tpu.memory_space<vmem>>
    %dma_start3A_741 = tpu.memref_squeeze %dma_start3A_740 : memref<1x128x64xf32, #tpu.memory_space<vmem>> -> memref<128x64xf32, #tpu.memory_space<vmem>>
    %dma_start3A_742 = arith.constant 0 : i32
    %dma_start3A_743 = tpu.memref_slice %arg5[%dma_start3A_736, %dma_start3A_742] : memref<200x128xi32, #tpu.memory_space<vmem>> -> memref<1x128xi32, #tpu.memory_space<vmem>>
    %dma_start3A_744 = tpu.memref_squeeze %dma_start3A_743 : memref<1x128xi32, #tpu.memory_space<vmem>> -> memref<128xi32, #tpu.memory_space<vmem>>
    %dma_start3A_745 = arith.constant 0 : i32
    %dma_start3A_746 = arith.constant 0 : i32
    %dma_start3A_747 = tpu.memref_slice %arg3[%dma_start3A_745, %dma_start3A_746] : memref<1000000x64xf32, #tpu.memory_space<hbm>> -> memref<1000000x64xf32, #tpu.memory_space<hbm>>
    tpu.enqueue_indirect_dma source(%dma_start3A_747 : memref<1000000x64xf32, #tpu.memory_space<hbm>>) target(%dma_start3A_741 : memref<128x64xf32, #tpu.memory_space<vmem>>) offsets(%dma_start3A_744 : memref<128xi32, #tpu.memory_space<vmem>>) semaphore(%arg17 : memref<!tpu.dma_semaphore, #tpu.memory_space<semaphore_mem>>)
    %dma_wait3A_748 = arith.constant 196 : i32
    %dma_wait3A_749 = arith.constant 1 : i32
    %dma_wait3A_750 = arith.constant 0 : i32
    %dma_wait3A_751 = arith.constant 0 : i32
    %dma_wait3A_752 = tpu.memref_slice %arg6[%dma_wait3A_749, %dma_wait3A_750, %dma_wait3A_751] : memref<12x128x64xf32, #tpu.memory_space<vmem>> -> memref<1x128x64xf32, #tpu.memory_space<vmem>>
    %dma_wait3A_753 = tpu.memref_squeeze %dma_wait3A_752 : memref<1x128x64xf32, #tpu.memory_space<vmem>> -> memref<128x64xf32, #tpu.memory_space<vmem>>
    %dma_wait3A_754 = arith.constant 0 : i32
    %dma_wait3A_755 = tpu.memref_slice %arg5[%dma_wait3A_748, %dma_wait3A_754] : memref<200x128xi32, #tpu.memory_space<vmem>> -> memref<1x128xi32, #tpu.memory_space<vmem>>
    %dma_wait3A_756 = tpu.memref_squeeze %dma_wait3A_755 : memref<1x128xi32, #tpu.memory_space<vmem>> -> memref<128xi32, #tpu.memory_space<vmem>>
    %dma_wait3A_757 = arith.constant 0 : i32
    %dma_wait3A_758 = arith.constant 0 : i32
    %dma_wait3A_759 = tpu.memref_slice %arg3[%dma_wait3A_757, %dma_wait3A_758] : memref<1000000x64xf32, #tpu.memory_space<hbm>> -> memref<1000000x64xf32, #tpu.memory_space<hbm>>
    tpu.wait_indirect_dma semaphore(%arg8 : memref<!tpu.dma_semaphore, #tpu.memory_space<semaphore_mem>>) src(%dma_wait3A_759 : memref<1000000x64xf32, #tpu.memory_space<hbm>>) dst(%dma_wait3A_753 : memref<128x64xf32, #tpu.memory_space<vmem>>)
    %add3A_760 = arith.constant 24576 : i32
    %add3A_761 = arith.addi %mul3A_2, %add3A_760 : i32
    %dma_start3A_762 = arith.constant 0 : i32
    %dma_start3A_763 = arith.constant 0 : i32
    %dma_start3A_764 = arith.constant 0 : i32
    %dma_start3A_765 = tpu.memref_slice %arg6[%dma_start3A_762, %dma_start3A_763, %dma_start3A_764] : memref<12x128x64xf32, #tpu.memory_space<vmem>> -> memref<1x128x64xf32, #tpu.memory_space<vmem>>
    %dma_start3A_766 = tpu.memref_squeeze %dma_start3A_765 : memref<1x128x64xf32, #tpu.memory_space<vmem>> -> memref<128x64xf32, #tpu.memory_space<vmem>>
    %dma_start3A_767 = arith.constant 0 : i32
    %dma_start3A_768 = tpu.memref_slice %arg4[%add3A_761, %dma_start3A_767] : memref<819200x64xf32, #tpu.memory_space<hbm>> -> memref<128x64xf32, #tpu.memory_space<hbm>>
    %dma_start3A_769 = arith.constant 0 : i32
    %dma_start3A_770 = tpu.memref_slice %arg4[%add3A_761, %dma_start3A_769] : memref<819200x64xf32, #tpu.memory_space<hbm>> -> memref<128x64xf32, #tpu.memory_space<hbm>>
    %dma_start3A_771 = arith.constant 0 : i32
    %dma_start3A_772 = arith.constant 0 : i32
    %dma_start3A_773 = tpu.memref_slice %arg6[%dma_start3A_762, %dma_start3A_771, %dma_start3A_772] : memref<12x128x64xf32, #tpu.memory_space<vmem>> -> memref<1x128x64xf32, #tpu.memory_space<vmem>>
    %dma_start3A_774 = tpu.memref_squeeze %dma_start3A_773 : memref<1x128x64xf32, #tpu.memory_space<vmem>> -> memref<128x64xf32, #tpu.memory_space<vmem>>
    tpu.enqueue_dma source(%dma_start3A_774 : memref<128x64xf32, #tpu.memory_space<vmem>>) target(%dma_start3A_770 : memref<128x64xf32, #tpu.memory_space<hbm>>) target_semaphore(%arg19 : memref<!tpu.dma_semaphore, #tpu.memory_space<semaphore_mem>>)
    %add3A_775 = arith.constant 24064 : i32
    %add3A_776 = arith.addi %mul3A_2, %add3A_775 : i32
    %dma_wait3A_777 = arith.constant 2 : i32
    %dma_wait3A_778 = arith.constant 0 : i32
    %dma_wait3A_779 = arith.constant 0 : i32
    %dma_wait3A_780 = tpu.memref_slice %arg6[%dma_wait3A_777, %dma_wait3A_778, %dma_wait3A_779] : memref<12x128x64xf32, #tpu.memory_space<vmem>> -> memref<1x128x64xf32, #tpu.memory_space<vmem>>
    %dma_wait3A_781 = tpu.memref_squeeze %dma_wait3A_780 : memref<1x128x64xf32, #tpu.memory_space<vmem>> -> memref<128x64xf32, #tpu.memory_space<vmem>>
    %dma_wait3A_782 = arith.constant 0 : i32
    %dma_wait3A_783 = tpu.memref_slice %arg4[%add3A_776, %dma_wait3A_782] : memref<819200x64xf32, #tpu.memory_space<hbm>> -> memref<128x64xf32, #tpu.memory_space<hbm>>
    %dma_wait3A_784 = arith.constant 0 : i32
    %dma_wait3A_785 = tpu.memref_slice %arg4[%add3A_776, %dma_wait3A_784] : memref<819200x64xf32, #tpu.memory_space<hbm>> -> memref<128x64xf32, #tpu.memory_space<hbm>>
    %dma_wait3A_786 = arith.constant 0 : i32
    %dma_wait3A_787 = arith.constant 0 : i32
    %dma_wait3A_788 = tpu.memref_slice %arg6[%dma_wait3A_777, %dma_wait3A_786, %dma_wait3A_787] : memref<12x128x64xf32, #tpu.memory_space<vmem>> -> memref<1x128x64xf32, #tpu.memory_space<vmem>>
    %dma_wait3A_789 = tpu.memref_squeeze %dma_wait3A_788 : memref<1x128x64xf32, #tpu.memory_space<vmem>> -> memref<128x64xf32, #tpu.memory_space<vmem>>
    tpu.wait_dma2 semaphore(%arg21 : memref<!tpu.dma_semaphore, #tpu.memory_space<semaphore_mem>>) src(%dma_wait3A_789 : memref<128x64xf32, #tpu.memory_space<vmem>>) dst(%dma_wait3A_785 : memref<128x64xf32, #tpu.memory_space<hbm>>)
    %dma_wait3A_790 = arith.constant 197 : i32
    %dma_wait3A_791 = arith.constant 4 : i32
    %dma_wait3A_792 = arith.constant 0 : i32
    %dma_wait3A_793 = arith.constant 0 : i32
    %dma_wait3A_794 = tpu.memref_slice %arg6[%dma_wait3A_791, %dma_wait3A_792, %dma_wait3A_793] : memref<12x128x64xf32, #tpu.memory_space<vmem>> -> memref<1x128x64xf32, #tpu.memory_space<vmem>>
    %dma_wait3A_795 = tpu.memref_squeeze %dma_wait3A_794 : memref<1x128x64xf32, #tpu.memory_space<vmem>> -> memref<128x64xf32, #tpu.memory_space<vmem>>
    %dma_wait3A_796 = arith.constant 0 : i32
    %dma_wait3A_797 = tpu.memref_slice %arg5[%dma_wait3A_790, %dma_wait3A_796] : memref<200x128xi32, #tpu.memory_space<vmem>> -> memref<1x128xi32, #tpu.memory_space<vmem>>
    %dma_wait3A_798 = tpu.memref_squeeze %dma_wait3A_797 : memref<1x128xi32, #tpu.memory_space<vmem>> -> memref<128xi32, #tpu.memory_space<vmem>>
    %dma_wait3A_799 = arith.constant 0 : i32
    %dma_wait3A_800 = arith.constant 0 : i32
    %dma_wait3A_801 = tpu.memref_slice %arg3[%dma_wait3A_799, %dma_wait3A_800] : memref<1000000x64xf32, #tpu.memory_space<hbm>> -> memref<1000000x64xf32, #tpu.memory_space<hbm>>
    tpu.wait_indirect_dma semaphore(%arg11 : memref<!tpu.dma_semaphore, #tpu.memory_space<semaphore_mem>>) src(%dma_wait3A_801 : memref<1000000x64xf32, #tpu.memory_space<hbm>>) dst(%dma_wait3A_795 : memref<128x64xf32, #tpu.memory_space<vmem>>)
    %add3A_802 = arith.constant 24704 : i32
    %add3A_803 = arith.addi %mul3A_2, %add3A_802 : i32
    %dma_start3A_804 = arith.constant 3 : i32
    %dma_start3A_805 = arith.constant 0 : i32
    %dma_start3A_806 = arith.constant 0 : i32
    %dma_start3A_807 = tpu.memref_slice %arg6[%dma_start3A_804, %dma_start3A_805, %dma_start3A_806] : memref<12x128x64xf32, #tpu.memory_space<vmem>> -> memref<1x128x64xf32, #tpu.memory_space<vmem>>
    %dma_start3A_808 = tpu.memref_squeeze %dma_start3A_807 : memref<1x128x64xf32, #tpu.memory_space<vmem>> -> memref<128x64xf32, #tpu.memory_space<vmem>>
    %dma_start3A_809 = arith.constant 0 : i32
    %dma_start3A_810 = tpu.memref_slice %arg4[%add3A_803, %dma_start3A_809] : memref<819200x64xf32, #tpu.memory_space<hbm>> -> memref<128x64xf32, #tpu.memory_space<hbm>>
    %dma_start3A_811 = arith.constant 0 : i32
    %dma_start3A_812 = tpu.memref_slice %arg4[%add3A_803, %dma_start3A_811] : memref<819200x64xf32, #tpu.memory_space<hbm>> -> memref<128x64xf32, #tpu.memory_space<hbm>>
    %dma_start3A_813 = arith.constant 0 : i32
    %dma_start3A_814 = arith.constant 0 : i32
    %dma_start3A_815 = tpu.memref_slice %arg6[%dma_start3A_804, %dma_start3A_813, %dma_start3A_814] : memref<12x128x64xf32, #tpu.memory_space<vmem>> -> memref<1x128x64xf32, #tpu.memory_space<vmem>>
    %dma_start3A_816 = tpu.memref_squeeze %dma_start3A_815 : memref<1x128x64xf32, #tpu.memory_space<vmem>> -> memref<128x64xf32, #tpu.memory_space<vmem>>
    tpu.enqueue_dma source(%dma_start3A_816 : memref<128x64xf32, #tpu.memory_space<vmem>>) target(%dma_start3A_812 : memref<128x64xf32, #tpu.memory_space<hbm>>) target_semaphore(%arg22 : memref<!tpu.dma_semaphore, #tpu.memory_space<semaphore_mem>>)
    %add3A_817 = arith.constant 24192 : i32
    %add3A_818 = arith.addi %mul3A_2, %add3A_817 : i32
    %dma_wait3A_819 = arith.constant 5 : i32
    %dma_wait3A_820 = arith.constant 0 : i32
    %dma_wait3A_821 = arith.constant 0 : i32
    %dma_wait3A_822 = tpu.memref_slice %arg6[%dma_wait3A_819, %dma_wait3A_820, %dma_wait3A_821] : memref<12x128x64xf32, #tpu.memory_space<vmem>> -> memref<1x128x64xf32, #tpu.memory_space<vmem>>
    %dma_wait3A_823 = tpu.memref_squeeze %dma_wait3A_822 : memref<1x128x64xf32, #tpu.memory_space<vmem>> -> memref<128x64xf32, #tpu.memory_space<vmem>>
    %dma_wait3A_824 = arith.constant 0 : i32
    %dma_wait3A_825 = tpu.memref_slice %arg4[%add3A_818, %dma_wait3A_824] : memref<819200x64xf32, #tpu.memory_space<hbm>> -> memref<128x64xf32, #tpu.memory_space<hbm>>
    %dma_wait3A_826 = arith.constant 0 : i32
    %dma_wait3A_827 = tpu.memref_slice %arg4[%add3A_818, %dma_wait3A_826] : memref<819200x64xf32, #tpu.memory_space<hbm>> -> memref<128x64xf32, #tpu.memory_space<hbm>>
    %dma_wait3A_828 = arith.constant 0 : i32
    %dma_wait3A_829 = arith.constant 0 : i32
    %dma_wait3A_830 = tpu.memref_slice %arg6[%dma_wait3A_819, %dma_wait3A_828, %dma_wait3A_829] : memref<12x128x64xf32, #tpu.memory_space<vmem>> -> memref<1x128x64xf32, #tpu.memory_space<vmem>>
    %dma_wait3A_831 = tpu.memref_squeeze %dma_wait3A_830 : memref<1x128x64xf32, #tpu.memory_space<vmem>> -> memref<128x64xf32, #tpu.memory_space<vmem>>
    tpu.wait_dma2 semaphore(%arg24 : memref<!tpu.dma_semaphore, #tpu.memory_space<semaphore_mem>>) src(%dma_wait3A_831 : memref<128x64xf32, #tpu.memory_space<vmem>>) dst(%dma_wait3A_827 : memref<128x64xf32, #tpu.memory_space<hbm>>)
    %dma_wait3A_832 = arith.constant 198 : i32
    %dma_wait3A_833 = arith.constant 7 : i32
    %dma_wait3A_834 = arith.constant 0 : i32
    %dma_wait3A_835 = arith.constant 0 : i32
    %dma_wait3A_836 = tpu.memref_slice %arg6[%dma_wait3A_833, %dma_wait3A_834, %dma_wait3A_835] : memref<12x128x64xf32, #tpu.memory_space<vmem>> -> memref<1x128x64xf32, #tpu.memory_space<vmem>>
    %dma_wait3A_837 = tpu.memref_squeeze %dma_wait3A_836 : memref<1x128x64xf32, #tpu.memory_space<vmem>> -> memref<128x64xf32, #tpu.memory_space<vmem>>
    %dma_wait3A_838 = arith.constant 0 : i32
    %dma_wait3A_839 = tpu.memref_slice %arg5[%dma_wait3A_832, %dma_wait3A_838] : memref<200x128xi32, #tpu.memory_space<vmem>> -> memref<1x128xi32, #tpu.memory_space<vmem>>
    %dma_wait3A_840 = tpu.memref_squeeze %dma_wait3A_839 : memref<1x128xi32, #tpu.memory_space<vmem>> -> memref<128xi32, #tpu.memory_space<vmem>>
    %dma_wait3A_841 = arith.constant 0 : i32
    %dma_wait3A_842 = arith.constant 0 : i32
    %dma_wait3A_843 = tpu.memref_slice %arg3[%dma_wait3A_841, %dma_wait3A_842] : memref<1000000x64xf32, #tpu.memory_space<hbm>> -> memref<1000000x64xf32, #tpu.memory_space<hbm>>
    tpu.wait_indirect_dma semaphore(%arg14 : memref<!tpu.dma_semaphore, #tpu.memory_space<semaphore_mem>>) src(%dma_wait3A_843 : memref<1000000x64xf32, #tpu.memory_space<hbm>>) dst(%dma_wait3A_837 : memref<128x64xf32, #tpu.memory_space<vmem>>)
    %add3A_844 = arith.constant 24832 : i32
    %add3A_845 = arith.addi %mul3A_2, %add3A_844 : i32
    %dma_start3A_846 = arith.constant 6 : i32
    %dma_start3A_847 = arith.constant 0 : i32
    %dma_start3A_848 = arith.constant 0 : i32
    %dma_start3A_849 = tpu.memref_slice %arg6[%dma_start3A_846, %dma_start3A_847, %dma_start3A_848] : memref<12x128x64xf32, #tpu.memory_space<vmem>> -> memref<1x128x64xf32, #tpu.memory_space<vmem>>
    %dma_start3A_850 = tpu.memref_squeeze %dma_start3A_849 : memref<1x128x64xf32, #tpu.memory_space<vmem>> -> memref<128x64xf32, #tpu.memory_space<vmem>>
    %dma_start3A_851 = arith.constant 0 : i32
    %dma_start3A_852 = tpu.memref_slice %arg4[%add3A_845, %dma_start3A_851] : memref<819200x64xf32, #tpu.memory_space<hbm>> -> memref<128x64xf32, #tpu.memory_space<hbm>>
    %dma_start3A_853 = arith.constant 0 : i32
    %dma_start3A_854 = tpu.memref_slice %arg4[%add3A_845, %dma_start3A_853] : memref<819200x64xf32, #tpu.memory_space<hbm>> -> memref<128x64xf32, #tpu.memory_space<hbm>>
    %dma_start3A_855 = arith.constant 0 : i32
    %dma_start3A_856 = arith.constant 0 : i32
    %dma_start3A_857 = tpu.memref_slice %arg6[%dma_start3A_846, %dma_start3A_855, %dma_start3A_856] : memref<12x128x64xf32, #tpu.memory_space<vmem>> -> memref<1x128x64xf32, #tpu.memory_space<vmem>>
    %dma_start3A_858 = tpu.memref_squeeze %dma_start3A_857 : memref<1x128x64xf32, #tpu.memory_space<vmem>> -> memref<128x64xf32, #tpu.memory_space<vmem>>
    tpu.enqueue_dma source(%dma_start3A_858 : memref<128x64xf32, #tpu.memory_space<vmem>>) target(%dma_start3A_854 : memref<128x64xf32, #tpu.memory_space<hbm>>) target_semaphore(%arg25 : memref<!tpu.dma_semaphore, #tpu.memory_space<semaphore_mem>>)
    %add3A_859 = arith.constant 24320 : i32
    %add3A_860 = arith.addi %mul3A_2, %add3A_859 : i32
    %dma_wait3A_861 = arith.constant 8 : i32
    %dma_wait3A_862 = arith.constant 0 : i32
    %dma_wait3A_863 = arith.constant 0 : i32
    %dma_wait3A_864 = tpu.memref_slice %arg6[%dma_wait3A_861, %dma_wait3A_862, %dma_wait3A_863] : memref<12x128x64xf32, #tpu.memory_space<vmem>> -> memref<1x128x64xf32, #tpu.memory_space<vmem>>
    %dma_wait3A_865 = tpu.memref_squeeze %dma_wait3A_864 : memref<1x128x64xf32, #tpu.memory_space<vmem>> -> memref<128x64xf32, #tpu.memory_space<vmem>>
    %dma_wait3A_866 = arith.constant 0 : i32
    %dma_wait3A_867 = tpu.memref_slice %arg4[%add3A_860, %dma_wait3A_866] : memref<819200x64xf32, #tpu.memory_space<hbm>> -> memref<128x64xf32, #tpu.memory_space<hbm>>
    %dma_wait3A_868 = arith.constant 0 : i32
    %dma_wait3A_869 = tpu.memref_slice %arg4[%add3A_860, %dma_wait3A_868] : memref<819200x64xf32, #tpu.memory_space<hbm>> -> memref<128x64xf32, #tpu.memory_space<hbm>>
    %dma_wait3A_870 = arith.constant 0 : i32
    %dma_wait3A_871 = arith.constant 0 : i32
    %dma_wait3A_872 = tpu.memref_slice %arg6[%dma_wait3A_861, %dma_wait3A_870, %dma_wait3A_871] : memref<12x128x64xf32, #tpu.memory_space<vmem>> -> memref<1x128x64xf32, #tpu.memory_space<vmem>>
    %dma_wait3A_873 = tpu.memref_squeeze %dma_wait3A_872 : memref<1x128x64xf32, #tpu.memory_space<vmem>> -> memref<128x64xf32, #tpu.memory_space<vmem>>
    tpu.wait_dma2 semaphore(%arg27 : memref<!tpu.dma_semaphore, #tpu.memory_space<semaphore_mem>>) src(%dma_wait3A_873 : memref<128x64xf32, #tpu.memory_space<vmem>>) dst(%dma_wait3A_869 : memref<128x64xf32, #tpu.memory_space<hbm>>)
    %dma_wait3A_874 = arith.constant 199 : i32
    %dma_wait3A_875 = arith.constant 10 : i32
    %dma_wait3A_876 = arith.constant 0 : i32
    %dma_wait3A_877 = arith.constant 0 : i32
    %dma_wait3A_878 = tpu.memref_slice %arg6[%dma_wait3A_875, %dma_wait3A_876, %dma_wait3A_877] : memref<12x128x64xf32, #tpu.memory_space<vmem>> -> memref<1x128x64xf32, #tpu.memory_space<vmem>>
    %dma_wait3A_879 = tpu.memref_squeeze %dma_wait3A_878 : memref<1x128x64xf32, #tpu.memory_space<vmem>> -> memref<128x64xf32, #tpu.memory_space<vmem>>
    %dma_wait3A_880 = arith.constant 0 : i32
    %dma_wait3A_881 = tpu.memref_slice %arg5[%dma_wait3A_874, %dma_wait3A_880] : memref<200x128xi32, #tpu.memory_space<vmem>> -> memref<1x128xi32, #tpu.memory_space<vmem>>
    %dma_wait3A_882 = tpu.memref_squeeze %dma_wait3A_881 : memref<1x128xi32, #tpu.memory_space<vmem>> -> memref<128xi32, #tpu.memory_space<vmem>>
    %dma_wait3A_883 = arith.constant 0 : i32
    %dma_wait3A_884 = arith.constant 0 : i32
    %dma_wait3A_885 = tpu.memref_slice %arg3[%dma_wait3A_883, %dma_wait3A_884] : memref<1000000x64xf32, #tpu.memory_space<hbm>> -> memref<1000000x64xf32, #tpu.memory_space<hbm>>
    tpu.wait_indirect_dma semaphore(%arg17 : memref<!tpu.dma_semaphore, #tpu.memory_space<semaphore_mem>>) src(%dma_wait3A_885 : memref<1000000x64xf32, #tpu.memory_space<hbm>>) dst(%dma_wait3A_879 : memref<128x64xf32, #tpu.memory_space<vmem>>)
    %add3A_886 = arith.constant 24960 : i32
    %add3A_887 = arith.addi %mul3A_2, %add3A_886 : i32
    %dma_start3A_888 = arith.constant 9 : i32
    %dma_start3A_889 = arith.constant 0 : i32
    %dma_start3A_890 = arith.constant 0 : i32
    %dma_start3A_891 = tpu.memref_slice %arg6[%dma_start3A_888, %dma_start3A_889, %dma_start3A_890] : memref<12x128x64xf32, #tpu.memory_space<vmem>> -> memref<1x128x64xf32, #tpu.memory_space<vmem>>
    %dma_start3A_892 = tpu.memref_squeeze %dma_start3A_891 : memref<1x128x64xf32, #tpu.memory_space<vmem>> -> memref<128x64xf32, #tpu.memory_space<vmem>>
    %dma_start3A_893 = arith.constant 0 : i32
    %dma_start3A_894 = tpu.memref_slice %arg4[%add3A_887, %dma_start3A_893] : memref<819200x64xf32, #tpu.memory_space<hbm>> -> memref<128x64xf32, #tpu.memory_space<hbm>>
    %dma_start3A_895 = arith.constant 0 : i32
    %dma_start3A_896 = tpu.memref_slice %arg4[%add3A_887, %dma_start3A_895] : memref<819200x64xf32, #tpu.memory_space<hbm>> -> memref<128x64xf32, #tpu.memory_space<hbm>>
    %dma_start3A_897 = arith.constant 0 : i32
    %dma_start3A_898 = arith.constant 0 : i32
    %dma_start3A_899 = tpu.memref_slice %arg6[%dma_start3A_888, %dma_start3A_897, %dma_start3A_898] : memref<12x128x64xf32, #tpu.memory_space<vmem>> -> memref<1x128x64xf32, #tpu.memory_space<vmem>>
    %dma_start3A_900 = tpu.memref_squeeze %dma_start3A_899 : memref<1x128x64xf32, #tpu.memory_space<vmem>> -> memref<128x64xf32, #tpu.memory_space<vmem>>
    tpu.enqueue_dma source(%dma_start3A_900 : memref<128x64xf32, #tpu.memory_space<vmem>>) target(%dma_start3A_896 : memref<128x64xf32, #tpu.memory_space<hbm>>) target_semaphore(%arg28 : memref<!tpu.dma_semaphore, #tpu.memory_space<semaphore_mem>>)
    %add3A_901 = arith.constant 24448 : i32
    %add3A_902 = arith.addi %mul3A_2, %add3A_901 : i32
    %dma_wait3A_903 = arith.constant 11 : i32
    %dma_wait3A_904 = arith.constant 0 : i32
    %dma_wait3A_905 = arith.constant 0 : i32
    %dma_wait3A_906 = tpu.memref_slice %arg6[%dma_wait3A_903, %dma_wait3A_904, %dma_wait3A_905] : memref<12x128x64xf32, #tpu.memory_space<vmem>> -> memref<1x128x64xf32, #tpu.memory_space<vmem>>
    %dma_wait3A_907 = tpu.memref_squeeze %dma_wait3A_906 : memref<1x128x64xf32, #tpu.memory_space<vmem>> -> memref<128x64xf32, #tpu.memory_space<vmem>>
    %dma_wait3A_908 = arith.constant 0 : i32
    %dma_wait3A_909 = tpu.memref_slice %arg4[%add3A_902, %dma_wait3A_908] : memref<819200x64xf32, #tpu.memory_space<hbm>> -> memref<128x64xf32, #tpu.memory_space<hbm>>
    %dma_wait3A_910 = arith.constant 0 : i32
    %dma_wait3A_911 = tpu.memref_slice %arg4[%add3A_902, %dma_wait3A_910] : memref<819200x64xf32, #tpu.memory_space<hbm>> -> memref<128x64xf32, #tpu.memory_space<hbm>>
    %dma_wait3A_912 = arith.constant 0 : i32
    %dma_wait3A_913 = arith.constant 0 : i32
    %dma_wait3A_914 = tpu.memref_slice %arg6[%dma_wait3A_903, %dma_wait3A_912, %dma_wait3A_913] : memref<12x128x64xf32, #tpu.memory_space<vmem>> -> memref<1x128x64xf32, #tpu.memory_space<vmem>>
    %dma_wait3A_915 = tpu.memref_squeeze %dma_wait3A_914 : memref<1x128x64xf32, #tpu.memory_space<vmem>> -> memref<128x64xf32, #tpu.memory_space<vmem>>
    tpu.wait_dma2 semaphore(%arg30 : memref<!tpu.dma_semaphore, #tpu.memory_space<semaphore_mem>>) src(%dma_wait3A_915 : memref<128x64xf32, #tpu.memory_space<vmem>>) dst(%dma_wait3A_911 : memref<128x64xf32, #tpu.memory_space<hbm>>)
    %add3A_916 = arith.constant 24576 : i32
    %add3A_917 = arith.addi %mul3A_2, %add3A_916 : i32
    %dma_wait3A_918 = arith.constant 0 : i32
    %dma_wait3A_919 = arith.constant 0 : i32
    %dma_wait3A_920 = arith.constant 0 : i32
    %dma_wait3A_921 = tpu.memref_slice %arg6[%dma_wait3A_918, %dma_wait3A_919, %dma_wait3A_920] : memref<12x128x64xf32, #tpu.memory_space<vmem>> -> memref<1x128x64xf32, #tpu.memory_space<vmem>>
    %dma_wait3A_922 = tpu.memref_squeeze %dma_wait3A_921 : memref<1x128x64xf32, #tpu.memory_space<vmem>> -> memref<128x64xf32, #tpu.memory_space<vmem>>
    %dma_wait3A_923 = arith.constant 0 : i32
    %dma_wait3A_924 = tpu.memref_slice %arg4[%add3A_917, %dma_wait3A_923] : memref<819200x64xf32, #tpu.memory_space<hbm>> -> memref<128x64xf32, #tpu.memory_space<hbm>>
    %dma_wait3A_925 = arith.constant 0 : i32
    %dma_wait3A_926 = tpu.memref_slice %arg4[%add3A_917, %dma_wait3A_925] : memref<819200x64xf32, #tpu.memory_space<hbm>> -> memref<128x64xf32, #tpu.memory_space<hbm>>
    %dma_wait3A_927 = arith.constant 0 : i32
    %dma_wait3A_928 = arith.constant 0 : i32
    %dma_wait3A_929 = tpu.memref_slice %arg6[%dma_wait3A_918, %dma_wait3A_927, %dma_wait3A_928] : memref<12x128x64xf32, #tpu.memory_space<vmem>> -> memref<1x128x64xf32, #tpu.memory_space<vmem>>
    %dma_wait3A_930 = tpu.memref_squeeze %dma_wait3A_929 : memref<1x128x64xf32, #tpu.memory_space<vmem>> -> memref<128x64xf32, #tpu.memory_space<vmem>>
    tpu.wait_dma2 semaphore(%arg19 : memref<!tpu.dma_semaphore, #tpu.memory_space<semaphore_mem>>) src(%dma_wait3A_930 : memref<128x64xf32, #tpu.memory_space<vmem>>) dst(%dma_wait3A_926 : memref<128x64xf32, #tpu.memory_space<hbm>>)
    %add3A_931 = arith.constant 24704 : i32
    %add3A_932 = arith.addi %mul3A_2, %add3A_931 : i32
    %dma_wait3A_933 = arith.constant 3 : i32
    %dma_wait3A_934 = arith.constant 0 : i32
    %dma_wait3A_935 = arith.constant 0 : i32
    %dma_wait3A_936 = tpu.memref_slice %arg6[%dma_wait3A_933, %dma_wait3A_934, %dma_wait3A_935] : memref<12x128x64xf32, #tpu.memory_space<vmem>> -> memref<1x128x64xf32, #tpu.memory_space<vmem>>
    %dma_wait3A_937 = tpu.memref_squeeze %dma_wait3A_936 : memref<1x128x64xf32, #tpu.memory_space<vmem>> -> memref<128x64xf32, #tpu.memory_space<vmem>>
    %dma_wait3A_938 = arith.constant 0 : i32
    %dma_wait3A_939 = tpu.memref_slice %arg4[%add3A_932, %dma_wait3A_938] : memref<819200x64xf32, #tpu.memory_space<hbm>> -> memref<128x64xf32, #tpu.memory_space<hbm>>
    %dma_wait3A_940 = arith.constant 0 : i32
    %dma_wait3A_941 = tpu.memref_slice %arg4[%add3A_932, %dma_wait3A_940] : memref<819200x64xf32, #tpu.memory_space<hbm>> -> memref<128x64xf32, #tpu.memory_space<hbm>>
    %dma_wait3A_942 = arith.constant 0 : i32
    %dma_wait3A_943 = arith.constant 0 : i32
    %dma_wait3A_944 = tpu.memref_slice %arg6[%dma_wait3A_933, %dma_wait3A_942, %dma_wait3A_943] : memref<12x128x64xf32, #tpu.memory_space<vmem>> -> memref<1x128x64xf32, #tpu.memory_space<vmem>>
    %dma_wait3A_945 = tpu.memref_squeeze %dma_wait3A_944 : memref<1x128x64xf32, #tpu.memory_space<vmem>> -> memref<128x64xf32, #tpu.memory_space<vmem>>
    tpu.wait_dma2 semaphore(%arg22 : memref<!tpu.dma_semaphore, #tpu.memory_space<semaphore_mem>>) src(%dma_wait3A_945 : memref<128x64xf32, #tpu.memory_space<vmem>>) dst(%dma_wait3A_941 : memref<128x64xf32, #tpu.memory_space<hbm>>)
    %add3A_946 = arith.constant 24832 : i32
    %add3A_947 = arith.addi %mul3A_2, %add3A_946 : i32
    %dma_wait3A_948 = arith.constant 6 : i32
    %dma_wait3A_949 = arith.constant 0 : i32
    %dma_wait3A_950 = arith.constant 0 : i32
    %dma_wait3A_951 = tpu.memref_slice %arg6[%dma_wait3A_948, %dma_wait3A_949, %dma_wait3A_950] : memref<12x128x64xf32, #tpu.memory_space<vmem>> -> memref<1x128x64xf32, #tpu.memory_space<vmem>>
    %dma_wait3A_952 = tpu.memref_squeeze %dma_wait3A_951 : memref<1x128x64xf32, #tpu.memory_space<vmem>> -> memref<128x64xf32, #tpu.memory_space<vmem>>
    %dma_wait3A_953 = arith.constant 0 : i32
    %dma_wait3A_954 = tpu.memref_slice %arg4[%add3A_947, %dma_wait3A_953] : memref<819200x64xf32, #tpu.memory_space<hbm>> -> memref<128x64xf32, #tpu.memory_space<hbm>>
    %dma_wait3A_955 = arith.constant 0 : i32
    %dma_wait3A_956 = tpu.memref_slice %arg4[%add3A_947, %dma_wait3A_955] : memref<819200x64xf32, #tpu.memory_space<hbm>> -> memref<128x64xf32, #tpu.memory_space<hbm>>
    %dma_wait3A_957 = arith.constant 0 : i32
    %dma_wait3A_958 = arith.constant 0 : i32
    %dma_wait3A_959 = tpu.memref_slice %arg6[%dma_wait3A_948, %dma_wait3A_957, %dma_wait3A_958] : memref<12x128x64xf32, #tpu.memory_space<vmem>> -> memref<1x128x64xf32, #tpu.memory_space<vmem>>
    %dma_wait3A_960 = tpu.memref_squeeze %dma_wait3A_959 : memref<1x128x64xf32, #tpu.memory_space<vmem>> -> memref<128x64xf32, #tpu.memory_space<vmem>>
    tpu.wait_dma2 semaphore(%arg25 : memref<!tpu.dma_semaphore, #tpu.memory_space<semaphore_mem>>) src(%dma_wait3A_960 : memref<128x64xf32, #tpu.memory_space<vmem>>) dst(%dma_wait3A_956 : memref<128x64xf32, #tpu.memory_space<hbm>>)
    %add3A_961 = arith.constant 24960 : i32
    %add3A_962 = arith.addi %mul3A_2, %add3A_961 : i32
    %dma_wait3A_963 = arith.constant 9 : i32
    %dma_wait3A_964 = arith.constant 0 : i32
    %dma_wait3A_965 = arith.constant 0 : i32
    %dma_wait3A_966 = tpu.memref_slice %arg6[%dma_wait3A_963, %dma_wait3A_964, %dma_wait3A_965] : memref<12x128x64xf32, #tpu.memory_space<vmem>> -> memref<1x128x64xf32, #tpu.memory_space<vmem>>
    %dma_wait3A_967 = tpu.memref_squeeze %dma_wait3A_966 : memref<1x128x64xf32, #tpu.memory_space<vmem>> -> memref<128x64xf32, #tpu.memory_space<vmem>>
    %dma_wait3A_968 = arith.constant 0 : i32
    %dma_wait3A_969 = tpu.memref_slice %arg4[%add3A_962, %dma_wait3A_968] : memref<819200x64xf32, #tpu.memory_space<hbm>> -> memref<128x64xf32, #tpu.memory_space<hbm>>
    %dma_wait3A_970 = arith.constant 0 : i32
    %dma_wait3A_971 = tpu.memref_slice %arg4[%add3A_962, %dma_wait3A_970] : memref<819200x64xf32, #tpu.memory_space<hbm>> -> memref<128x64xf32, #tpu.memory_space<hbm>>
    %dma_wait3A_972 = arith.constant 0 : i32
    %dma_wait3A_973 = arith.constant 0 : i32
    %dma_wait3A_974 = tpu.memref_slice %arg6[%dma_wait3A_963, %dma_wait3A_972, %dma_wait3A_973] : memref<12x128x64xf32, #tpu.memory_space<vmem>> -> memref<1x128x64xf32, #tpu.memory_space<vmem>>
    %dma_wait3A_975 = tpu.memref_squeeze %dma_wait3A_974 : memref<1x128x64xf32, #tpu.memory_space<vmem>> -> memref<128x64xf32, #tpu.memory_space<vmem>>
    tpu.wait_dma2 semaphore(%arg28 : memref<!tpu.dma_semaphore, #tpu.memory_space<semaphore_mem>>) src(%dma_wait3A_975 : memref<128x64xf32, #tpu.memory_space<vmem>>) dst(%dma_wait3A_971 : memref<128x64xf32, #tpu.memory_space<hbm>>)
    %add3A_976 = arith.constant 25088 : i32
    %add3A_977 = arith.addi %mul3A_2, %add3A_976 : i32
    %dma_start3A_978 = arith.constant 1 : i32
    %dma_start3A_979 = arith.constant 0 : i32
    %dma_start3A_980 = arith.constant 0 : i32
    %dma_start3A_981 = tpu.memref_slice %arg6[%dma_start3A_978, %dma_start3A_979, %dma_start3A_980] : memref<12x128x64xf32, #tpu.memory_space<vmem>> -> memref<1x128x64xf32, #tpu.memory_space<vmem>>
    %dma_start3A_982 = tpu.memref_squeeze %dma_start3A_981 : memref<1x128x64xf32, #tpu.memory_space<vmem>> -> memref<128x64xf32, #tpu.memory_space<vmem>>
    %dma_start3A_983 = arith.constant 0 : i32
    %dma_start3A_984 = tpu.memref_slice %arg4[%add3A_977, %dma_start3A_983] : memref<819200x64xf32, #tpu.memory_space<hbm>> -> memref<128x64xf32, #tpu.memory_space<hbm>>
    %dma_start3A_985 = arith.constant 0 : i32
    %dma_start3A_986 = tpu.memref_slice %arg4[%add3A_977, %dma_start3A_985] : memref<819200x64xf32, #tpu.memory_space<hbm>> -> memref<128x64xf32, #tpu.memory_space<hbm>>
    %dma_start3A_987 = arith.constant 0 : i32
    %dma_start3A_988 = arith.constant 0 : i32
    %dma_start3A_989 = tpu.memref_slice %arg6[%dma_start3A_978, %dma_start3A_987, %dma_start3A_988] : memref<12x128x64xf32, #tpu.memory_space<vmem>> -> memref<1x128x64xf32, #tpu.memory_space<vmem>>
    %dma_start3A_990 = tpu.memref_squeeze %dma_start3A_989 : memref<1x128x64xf32, #tpu.memory_space<vmem>> -> memref<128x64xf32, #tpu.memory_space<vmem>>
    tpu.enqueue_dma source(%dma_start3A_990 : memref<128x64xf32, #tpu.memory_space<vmem>>) target(%dma_start3A_986 : memref<128x64xf32, #tpu.memory_space<hbm>>) target_semaphore(%arg20 : memref<!tpu.dma_semaphore, #tpu.memory_space<semaphore_mem>>)
    %add3A_991 = arith.constant 25216 : i32
    %add3A_992 = arith.addi %mul3A_2, %add3A_991 : i32
    %dma_start3A_993 = arith.constant 4 : i32
    %dma_start3A_994 = arith.constant 0 : i32
    %dma_start3A_995 = arith.constant 0 : i32
    %dma_start3A_996 = tpu.memref_slice %arg6[%dma_start3A_993, %dma_start3A_994, %dma_start3A_995] : memref<12x128x64xf32, #tpu.memory_space<vmem>> -> memref<1x128x64xf32, #tpu.memory_space<vmem>>
    %dma_start3A_997 = tpu.memref_squeeze %dma_start3A_996 : memref<1x128x64xf32, #tpu.memory_space<vmem>> -> memref<128x64xf32, #tpu.memory_space<vmem>>
    %dma_start3A_998 = arith.constant 0 : i32
    %dma_start3A_999 = tpu.memref_slice %arg4[%add3A_992, %dma_start3A_998] : memref<819200x64xf32, #tpu.memory_space<hbm>> -> memref<128x64xf32, #tpu.memory_space<hbm>>
    %dma_start3A_1000 = arith.constant 0 : i32
    %dma_start3A_1001 = tpu.memref_slice %arg4[%add3A_992, %dma_start3A_1000] : memref<819200x64xf32, #tpu.memory_space<hbm>> -> memref<128x64xf32, #tpu.memory_space<hbm>>
    %dma_start3A_1002 = arith.constant 0 : i32
    %dma_start3A_1003 = arith.constant 0 : i32
    %dma_start3A_1004 = tpu.memref_slice %arg6[%dma_start3A_993, %dma_start3A_1002, %dma_start3A_1003] : memref<12x128x64xf32, #tpu.memory_space<vmem>> -> memref<1x128x64xf32, #tpu.memory_space<vmem>>
    %dma_start3A_1005 = tpu.memref_squeeze %dma_start3A_1004 : memref<1x128x64xf32, #tpu.memory_space<vmem>> -> memref<128x64xf32, #tpu.memory_space<vmem>>
    tpu.enqueue_dma source(%dma_start3A_1005 : memref<128x64xf32, #tpu.memory_space<vmem>>) target(%dma_start3A_1001 : memref<128x64xf32, #tpu.memory_space<hbm>>) target_semaphore(%arg23 : memref<!tpu.dma_semaphore, #tpu.memory_space<semaphore_mem>>)
    %add3A_1006 = arith.constant 25344 : i32
    %add3A_1007 = arith.addi %mul3A_2, %add3A_1006 : i32
    %dma_start3A_1008 = arith.constant 7 : i32
    %dma_start3A_1009 = arith.constant 0 : i32
    %dma_start3A_1010 = arith.constant 0 : i32
    %dma_start3A_1011 = tpu.memref_slice %arg6[%dma_start3A_1008, %dma_start3A_1009, %dma_start3A_1010] : memref<12x128x64xf32, #tpu.memory_space<vmem>> -> memref<1x128x64xf32, #tpu.memory_space<vmem>>
    %dma_start3A_1012 = tpu.memref_squeeze %dma_start3A_1011 : memref<1x128x64xf32, #tpu.memory_space<vmem>> -> memref<128x64xf32, #tpu.memory_space<vmem>>
    %dma_start3A_1013 = arith.constant 0 : i32
    %dma_start3A_1014 = tpu.memref_slice %arg4[%add3A_1007, %dma_start3A_1013] : memref<819200x64xf32, #tpu.memory_space<hbm>> -> memref<128x64xf32, #tpu.memory_space<hbm>>
    %dma_start3A_1015 = arith.constant 0 : i32
    %dma_start3A_1016 = tpu.memref_slice %arg4[%add3A_1007, %dma_start3A_1015] : memref<819200x64xf32, #tpu.memory_space<hbm>> -> memref<128x64xf32, #tpu.memory_space<hbm>>
    %dma_start3A_1017 = arith.constant 0 : i32
    %dma_start3A_1018 = arith.constant 0 : i32
    %dma_start3A_1019 = tpu.memref_slice %arg6[%dma_start3A_1008, %dma_start3A_1017, %dma_start3A_1018] : memref<12x128x64xf32, #tpu.memory_space<vmem>> -> memref<1x128x64xf32, #tpu.memory_space<vmem>>
    %dma_start3A_1020 = tpu.memref_squeeze %dma_start3A_1019 : memref<1x128x64xf32, #tpu.memory_space<vmem>> -> memref<128x64xf32, #tpu.memory_space<vmem>>
    tpu.enqueue_dma source(%dma_start3A_1020 : memref<128x64xf32, #tpu.memory_space<vmem>>) target(%dma_start3A_1016 : memref<128x64xf32, #tpu.memory_space<hbm>>) target_semaphore(%arg26 : memref<!tpu.dma_semaphore, #tpu.memory_space<semaphore_mem>>)
    %add3A_1021 = arith.constant 25472 : i32
    %add3A_1022 = arith.addi %mul3A_2, %add3A_1021 : i32
    %dma_start3A_1023 = arith.constant 10 : i32
    %dma_start3A_1024 = arith.constant 0 : i32
    %dma_start3A_1025 = arith.constant 0 : i32
    %dma_start3A_1026 = tpu.memref_slice %arg6[%dma_start3A_1023, %dma_start3A_1024, %dma_start3A_1025] : memref<12x128x64xf32, #tpu.memory_space<vmem>> -> memref<1x128x64xf32, #tpu.memory_space<vmem>>
    %dma_start3A_1027 = tpu.memref_squeeze %dma_start3A_1026 : memref<1x128x64xf32, #tpu.memory_space<vmem>> -> memref<128x64xf32, #tpu.memory_space<vmem>>
    %dma_start3A_1028 = arith.constant 0 : i32
    %dma_start3A_1029 = tpu.memref_slice %arg4[%add3A_1022, %dma_start3A_1028] : memref<819200x64xf32, #tpu.memory_space<hbm>> -> memref<128x64xf32, #tpu.memory_space<hbm>>
    %dma_start3A_1030 = arith.constant 0 : i32
    %dma_start3A_1031 = tpu.memref_slice %arg4[%add3A_1022, %dma_start3A_1030] : memref<819200x64xf32, #tpu.memory_space<hbm>> -> memref<128x64xf32, #tpu.memory_space<hbm>>
    %dma_start3A_1032 = arith.constant 0 : i32
    %dma_start3A_1033 = arith.constant 0 : i32
    %dma_start3A_1034 = tpu.memref_slice %arg6[%dma_start3A_1023, %dma_start3A_1032, %dma_start3A_1033] : memref<12x128x64xf32, #tpu.memory_space<vmem>> -> memref<1x128x64xf32, #tpu.memory_space<vmem>>
    %dma_start3A_1035 = tpu.memref_squeeze %dma_start3A_1034 : memref<1x128x64xf32, #tpu.memory_space<vmem>> -> memref<128x64xf32, #tpu.memory_space<vmem>>
    tpu.enqueue_dma source(%dma_start3A_1035 : memref<128x64xf32, #tpu.memory_space<vmem>>) target(%dma_start3A_1031 : memref<128x64xf32, #tpu.memory_space<hbm>>) target_semaphore(%arg29 : memref<!tpu.dma_semaphore, #tpu.memory_space<semaphore_mem>>)
    %add3A_1036 = arith.constant 25088 : i32
    %add3A_1037 = arith.addi %mul3A_2, %add3A_1036 : i32
    %dma_wait3A_1038 = arith.constant 1 : i32
    %dma_wait3A_1039 = arith.constant 0 : i32
    %dma_wait3A_1040 = arith.constant 0 : i32
    %dma_wait3A_1041 = tpu.memref_slice %arg6[%dma_wait3A_1038, %dma_wait3A_1039, %dma_wait3A_1040] : memref<12x128x64xf32, #tpu.memory_space<vmem>> -> memref<1x128x64xf32, #tpu.memory_space<vmem>>
    %dma_wait3A_1042 = tpu.memref_squeeze %dma_wait3A_1041 : memref<1x128x64xf32, #tpu.memory_space<vmem>> -> memref<128x64xf32, #tpu.memory_space<vmem>>
    %dma_wait3A_1043 = arith.constant 0 : i32
    %dma_wait3A_1044 = tpu.memref_slice %arg4[%add3A_1037, %dma_wait3A_1043] : memref<819200x64xf32, #tpu.memory_space<hbm>> -> memref<128x64xf32, #tpu.memory_space<hbm>>
    %dma_wait3A_1045 = arith.constant 0 : i32
    %dma_wait3A_1046 = tpu.memref_slice %arg4[%add3A_1037, %dma_wait3A_1045] : memref<819200x64xf32, #tpu.memory_space<hbm>> -> memref<128x64xf32, #tpu.memory_space<hbm>>
    %dma_wait3A_1047 = arith.constant 0 : i32
    %dma_wait3A_1048 = arith.constant 0 : i32
    %dma_wait3A_1049 = tpu.memref_slice %arg6[%dma_wait3A_1038, %dma_wait3A_1047, %dma_wait3A_1048] : memref<12x128x64xf32, #tpu.memory_space<vmem>> -> memref<1x128x64xf32, #tpu.memory_space<vmem>>
    %dma_wait3A_1050 = tpu.memref_squeeze %dma_wait3A_1049 : memref<1x128x64xf32, #tpu.memory_space<vmem>> -> memref<128x64xf32, #tpu.memory_space<vmem>>
    tpu.wait_dma2 semaphore(%arg20 : memref<!tpu.dma_semaphore, #tpu.memory_space<semaphore_mem>>) src(%dma_wait3A_1050 : memref<128x64xf32, #tpu.memory_space<vmem>>) dst(%dma_wait3A_1046 : memref<128x64xf32, #tpu.memory_space<hbm>>)
    %add3A_1051 = arith.constant 25216 : i32
    %add3A_1052 = arith.addi %mul3A_2, %add3A_1051 : i32
    %dma_wait3A_1053 = arith.constant 4 : i32
    %dma_wait3A_1054 = arith.constant 0 : i32
    %dma_wait3A_1055 = arith.constant 0 : i32
    %dma_wait3A_1056 = tpu.memref_slice %arg6[%dma_wait3A_1053, %dma_wait3A_1054, %dma_wait3A_1055] : memref<12x128x64xf32, #tpu.memory_space<vmem>> -> memref<1x128x64xf32, #tpu.memory_space<vmem>>
    %dma_wait3A_1057 = tpu.memref_squeeze %dma_wait3A_1056 : memref<1x128x64xf32, #tpu.memory_space<vmem>> -> memref<128x64xf32, #tpu.memory_space<vmem>>
    %dma_wait3A_1058 = arith.constant 0 : i32
    %dma_wait3A_1059 = tpu.memref_slice %arg4[%add3A_1052, %dma_wait3A_1058] : memref<819200x64xf32, #tpu.memory_space<hbm>> -> memref<128x64xf32, #tpu.memory_space<hbm>>
    %dma_wait3A_1060 = arith.constant 0 : i32
    %dma_wait3A_1061 = tpu.memref_slice %arg4[%add3A_1052, %dma_wait3A_1060] : memref<819200x64xf32, #tpu.memory_space<hbm>> -> memref<128x64xf32, #tpu.memory_space<hbm>>
    %dma_wait3A_1062 = arith.constant 0 : i32
    %dma_wait3A_1063 = arith.constant 0 : i32
    %dma_wait3A_1064 = tpu.memref_slice %arg6[%dma_wait3A_1053, %dma_wait3A_1062, %dma_wait3A_1063] : memref<12x128x64xf32, #tpu.memory_space<vmem>> -> memref<1x128x64xf32, #tpu.memory_space<vmem>>
    %dma_wait3A_1065 = tpu.memref_squeeze %dma_wait3A_1064 : memref<1x128x64xf32, #tpu.memory_space<vmem>> -> memref<128x64xf32, #tpu.memory_space<vmem>>
    tpu.wait_dma2 semaphore(%arg23 : memref<!tpu.dma_semaphore, #tpu.memory_space<semaphore_mem>>) src(%dma_wait3A_1065 : memref<128x64xf32, #tpu.memory_space<vmem>>) dst(%dma_wait3A_1061 : memref<128x64xf32, #tpu.memory_space<hbm>>)
    %add3A_1066 = arith.constant 25344 : i32
    %add3A_1067 = arith.addi %mul3A_2, %add3A_1066 : i32
    %dma_wait3A_1068 = arith.constant 7 : i32
    %dma_wait3A_1069 = arith.constant 0 : i32
    %dma_wait3A_1070 = arith.constant 0 : i32
    %dma_wait3A_1071 = tpu.memref_slice %arg6[%dma_wait3A_1068, %dma_wait3A_1069, %dma_wait3A_1070] : memref<12x128x64xf32, #tpu.memory_space<vmem>> -> memref<1x128x64xf32, #tpu.memory_space<vmem>>
    %dma_wait3A_1072 = tpu.memref_squeeze %dma_wait3A_1071 : memref<1x128x64xf32, #tpu.memory_space<vmem>> -> memref<128x64xf32, #tpu.memory_space<vmem>>
    %dma_wait3A_1073 = arith.constant 0 : i32
    %dma_wait3A_1074 = tpu.memref_slice %arg4[%add3A_1067, %dma_wait3A_1073] : memref<819200x64xf32, #tpu.memory_space<hbm>> -> memref<128x64xf32, #tpu.memory_space<hbm>>
    %dma_wait3A_1075 = arith.constant 0 : i32
    %dma_wait3A_1076 = tpu.memref_slice %arg4[%add3A_1067, %dma_wait3A_1075] : memref<819200x64xf32, #tpu.memory_space<hbm>> -> memref<128x64xf32, #tpu.memory_space<hbm>>
    %dma_wait3A_1077 = arith.constant 0 : i32
    %dma_wait3A_1078 = arith.constant 0 : i32
    %dma_wait3A_1079 = tpu.memref_slice %arg6[%dma_wait3A_1068, %dma_wait3A_1077, %dma_wait3A_1078] : memref<12x128x64xf32, #tpu.memory_space<vmem>> -> memref<1x128x64xf32, #tpu.memory_space<vmem>>
    %dma_wait3A_1080 = tpu.memref_squeeze %dma_wait3A_1079 : memref<1x128x64xf32, #tpu.memory_space<vmem>> -> memref<128x64xf32, #tpu.memory_space<vmem>>
    tpu.wait_dma2 semaphore(%arg26 : memref<!tpu.dma_semaphore, #tpu.memory_space<semaphore_mem>>) src(%dma_wait3A_1080 : memref<128x64xf32, #tpu.memory_space<vmem>>) dst(%dma_wait3A_1076 : memref<128x64xf32, #tpu.memory_space<hbm>>)
    %add3A_1081 = arith.constant 25472 : i32
    %add3A_1082 = arith.addi %mul3A_2, %add3A_1081 : i32
    %dma_wait3A_1083 = arith.constant 10 : i32
    %dma_wait3A_1084 = arith.constant 0 : i32
    %dma_wait3A_1085 = arith.constant 0 : i32
    %dma_wait3A_1086 = tpu.memref_slice %arg6[%dma_wait3A_1083, %dma_wait3A_1084, %dma_wait3A_1085] : memref<12x128x64xf32, #tpu.memory_space<vmem>> -> memref<1x128x64xf32, #tpu.memory_space<vmem>>
    %dma_wait3A_1087 = tpu.memref_squeeze %dma_wait3A_1086 : memref<1x128x64xf32, #tpu.memory_space<vmem>> -> memref<128x64xf32, #tpu.memory_space<vmem>>
    %dma_wait3A_1088 = arith.constant 0 : i32
    %dma_wait3A_1089 = tpu.memref_slice %arg4[%add3A_1082, %dma_wait3A_1088] : memref<819200x64xf32, #tpu.memory_space<hbm>> -> memref<128x64xf32, #tpu.memory_space<hbm>>
    %dma_wait3A_1090 = arith.constant 0 : i32
    %dma_wait3A_1091 = tpu.memref_slice %arg4[%add3A_1082, %dma_wait3A_1090] : memref<819200x64xf32, #tpu.memory_space<hbm>> -> memref<128x64xf32, #tpu.memory_space<hbm>>
    %dma_wait3A_1092 = arith.constant 0 : i32
    %dma_wait3A_1093 = arith.constant 0 : i32
    %dma_wait3A_1094 = tpu.memref_slice %arg6[%dma_wait3A_1083, %dma_wait3A_1092, %dma_wait3A_1093] : memref<12x128x64xf32, #tpu.memory_space<vmem>> -> memref<1x128x64xf32, #tpu.memory_space<vmem>>
    %dma_wait3A_1095 = tpu.memref_squeeze %dma_wait3A_1094 : memref<1x128x64xf32, #tpu.memory_space<vmem>> -> memref<128x64xf32, #tpu.memory_space<vmem>>
    tpu.wait_dma2 semaphore(%arg29 : memref<!tpu.dma_semaphore, #tpu.memory_space<semaphore_mem>>) src(%dma_wait3A_1095 : memref<128x64xf32, #tpu.memory_space<vmem>>) dst(%dma_wait3A_1091 : memref<128x64xf32, #tpu.memory_space<hbm>>)
    return
  }
}

</mosaic_0001>

<sc_bundles>
// kernel: kernel.3.cloned.1.call-start
scs
__scs_entry_jumppad:
0x0: {  	(pc) =	sbr.rel $0x88, $3  }
0x1: {  	(tag) =	ssettag $0x0;
	lr =	simm.s32 $0x1  }
0x2: {  	[smem:$0x3F9F] =	sst lr;
	_ =	strace $0xD0000000  }
0x3: {  	_ = 	snop  }
0x4: {  	_ = 	snop  }
0x5: {  	_ = 	snop  }
0x6: {  	_ = 	snop  }
0x7: {  	_ = 	snop  }
__scs_overlays_trampoline_lowered:
0x8: {  	[smem:$0x3FAE] =	sst s0  }
0x9: {  	[smem:$0x3FAF] =	sst s1  }
0xa: {  	[smem:$0x3FB0] =	sst s2  }
0xb: {  	[smem:$0x3FB1] =	sst s3  }
0xc: {  	[smem:$0x3FB2] =	sst s4  }
0xd: {  	[smem:$0x3FB3] =	sst s5  }
0xe: {  	[smem:$0x3FB4] =	sst s6  }
0xf: {  	[smem:$0x3FB5] =	sst s7  }
0x10: {  	[smem:$0x3FB6] =	sst s8  }
0x11: {  	[smem:$0x3FB7] =	sst s9;
	s0 =	simm.s32 @!p0 $0x0  }
0x12: {  	s1 =	sld [smem:$0x3F9D];
	s0 =	simm.s32 @p0 $0x1  }
0x13: {  	[smem:$0x3FB8] =	sst s0;
	s0 =	simm.s32 @!p1 $0x0  }
0x14: {  	s2 =	sld [smem:$0x3F9C];
	s0 =	simm.s32 @p1 $0x1  }
0x15: {  	[smem:$0x3FB9] =	sst s0;
	s0 =	simm.s32 @!p2 $0x0  }
0x16: {  	s3 =	sld [smem:$0x3FDB];
	s0 =	simm.s32 @p2 $0x1  }
0x17: {  	s4 =	simm.s32 $0x1BF5;
	[smem:$0x3FBB] =	sst s0  }
0x18: {  	s0 =	sld [smem:$0x3F9E];
	_ =	swait.ge [sflag:s4], $0x0  }
0x19: {  	s7 =	sld [smem:$0x3F9F]  }
0x1a: {  	s8 =	sadd.s32 $0xFFFFE003, lr  }
0x1b: {  	s9 =	sadd.s32 $0xFFFFFEF7, lr;
	s5 =	simm.s32 $0xFFFFFFFF;
	p2 =	slt.u32 s8, $0xFFFFF086  }
0x1c: {  	p1 =	slt.u32 s9, $0xF7A;
	s5 =	simm.s32 @!p2 $0x0  }
0x1d: {  	s5 =	simm.s32 @p1 $0x1;
	p0 =	seq.s32 s7, s2  }
0x1e: {  	s7 =	smul.u32 @!p0 $0xF7A, s2;
	p2 =	seq.s32 @!p0 s5, $0x0  }
0x1f: {  	s9 =	smul.u32 $0xF7A, s1;
	s8 =	simm.s32 @!p0 $0x1BF5;
	p2 =	por !p2, p0  }
0x20: {  	[sflag:s8] =	ssyncset.s32 @!p0 $0xFFFFF086;
	s6 =	sadd.s32 @!p0 s3, s7;
	s7 =	simm.s32 @!p0 $0x108  }
0x21: {  	s3 =	sadd.s32 s3, s9;
	s6 =	sadd.s32 @!p0 $0x88, s6;
	s7 =	simm.s32 @p2 $0x1082  }
0x22: {  	[simem:s7], [sflag:s8] =	dma.local @!p0 [hbm:s6], $0xF7A  }
0x23: {  	s9 =	sor.u32 $0xD0000000, s2;
	s6 =	simm.s32 $0x108;
	_ =	swait.ge @!p0 [sflag:s8], $0x0  }
0x24: {  	s3 =	sadd.s32 $0x88, s3;
	s6 =	simm.s32 @!p1 $0x1082;
	[sflag:s4] =	ssyncset.s32 $0xFFFFF086  }
0x25: {  	[simem:s6], [sflag:s4] =	dma.local [hbm:s3], $0xF7A  }
0x26: {  	[smem:$0x3F9F] =	sst s1;
	(tag) =	ssettag s2;
	_ =	strace s9  }
0x27: {  	s1 =	sld [smem:$0x3FAF]  }
0x28: {  	s2 =	sld [smem:$0x3FB0]  }
0x29: {  	s4 =	sld [smem:$0x3FB2]  }
0x2a: {  	p0 =	seq.s32 s5, $0x0;
	s5 =	sld [smem:$0x3FB3]  }
0x2b: {  	s6 =	sld [smem:$0x3FB4]  }
0x2c: {  	s7 =	sld [smem:$0x3FB5]  }
0x2d: {  	s3 =	simm.s32 $0x108;
	s8 =	sld [smem:$0x3FB6]  }
0x2e: {  	s3 =	simm.s32 @!p0 $0x1082;
	s9 =	sld [smem:$0x3FB7]  }
0x2f: {  	lr =	sadd.s32 s0, s3;
	s0 =	sld [smem:$0x3FAE]  }
0x30: {  	s3 =	sld [smem:$0x3FB1]  }
0x31: {  	[smem:$0x3FBA] =	sst s10  }
0x32: {  	s10 =	sld [smem:$0x3FB8];
	_ =	sdelay $0x3  }
0x33: {  	p0 =	seq.s32 s10, $0x1;
	s10 =	sld [smem:$0x3FBA];
	_ =	sdelay $0x3  }
0x34: {  	[smem:$0x3FBA] =	sst s10  }
0x35: {  	s10 =	sld [smem:$0x3FB9];
	_ =	sdelay $0x3  }
0x36: {  	p1 =	seq.s32 s10, $0x1;
	s10 =	sld [smem:$0x3FBA];
	_ =	sdelay $0x3  }
0x37: {  	[smem:$0x3FBA] =	sst s10  }
0x38: {  	s10 =	sld [smem:$0x3FBB]  }
0x39: {  	_ = 	snop;
	(pc) =	sbr.ind lr, $3  }
0x3a: {  	_ = 	snop  }
0x3b: {  	_ = 	snop  }
0x3c: {  	p2 =	seq.s32 s10, $0x1;
	s10 =	sld [smem:$0x3FBA]  }
0x3d: {  	_ =	shalt  }
0x3e: {  	_ =	shalt  }
0x3f: {  	_ =	shalt  }
0x40: {  	_ =	shalt  }
0x41: {  	_ =	shalt  }
0x42: {  	_ =	shalt  }
0x43: {  	_ =	shalt  }
0x44: {  	_ =	shalt  }
0x45: {  	_ =	shalt  }
0x46: {  	_ =	shalt  }
0x47: {  	_ =	shalt  }
0x48: {  	_ =	shalt  }
0x49: {  	_ =	shalt  }
0x4a: {  	_ =	shalt  }
0x4b: {  	_ =	shalt  }
0x4c: {  	_ =	shalt  }
0x4d: {  	_ =	shalt  }
0x4e: {  	_ =	shalt  }
0x4f: {  	_ =	shalt  }
0x50: {  	_ =	shalt  }
0x51: {  	_ =	shalt  }
0x52: {  	_ =	shalt  }
0x53: {  	_ =	shalt  }
0x54: {  	_ =	shalt  }
0x55: {  	_ =	shalt  }
0x56: {  	_ =	shalt  }
0x57: {  	_ =	shalt  }
0x58: {  	_ =	shalt  }
0x59: {  	_ =	shalt  }
0x5a: {  	_ =	shalt  }
0x5b: {  	_ =	shalt  }
0x5c: {  	_ =	shalt  }
0x5d: {  	_ =	shalt  }
0x5e: {  	_ =	shalt  }
0x5f: {  	_ =	shalt  }
0x60: {  	_ =	shalt  }
0x61: {  	_ =	shalt  }
0x62: {  	_ =	shalt  }
0x63: {  	_ =	shalt  }
0x64: {  	_ =	shalt  }
0x65: {  	_ =	shalt  }
0x66: {  	_ =	shalt  }
0x67: {  	_ =	shalt  }
0x68: {  	_ =	shalt  }
0x69: {  	_ =	shalt  }
0x6a: {  	_ =	shalt  }
0x6b: {  	_ =	shalt  }
0x6c: {  	_ =	shalt  }
0x6d: {  	_ =	shalt  }
0x6e: {  	_ =	shalt  }
0x6f: {  	_ =	shalt  }
0x70: {  	_ =	shalt  }
0x71: {  	_ =	shalt  }
0x72: {  	_ =	shalt  }
0x73: {  	_ =	shalt  }
0x74: {  	_ =	shalt  }
0x75: {  	_ =	shalt  }
0x76: {  	_ =	shalt  }
0x77: {  	_ =	shalt  }
0x78: {  	_ =	shalt  }
0x79: {  	_ =	shalt  }
0x7a: {  	_ =	shalt  }
0x7b: {  	_ =	shalt  }
0x7c: {  	_ =	shalt  }
0x7d: {  	_ =	shalt  }
0x7e: {  	_ =	shalt  }
0x7f: {  	_ =	shalt  }
0x80: {  	_ =	shalt  }
0x81: {  	_ =	shalt  }
0x82: {  	_ =	shalt  }
0x83: {  	_ =	shalt  }
0x84: {  	_ =	shalt  }
0x85: {  	_ =	shalt  }
0x86: {  	_ =	shalt  }
0x87: {  	_ =	shalt  }
.Lfunc_end0:
.L_simem_size_0:
called_computation.1_lowered:
.L_overlay_start_0:
0x88: {  	s2 =	sld [smem:$0x3FD9]  }
0x89: {  	s3 =	sld [smem:$0x3FFE];
	_ =	sdelay $0x1  }
0x8a: {  	s1 =	srdreg.scid  }
0x8b: {  	s0 =	sand.u32 $0x1, s1  }
0x8c: {  	s17 =	sshll.u32 s0, $0xA;
	s2 =	sadd.s32 s3, s2  }
0x8d: {  	s2 =	sadd.s32 s2, s17  }
0x8e: {  	[smem:$0x3FC6] =	sst s2  }
0x8f: {  	_ = 	snop  }
0x90: {  	s2 =	sld [smem:$0x3FD0];
	(tm) =	ssettm $0x1  }
0x91: {  	s18 =	sld [smem:$0x3FFB];
	_ =	sdelay $0x3  }
0x92: {  	_ =	strace s18  }
0x93: {  	s3 =	sld [smem:$0x3FFC];
	_ =	sdelay $0x3  }
0x94: {  	_ =	strace s3  }
0x95: {  	s3 =	sld [smem:$0x3FFD];
	_ =	sdelay $0x3  }
0x96: {  	_ =	strace s3  }
0x97: {  	_ =	strace $0x8FFFFFFF  }
0x98: {  	s19 =	sld [smem:$0x3FDB];
	_ =	sdelay $0x1  }
0x99: {  	s4 =	simm.s32 $_scs_section_size  }
0x9a: {  	s5 =	simm.s32 $_size__tile_overlayer_lowered;
	s6 =	simm.s32 $_tile_overlayer_lowered  }
0x9b: {  	s22 =	simm.s32 $0x1BFF;
	s21 =	sshll.u32 s6, $0x1;
	s3 =	sadd.s32 s4, s19  }
0x9c: {  	s7 =	simm.s32 $0x0;
	s20 =	sshll.u32 s5, $0x1;
	s5 =	sadd.s32 s21, s3  }
0x9d: {  	[timem:s7], [sflag:s22] =	dma.local [hbm:s5], s20  }
0x9e: {  	_ =	swait.ge [sflag:s22], s20  }
0x9f: {  	s4 =	ssub.s32 $0x0, s20;
	[sflag:s22] =	ssyncset.done $0x0  }
0xa0: {  	[sflag:s22] =	ssyncadd.s32 s4;
	_ =	sdelay $0x1  }
0xa1: {  	s23 =	simm.s32 $0x1B8B  }
0xa2: {  	_ =	swait.ge [sflag:s23], $0x1  }
0xa3: {  	[sflag:s23] =	ssyncset.done $0x0  }
0xa4: {  	s25 =	simm.s32 $0x1B8E;
	s24 =	sld [smem:$0x3FFE];
	[sflag:s23] =	ssyncadd.s32 $0xFFFFFFFF  }
0xa5: {  	s26 =	simm.s32 $execute0_lowered;
	[smem:$0x3FD2] =	sst s25  }
0xa6: {  	s5 =	sshll.u32 s26, $0x1;
	_ =	strace $0x80000046;
	[dreg:$0x1] =	wrdreg $0xFFFFFFFF  }
0xa7: {  	s28 =	simm.s32 $_size_execute0_lowered;
	s3 =	sadd.s32 s3, s5;
	[dreg:$0x0] =	wrdreg $0x0  }
0xa8: {  	s5 =	sshll.u32 s28, $0x1;
	[dreg:$0x2] =	wrdreg s3  }
0xa9: {  	[dreg:$0x3] =	wrdreg s5  }
0xaa: {  	[dreg:$0x4] =	wrdreg $0xC0  }
0xab: {  	_ =	task [dreg:s7], $0x5FFFF  }
0xac: {  	[dreg:$0x1] =	wrdreg $0xFFFFFFFF  }
0xad: {  	[dreg:$0x0] =	wrdreg $0x60  }
0xae: {  	[dreg:$0x2] =	wrdreg s24  }
0xaf: {  	[dreg:$0x3] =	wrdreg s2  }
0xb0: {  	[dreg:$0x4] =	wrdreg $0x9  }
0xb1: {  	_ =	task.clear_ibuf [dreg:s7], $0x5FFFF;
	_ =	strace $0x90000046  }
0xb2: {  	s29 =	simm.s32 $0x9;
	_ =	strace $0x80000048  }
0xb3: {  	_ =	swait.ge [sflag:s29], $0x1  }
0xb4: {  	[sflag:s29] =	ssyncadd.s32 $0xFFFFFFFF  }
0xb5: {  	_ =	strace $0x90000048  }
0xb6: {  	_ =	sfence  }
0xb7: {  	s30 =	sld [smem:$0x0];
	_ =	sdelay $0x2  }
0xb8: {  	s31 =	sshll.u32 s1, $0xD;
	s1 =	sshrl.u32 s1, $0x2  }
0xb9: {  	s3 =	sand.u32 $0x4000, s31;
	s1 =	sadd.s32 s1, s30  }
0xba: {  	s0 =	sor.u32 s3, s0;
	s1 =	sshll.u32 s1, $0x11  }
0xbb: {  	s0 =	sor.u32 s1, s0  }
0xbc: {  	s0 =	sadd.s32 $0x8F2B, s0  }
0xbd: {  	[sflag:s0] =	ssyncadd.remote.s32 $0x1  }
0xbe: {  	_ =	sfence.sel $0xFFFF  }
0xbf: {  	[dreg:$0x0] =	wrdreg $0xFFFFFFFF;
	(pc) =	sbr.abs _section_cstart, $3  }
0xc0: {  	[dreg:$0x1] =	wrdreg $0xFFFFFFFF  }
0xc1: {  	_ =	task.clear_ibuf [dreg:s7], $0x2FFFF;
	_ =	strace $0x9FFFFFFF  }
0xc2: {  	(tm) =	ssettm $0x7FFFFFFF  }
0xc3: {  	_ =	shalt  }
tec
execute0_lowered:
.L_overlay_start_1:
0x0: {  	(tag) =	ssettag $0x1  }
0x1: {  	s1 =	srdreg.scid;
	s8 =	stileid.u32  }
0x2: {  	s1 =	sand.u32 $0x1, s1;
	s2 =	sshll.u32 s8, $0x1  }
0x3: {  	s2 =	sor.u32 s1, s2  }
0x4: {  	s0 =	rddreg [dreg:$0x0];
	s4 =	smul.u32 $0xC80, s2  }
0x5: {  	s9 =	rddreg [dreg:$0x1];
	s3 =	simm.s32 $0x0;
	s7 =	smul.u32 $0x32000, s2  }
0x6: {  	[smem:$0x7FF] =	sst s3  }
0x7: {  	s14 =	smul.u32 $0xC800, s8;
	s5 =	sadd.s32 s4, s0;
	s7 =	sadd.s32 s9, s7  }
0x8: {  	_ =	strace $0x80000047;
	s5 =	sadd.s32 $0xA00, s5;
	[dreg:$0xf] =	wrdreg s7  }
0x9: {  	s6 =	ssub.s32 $0x2, s1;
	s15 =	sadd.s32 $0x400, s7;
	[dreg:$0x10] =	wrdreg s5  }
0xa: {  	s1 =	smul.u32 $0x6400, s1;
	s16 =	sadd.s32 $0x800, s7;
	[dreg:$0x11] =	wrdreg s15  }
0xb: {  	s13 =	sshrl.u32 s6, $0x1;
	s17 =	sadd.s32 $0xC00, s7;
	[dreg:$0x12] =	wrdreg s16  }
0xc: {  	s2 =	smul.u32 $0x190000, s2;
	s18 =	sadd.s32 $0x1000, s7;
	[dreg:$0x13] =	wrdreg s17  }
0xd: {  	s1 =	sadd.s32 s1, s14;
	s19 =	sadd.s32 $0x1400, s7;
	[dreg:$0x14] =	wrdreg s18  }
0xe: {  	s1 =	sshll.u32 s1, $0x3;
	s20 =	sadd.s32 $0x1800, s7;
	[dreg:$0x15] =	wrdreg s19  }
0xf: {  	s4 =	sadd.s32 $0xF42E00, s0;
	s23 =	sadd.s32 $0x3C00, s1;
	[dreg:$0x16] =	wrdreg s20  }
0x10: {  	s0 =	ssub.s32 s6, s13;
	s25 =	sadd.s32 $0x3800, s1;
	[dreg:$0x3] =	wrdreg s23  }
0x11: {  	s2 =	sshrl.u32 s2, $0x3;
	s26 =	sadd.s32 $0x3400, s1;
	[dreg:$0x4] =	wrdreg s25  }
0x12: {  	s2 =	sadd.s32 s9, s2;
	s0 =	smax.u32 s0, $0x1;
	[dreg:$0x5] =	wrdreg s26  }
0x13: {  	s21 =	sadd.s32 $0x2F000, s2;
	[smem:$0x7FC] =	sst s0  }
0x14: {  	s22 =	sadd.s32 $0x2F400, s2;
	[dreg:$0x17] =	wrdreg s21  }
0x15: {  	s28 =	sadd.s32 $0x20002C00, s1;
	s24 =	sadd.s32 $0x2F800, s2;
	[dreg:$0x18] =	wrdreg s22  }
0x16: {  	s8 =	sadd.s32 $0x20002800, s1;
	s6 =	sand.u32 $0x1FFEC00, s28;
	[dreg:$0x19] =	wrdreg s24  }
0x17: {  	s9 =	sand.u32 $0x1FFE800, s8;
	[dreg:$0x6] =	wrdreg s6  }
0x18: {  	s10 =	sadd.s32 $0x20002400, s1;
	s13 =	sadd.s32 $0x2FC00, s2;
	[dreg:$0x7] =	wrdreg s9  }
0x19: {  	s11 =	sand.u32 $0x1FFE400, s10;
	[dreg:$0x1a] =	wrdreg s13  }
0x1a: {  	s12 =	sadd.s32 $0x20002000, s1;
	s15 =	sadd.s32 $0x30000, s2;
	[dreg:$0x8] =	wrdreg s11  }
0x1b: {  	s14 =	sand.u32 $0x1FFE000, s12;
	[dreg:$0x1b] =	wrdreg s15  }
0x1c: {  	s17 =	sadd.s32 $0x30400, s2;
	[dreg:$0x9] =	wrdreg s14  }
0x1d: {  	s29 =	simm.s32 $0x80;
	s16 =	sadd.s32 $0x3000, s1;
	[dreg:$0x1c] =	wrdreg s17  }
0x1e: {  	s30 =	simm.s32 $0xE;
	s19 =	sadd.s32 $0x30800, s2;
	[dreg:$0xa] =	wrdreg s16  }
0x1f: {  	s31 =	simm.s32 $0x11;
	s18 =	sadd.s32 $0x4C00, s1;
	[dreg:$0x1d] =	wrdreg s19  }
0x20: {  	s20 =	sadd.s32 $0x4800, s1;
	s23 =	sadd.s32 $0x31000, s2;
	[dreg:$0xb] =	wrdreg s18  }
0x21: {  	s25 =	sadd.s32 $0x31800, s2;
	s26 =	sadd.s32 $0x31C00, s2;
	[dreg:$0xc] =	wrdreg s20  }
0x22: {  	s28 =	sadd.s32 $0x1C00, s7;
	s5 =	simm.s32 $0x6;
	[dreg:$0x1f] =	wrdreg s23  }
0x23: {  	s0 =	simm.s32 $0x14;
	s7 =	simm.s32 $0xF;
	[smem:$0x7FA] =	sst s25  }
0x24: {  	s21 =	sadd.s32 $0x30C00, s2;
	s22 =	sadd.s32 $0x4400, s1;
	[smem:$0x7FB] =	sst s26  }
0x25: {  	s1 =	sadd.s32 $0x4000, s1;
	s24 =	sadd.s32 $0x31400, s2;
	[smem:$0x7FD] =	sst s28  }
0x26: {  	s26 =	simm.s32 $0x3;
	s17 =	simm.s32 $0x9;
	[dreg:$0x1e] =	wrdreg s21  }
0x27: {  	s2 =	simm.s32 $0xC;
	s9 =	simm.s32 $0x12;
	[dreg:$0xd] =	wrdreg s22  }
0x28: {  	s11 =	simm.s32 $0x15;
	s13 =	simm.s32 $0x18;
	[smem:$0x7F9] =	sst s24  }
0x29: {  	s6 =	simm.s32 $0x0;
	[dreg:$0xe] =	wrdreg s1;
	s1 =	simm.s32 $0x17  }
.LBB2_1:
0x2a: {  	[smem:$0x7F8] =	sst s6  }
0x2b: {  	s15 =	rddreg [dreg:$0x10];
	s19 =	simm.s32 $0x19  }
0x2c: {  	[tilespmem:s3], [sflag:$0x19] =	stream.linear.gather [hbm4b:s15+s3], $0x6400, $0x38;
	[tilespmem:$0x1E400] =	vst v63  }
0x2d: {  	_ =	swait.ge [sflag:s19], $0x6400  }
0x2e: {  	[sflag:s19] =	ssyncset.done $0x0  }
0x2f: {  	s20 =	simm.s32 $0x6400;
	[sflag:s19] =	ssyncadd.s32 $0xFFFF9C00  }
0x30: {  	[tilespmem:s20], [sflag:$0x1] =	stream.indirect.gather [hbm4b:s4+s29], $0x40, s3, s29, $0xb8;
	[tilespmem:$0x1E400] =	vst v63  }
0x31: {  	s21 =	simm.s32 $0xC400  }
0x32: {  	[tilespmem:s21], [sflag:$0x4] =	stream.indirect.gather [hbm4b:s4+s29], $0x40, s29, s29, $0xb8;
	[tilespmem:$0x1E400] =	vst v63  }
0x33: {  	s8 =	simm.s32 $0x100;
	s22 =	simm.s32 $0x12400  }
0x34: {  	[tilespmem:s22], [sflag:$0x7] =	stream.indirect.gather [hbm4b:s4+s29], $0x40, s8, s29, $0xb8;
	[tilespmem:$0x1E400] =	vst v63  }
0x35: {  	s23 =	simm.s32 $0x180;
	s24 =	simm.s32 $0x18400;
	s8 =	simm.s32 $0x1  }
0x36: {  	[tilespmem:s24], [sflag:$0xA] =	stream.indirect.gather [hbm4b:s4+s29], $0x40, s23, s29, $0xb8;
	[tilespmem:$0x1E400] =	vst v63  }
0x37: {  	_ =	swait.ge [sflag:s8], $0x2000  }
0x38: {  	s14 =	simm.s32 $0x200;
	[sflag:s8] =	ssyncset.done $0x0  }
0x39: {  	s16 =	simm.s32 $0x8400;
	s21 =	simm.s32 $0x4;
	[sflag:s8] =	ssyncadd.s32 $0xFFFFE000  }
0x3a: {  	[tilespmem:s16], [sflag:$0x2] =	stream.indirect.gather [hbm4b:s4+s29], $0x40, s14, s29, $0xb8;
	[tilespmem:$0x1E400] =	vst v63  }
0x3b: {  	_ =	swait.ge [sflag:s21], $0x2000  }
0x3c: {  	s18 =	simm.s32 $0x280;
	[sflag:s21] =	ssyncset.done $0x0  }
0x3d: {  	s19 =	simm.s32 $0xE400;
	s16 =	simm.s32 $0x7;
	[sflag:s21] =	ssyncadd.s32 $0xFFFFE000  }
0x3e: {  	[tilespmem:s19], [sflag:$0x5] =	stream.indirect.gather [hbm4b:s4+s29], $0x40, s18, s29, $0xb8;
	[tilespmem:$0x1E400] =	vst v63  }
0x3f: {  	_ =	swait.ge [sflag:s16], $0x2000  }
0x40: {  	s20 =	simm.s32 $0x300;
	[sflag:s16] =	ssyncset.done $0x0  }
0x41: {  	s22 =	simm.s32 $0x14400;
	s18 =	simm.s32 $0xA;
	[sflag:s16] =	ssyncadd.s32 $0xFFFFE000  }
0x42: {  	[tilespmem:s22], [sflag:$0x8] =	stream.indirect.gather [hbm4b:s4+s29], $0x40, s20, s29, $0xb8;
	[tilespmem:$0x1E400] =	vst v63  }
0x43: {  	_ =	swait.ge [sflag:s18], $0x2000  }
0x44: {  	s23 =	simm.s32 $0x380;
	[sflag:s18] =	ssyncset.done $0x0  }
0x45: {  	s24 =	simm.s32 $0x1A400;
	s20 =	simm.s32 $0x2;
	[sflag:s18] =	ssyncadd.s32 $0xFFFFE000  }
0x46: {  	[tilespmem:s24], [sflag:$0xB] =	stream.indirect.gather [hbm4b:s4+s29], $0x40, s23, s29, $0xb8;
	[tilespmem:$0x1E400] =	vst v63  }
0x47: {  	_ =	swait.ge [sflag:s20], $0x2000  }
0x48: {  	[sflag:s20] =	ssyncset.done $0x0  }
0x49: {  	s12 =	simm.s32 $0x6400;
	s19 =	rddreg [dreg:$0xf];
	[sflag:s20] =	ssyncadd.s32 $0xFFFFE000  }
0x4a: {  	[hbm4b:s19+s3] =	stream.linear.scatter [tilespmem:s12], [sflag:$0xD], $0x2000, $0x38;
	[tilespmem:$0x1E400] =	vst v63  }
0x4b: {  	s6 =	simm.s32 $0x5;
	s22 =	simm.s32 $0x400;
	s24 =	simm.s32 $0xA400  }
0x4c: {  	[tilespmem:s24], [sflag:$0x3] =	stream.indirect.gather [hbm4b:s4+s29], $0x40, s22, s29, $0xb8;
	[tilespmem:$0x1E400] =	vst v63  }
0x4d: {  	_ =	swait.ge [sflag:s6], $0x2000  }
0x4e: {  	[sflag:s6] =	ssyncset.done $0x0  }
0x4f: {  	s10 =	simm.s32 $0xC400;
	s23 =	rddreg [dreg:$0x11];
	[sflag:s6] =	ssyncadd.s32 $0xFFFFE000  }
0x50: {  	[hbm4b:s23+s3] =	stream.linear.scatter [tilespmem:s10], [sflag:$0x10], $0x2000, $0x38;
	[tilespmem:$0x1E400] =	vst v63  }
0x51: {  	s12 =	simm.s32 $0x480;
	s22 =	simm.s32 $0x10400  }
0x52: {  	[tilespmem:s22], [sflag:$0x6] =	stream.indirect.gather [hbm4b:s4+s29], $0x40, s12, s29, $0xb8;
	[tilespmem:$0x1E400] =	vst v63  }
0x53: {  	s12 =	simm.s32 $0x8  }
0x54: {  	_ =	swait.ge [sflag:s12], $0x2000  }
0x55: {  	[sflag:s12] =	ssyncset.done $0x0  }
0x56: {  	s25 =	simm.s32 $0x12400;
	s10 =	rddreg [dreg:$0x12];
	[sflag:s12] =	ssyncadd.s32 $0xFFFFE000  }
0x57: {  	[hbm4b:s10+s3] =	stream.linear.scatter [tilespmem:s25], [sflag:$0x13], $0x2000, $0x38;
	[tilespmem:$0x1E400] =	vst v63  }
0x58: {  	s22 =	simm.s32 $0x500;
	s25 =	simm.s32 $0x16400  }
0x59: {  	[tilespmem:s25], [sflag:$0x9] =	stream.indirect.gather [hbm4b:s4+s29], $0x40, s22, s29, $0xb8;
	[tilespmem:$0x1E400] =	vst v63  }
0x5a: {  	s25 =	simm.s32 $0xB  }
0x5b: {  	_ =	swait.ge [sflag:s25], $0x2000  }
0x5c: {  	[sflag:s25] =	ssyncset.done $0x0  }
0x5d: {  	s10 =	simm.s32 $0x18400;
	s22 =	rddreg [dreg:$0x13];
	[sflag:s25] =	ssyncadd.s32 $0xFFFFE000  }
0x5e: {  	[hbm4b:s22+s3] =	stream.linear.scatter [tilespmem:s10], [sflag:$0x16], $0x2000, $0x38;
	[tilespmem:$0x1E400] =	vst v63  }
0x5f: {  	s15 =	simm.s32 $0x580;
	s22 =	simm.s32 $0x1C400  }
0x60: {  	[tilespmem:s22], [sflag:$0xC] =	stream.indirect.gather [hbm4b:s4+s29], $0x40, s15, s29, $0xb8;
	[tilespmem:$0x1E400] =	vst v63  }
0x61: {  	_ =	swait.ge [sflag:s26], $0x2000  }
0x62: {  	[sflag:s26] =	ssyncset.done $0x0  }
0x63: {  	s14 =	simm.s32 $0x8400;
	s22 =	rddreg [dreg:$0x14];
	[sflag:s26] =	ssyncadd.s32 $0xFFFFE000  }
0x64: {  	[hbm4b:s22+s3] =	stream.linear.scatter [tilespmem:s14], [sflag:$0xE], $0x2000, $0x38;
	[tilespmem:$0x1E400] =	vst v63  }
0x65: {  	s14 =	simm.s32 $0xD  }
0x66: {  	_ =	swait.ge [sflag:s14], $0x2000  }
0x67: {  	[sflag:s14] =	ssyncset.done $0x0  }
0x68: {  	s19 =	simm.s32 $0x6400;
	s22 =	simm.s32 $0x600;
	[sflag:s14] =	ssyncadd.s32 $0xFFFFE000  }
0x69: {  	[tilespmem:s19], [sflag:$0x1] =	stream.indirect.gather [hbm4b:s4+s29], $0x40, s22, s29, $0xb8;
	[tilespmem:$0x1E400] =	vst v63  }
0x6a: {  	_ =	swait.ge [sflag:s5], $0x2000  }
0x6b: {  	[sflag:s5] =	ssyncset.done $0x0  }
0x6c: {  	s22 =	simm.s32 $0xE400;
	s19 =	rddreg [dreg:$0x15];
	[sflag:s5] =	ssyncadd.s32 $0xFFFFE000  }
0x6d: {  	[hbm4b:s19+s3] =	stream.linear.scatter [tilespmem:s22], [sflag:$0x11], $0x2000, $0x38;
	[tilespmem:$0x1E400] =	vst v63  }
0x6e: {  	s19 =	simm.s32 $0x10  }
0x6f: {  	_ =	swait.ge [sflag:s19], $0x2000  }
0x70: {  	[sflag:s19] =	ssyncset.done $0x0  }
0x71: {  	s23 =	simm.s32 $0xC400;
	s15 =	simm.s32 $0x680;
	[sflag:s19] =	ssyncadd.s32 $0xFFFFE000  }
0x72: {  	[tilespmem:s23], [sflag:$0x4] =	stream.indirect.gather [hbm4b:s4+s29], $0x40, s15, s29, $0xb8;
	[tilespmem:$0x1E400] =	vst v63  }
0x73: {  	_ =	swait.ge [sflag:s17], $0x2000  }
0x74: {  	[sflag:s17] =	ssyncset.done $0x0  }
0x75: {  	s23 =	simm.s32 $0x14400;
	s22 =	rddreg [dreg:$0x16];
	[sflag:s17] =	ssyncadd.s32 $0xFFFFE000  }
0x76: {  	[hbm4b:s22+s3] =	stream.linear.scatter [tilespmem:s23], [sflag:$0x14], $0x2000, $0x38;
	[tilespmem:$0x1E400] =	vst v63  }
0x77: {  	s22 =	simm.s32 $0x13  }
0x78: {  	_ =	swait.ge [sflag:s22], $0x2000  }
0x79: {  	[sflag:s22] =	ssyncset.done $0x0  }
0x7a: {  	s28 =	simm.s32 $0x12400;
	s15 =	simm.s32 $0x700;
	[sflag:s22] =	ssyncadd.s32 $0xFFFFE000  }
0x7b: {  	[tilespmem:s28], [sflag:$0x7] =	stream.indirect.gather [hbm4b:s4+s29], $0x40, s15, s29, $0xb8;
	[tilespmem:$0x1E400] =	vst v63  }
0x7c: {  	_ =	swait.ge [sflag:s2], $0x2000  }
0x7d: {  	s17 =	sld [smem:$0x7FD]  }
0x7e: {  	[sflag:s2] =	ssyncset.done $0x0  }
0x7f: {  	s23 =	simm.s32 $0x1A400;
	[sflag:s2] =	ssyncadd.s32 $0xFFFFE000  }
0x80: {  	[hbm4b:s17+s3] =	stream.linear.scatter [tilespmem:s23], [sflag:$0x17], $0x2000, $0x38;
	[tilespmem:$0x1E400] =	vst v63  }
0x81: {  	s23 =	simm.s32 $0x16  }
0x82: {  	_ =	swait.ge [sflag:s23], $0x2000  }
0x83: {  	[sflag:s23] =	ssyncset.done $0x0  }
0x84: {  	s5 =	simm.s32 $0x780;
	[sflag:s23] =	ssyncadd.s32 $0xFFFFE000  }
0x85: {  	[tilespmem:s10], [sflag:$0xA] =	stream.indirect.gather [hbm4b:s4+s29], $0x40, s5, s29, $0xb8;
	[tilespmem:$0x1E400] =	vst v63  }
0x86: {  	_ =	swait.ge [sflag:s8], $0x2000  }
0x87: {  	[sflag:s8] =	ssyncset.done $0x0  }
0x88: {  	s10 =	rddreg [dreg:$0x9];
	[sflag:s8] =	ssyncadd.s32 $0xFFFFE000  }
0x89: {  	s17 =	rddreg [dreg:$0x1]  }
0x8a: {  	s15 =	sadd.s32 s17, s10  }
0x8b: {  	[hbm4b:s15+s3] =	stream.linear.scatter [tilespmem:s24], [sflag:$0xF], $0x2000, $0x38;
	[tilespmem:$0x1E400] =	vst v63  }
0x8c: {  	_ =	swait.ge [sflag:s30], $0x2000  }
0x8d: {  	[sflag:s30] =	ssyncset.done $0x0  }
0x8e: {  	s8 =	simm.s32 $0x800;
	s10 =	simm.s32 $0x8400;
	[sflag:s30] =	ssyncadd.s32 $0xFFFFE000  }
0x8f: {  	[tilespmem:s10], [sflag:$0x2] =	stream.indirect.gather [hbm4b:s4+s29], $0x40, s8, s29, $0xb8;
	[tilespmem:$0x1E400] =	vst v63  }
0x90: {  	_ =	swait.ge [sflag:s21], $0x2000  }
0x91: {  	s10 =	rddreg [dreg:$0x8];
	[sflag:s21] =	ssyncset.done $0x0  }
0x92: {  	[sflag:s21] =	ssyncadd.s32 $0xFFFFE000;
	s15 =	sadd.s32 s17, s10;
	s21 =	simm.s32 $0x10400  }
0x93: {  	[hbm4b:s15+s3] =	stream.linear.scatter [tilespmem:s21], [sflag:$0x12], $0x2000, $0x38;
	[tilespmem:$0x1E400] =	vst v63  }
0x94: {  	_ =	swait.ge [sflag:s31], $0x2000  }
0x95: {  	[sflag:s31] =	ssyncset.done $0x0  }
0x96: {  	s8 =	simm.s32 $0x880;
	s10 =	simm.s32 $0xE400;
	[sflag:s31] =	ssyncadd.s32 $0xFFFFE000  }
0x97: {  	[tilespmem:s10], [sflag:$0x5] =	stream.indirect.gather [hbm4b:s4+s29], $0x40, s8, s29, $0xb8;
	[tilespmem:$0x1E400] =	vst v63  }
0x98: {  	_ =	swait.ge [sflag:s16], $0x2000  }
0x99: {  	s21 =	rddreg [dreg:$0x7];
	[sflag:s16] =	ssyncset.done $0x0  }
0x9a: {  	[sflag:s16] =	ssyncadd.s32 $0xFFFFE000;
	s15 =	sadd.s32 s17, s21;
	s21 =	simm.s32 $0x16400  }
0x9b: {  	[hbm4b:s15+s3] =	stream.linear.scatter [tilespmem:s21], [sflag:$0x15], $0x2000, $0x38;
	[tilespmem:$0x1E400] =	vst v63  }
0x9c: {  	_ =	swait.ge [sflag:s0], $0x2000  }
0x9d: {  	[sflag:s0] =	ssyncset.done $0x0  }
0x9e: {  	s8 =	simm.s32 $0x900;
	s10 =	simm.s32 $0x14400;
	[sflag:s0] =	ssyncadd.s32 $0xFFFFE000  }
0x9f: {  	[tilespmem:s10], [sflag:$0x8] =	stream.indirect.gather [hbm4b:s4+s29], $0x40, s8, s29, $0xb8;
	[tilespmem:$0x1E400] =	vst v63  }
0xa0: {  	_ =	swait.ge [sflag:s18], $0x2000  }
0xa1: {  	s16 =	rddreg [dreg:$0x6];
	[sflag:s18] =	ssyncset.done $0x0  }
0xa2: {  	s10 =	simm.s32 $0x1C400;
	[sflag:s18] =	ssyncadd.s32 $0xFFFFE000;
	s15 =	sadd.s32 s17, s16  }
0xa3: {  	[hbm4b:s15+s3] =	stream.linear.scatter [tilespmem:s10], [sflag:$0x18], $0x2000, $0x38;
	[tilespmem:$0x1E400] =	vst v63  }
0xa4: {  	_ =	swait.ge [sflag:s1], $0x2000  }
0xa5: {  	[sflag:s1] =	ssyncset.done $0x0  }
0xa6: {  	s8 =	simm.s32 $0x980;
	s16 =	simm.s32 $0x1A400;
	[sflag:s1] =	ssyncadd.s32 $0xFFFFE000  }
0xa7: {  	[tilespmem:s16], [sflag:$0xB] =	stream.indirect.gather [hbm4b:s4+s29], $0x40, s8, s29, $0xb8;
	[tilespmem:$0x1E400] =	vst v63  }
0xa8: {  	_ =	swait.ge [sflag:s20], $0x2000  }
0xa9: {  	s18 =	rddreg [dreg:$0xa];
	[sflag:s20] =	ssyncset.done $0x0  }
0xaa: {  	[sflag:s20] =	ssyncadd.s32 $0xFFFFE000;
	s15 =	sadd.s32 s17, s18;
	s18 =	simm.s32 $0x6400  }
0xab: {  	[hbm4b:s15+s3] =	stream.linear.scatter [tilespmem:s18], [sflag:$0xD], $0x2000, $0x38;
	[tilespmem:$0x1E400] =	vst v63  }
0xac: {  	_ =	swait.ge [sflag:s7], $0x2000  }
0xad: {  	[sflag:s7] =	ssyncset.done $0x0  }
0xae: {  	s20 =	simm.s32 $0xA00;
	[sflag:s7] =	ssyncadd.s32 $0xFFFFE000  }
0xaf: {  	[tilespmem:s24], [sflag:$0x3] =	stream.indirect.gather [hbm4b:s4+s29], $0x40, s20, s29, $0xb8;
	[tilespmem:$0x1E400] =	vst v63  }
0xb0: {  	_ =	swait.ge [sflag:s6], $0x2000  }
0xb1: {  	s16 =	rddreg [dreg:$0x5];
	[sflag:s6] =	ssyncset.done $0x0  }
0xb2: {  	[sflag:s6] =	ssyncadd.s32 $0xFFFFE000;
	s15 =	sadd.s32 s17, s16;
	s16 =	simm.s32 $0xC400  }
0xb3: {  	[hbm4b:s15+s3] =	stream.linear.scatter [tilespmem:s16], [sflag:$0x10], $0x2000, $0x38;
	[tilespmem:$0x1E400] =	vst v63  }
0xb4: {  	_ =	swait.ge [sflag:s9], $0x2000  }
0xb5: {  	[sflag:s9] =	ssyncset.done $0x0  }
0xb6: {  	s20 =	simm.s32 $0xA80;
	s24 =	simm.s32 $0x10400;
	[sflag:s9] =	ssyncadd.s32 $0xFFFFE000  }
0xb7: {  	[tilespmem:s24], [sflag:$0x6] =	stream.indirect.gather [hbm4b:s4+s29], $0x40, s20, s29, $0xb8;
	[tilespmem:$0x1E400] =	vst v63  }
0xb8: {  	_ =	swait.ge [sflag:s12], $0x2000  }
0xb9: {  	s6 =	rddreg [dreg:$0x4];
	[sflag:s12] =	ssyncset.done $0x0  }
0xba: {  	[sflag:s12] =	ssyncadd.s32 $0xFFFFE000;
	s15 =	sadd.s32 s17, s6;
	s6 =	simm.s32 $0x12400  }
0xbb: {  	[hbm4b:s15+s3] =	stream.linear.scatter [tilespmem:s6], [sflag:$0x13], $0x2000, $0x38;
	[tilespmem:$0x1E400] =	vst v63  }
0xbc: {  	_ =	swait.ge [sflag:s11], $0x2000  }
0xbd: {  	[sflag:s11] =	ssyncset.done $0x0  }
0xbe: {  	s12 =	simm.s32 $0xB00;
	[sflag:s11] =	ssyncadd.s32 $0xFFFFE000  }
0xbf: {  	[tilespmem:s21], [sflag:$0x9] =	stream.indirect.gather [hbm4b:s4+s29], $0x40, s12, s29, $0xb8;
	[tilespmem:$0x1E400] =	vst v63  }
0xc0: {  	_ =	swait.ge [sflag:s25], $0x2000  }
0xc1: {  	s20 =	rddreg [dreg:$0x3];
	[sflag:s25] =	ssyncset.done $0x0  }
0xc2: {  	s21 =	simm.s32 $0x18400;
	[sflag:s25] =	ssyncadd.s32 $0xFFFFE000;
	s15 =	sadd.s32 s17, s20  }
0xc3: {  	[hbm4b:s15+s3] =	stream.linear.scatter [tilespmem:s21], [sflag:$0x16], $0x2000, $0x38;
	[tilespmem:$0x1E400] =	vst v63  }
0xc4: {  	_ =	swait.ge [sflag:s13], $0x2000  }
0xc5: {  	[sflag:s13] =	ssyncset.done $0x0  }
0xc6: {  	s24 =	simm.s32 $0xB80;
	[sflag:s13] =	ssyncadd.s32 $0xFFFFE000  }
0xc7: {  	[tilespmem:s10], [sflag:$0xC] =	stream.indirect.gather [hbm4b:s4+s29], $0x40, s24, s29, $0xb8;
	[tilespmem:$0x1E400] =	vst v63  }
0xc8: {  	_ =	swait.ge [sflag:s26], $0x2000  }
0xc9: {  	s25 =	rddreg [dreg:$0xe];
	[sflag:s26] =	ssyncset.done $0x0  }
0xca: {  	[sflag:s26] =	ssyncadd.s32 $0xFFFFE000;
	s15 =	sadd.s32 s17, s25;
	s26 =	simm.s32 $0x8400  }
0xcb: {  	[hbm4b:s15+s3] =	stream.linear.scatter [tilespmem:s26], [sflag:$0xE], $0x2000, $0x38;
	[tilespmem:$0x1E400] =	vst v63  }
0xcc: {  	_ =	swait.ge [sflag:s14], $0x2000  }
0xcd: {  	[sflag:s14] =	ssyncset.done $0x0  }
0xce: {  	s5 =	simm.s32 $0x6;
	s12 =	simm.s32 $0xC00;
	[sflag:s14] =	ssyncadd.s32 $0xFFFFE000  }
0xcf: {  	[tilespmem:s18], [sflag:$0x1] =	stream.indirect.gather [hbm4b:s4+s29], $0x40, s12, s29, $0xb8;
	[tilespmem:$0x1E400] =	vst v63  }
0xd0: {  	_ =	swait.ge [sflag:s5], $0x2000  }
0xd1: {  	s14 =	rddreg [dreg:$0xd];
	[sflag:s5] =	ssyncset.done $0x0  }
0xd2: {  	s18 =	simm.s32 $0xE400;
	[sflag:s5] =	ssyncadd.s32 $0xFFFFE000;
	s15 =	sadd.s32 s17, s14  }
0xd3: {  	[hbm4b:s15+s3] =	stream.linear.scatter [tilespmem:s18], [sflag:$0x11], $0x2000, $0x38;
	[tilespmem:$0x1E400] =	vst v63  }
0xd4: {  	_ =	swait.ge [sflag:s19], $0x2000  }
0xd5: {  	[sflag:s19] =	ssyncset.done $0x0  }
0xd6: {  	s28 =	simm.s32 $0x9;
	s20 =	simm.s32 $0xC80;
	[sflag:s19] =	ssyncadd.s32 $0xFFFFE000  }
0xd7: {  	[tilespmem:s16], [sflag:$0x4] =	stream.indirect.gather [hbm4b:s4+s29], $0x40, s20, s29, $0xb8;
	[tilespmem:$0x1E400] =	vst v63  }
0xd8: {  	_ =	swait.ge [sflag:s28], $0x2000  }
0xd9: {  	s21 =	rddreg [dreg:$0xc];
	[sflag:s28] =	ssyncset.done $0x0  }
0xda: {  	s24 =	simm.s32 $0x14400;
	[sflag:s28] =	ssyncadd.s32 $0xFFFFE000;
	s15 =	sadd.s32 s17, s21  }
0xdb: {  	[hbm4b:s15+s3] =	stream.linear.scatter [tilespmem:s24], [sflag:$0x14], $0x2000, $0x38;
	[tilespmem:$0x1E400] =	vst v63  }
0xdc: {  	_ =	swait.ge [sflag:s22], $0x2000  }
0xdd: {  	[sflag:s22] =	ssyncset.done $0x0  }
0xde: {  	s2 =	simm.s32 $0xC;
	s25 =	simm.s32 $0xD00;
	[sflag:s22] =	ssyncadd.s32 $0xFFFFE000  }
0xdf: {  	[tilespmem:s6], [sflag:$0x7] =	stream.indirect.gather [hbm4b:s4+s29], $0x40, s25, s29, $0xb8;
	[tilespmem:$0x1E400] =	vst v63  }
0xe0: {  	_ =	swait.ge [sflag:s2], $0x2000  }
0xe1: {  	s26 =	rddreg [dreg:$0xb];
	[sflag:s2] =	ssyncset.done $0x0  }
0xe2: {  	s8 =	simm.s32 $0x1A400;
	[sflag:s2] =	ssyncadd.s32 $0xFFFFE000;
	s15 =	sadd.s32 s17, s26  }
0xe3: {  	[hbm4b:s15+s3] =	stream.linear.scatter [tilespmem:s8], [sflag:$0x17], $0x2000, $0x38;
	[tilespmem:$0x1E400] =	vst v63  }
0xe4: {  	_ =	swait.ge [sflag:s23], $0x2000  }
0xe5: {  	s19 =	simm.s32 $0xD80;
	[sflag:s23] =	ssyncset.done $0x0  }
0xe6: {  	s17 =	sadd.s32 $0x3000, s17;
	s15 =	simm.s32 $0x1800;
	[sflag:s23] =	ssyncadd.s32 $0xFFFFE000  }
.LBB2_2:
0xe7: {  	s6 =	simm.s32 $0x18400;
	s8 =	simm.s32 $0x1  }
0xe8: {  	[tilespmem:s6], [sflag:$0xA] =	stream.indirect.gather [hbm4b:s4+s29], $0x40, s19, s29, $0xb8;
	[tilespmem:$0x1E400] =	vst v63  }
0xe9: {  	_ =	swait.ge [sflag:s8], $0x2000  }
0xea: {  	s21 =	rddreg [dreg:$0x9];
	[sflag:s8] =	ssyncset.done $0x0  }
0xeb: {  	s10 =	simm.s32 $0xA400;
	[sflag:s8] =	ssyncadd.s32 $0xFFFFE000;
	s21 =	sadd.s32 s17, s21  }
0xec: {  	[hbm4b:s21+s3] =	stream.linear.scatter [tilespmem:s10], [sflag:$0xF], $0x2000, $0x38;
	[tilespmem:$0x1E400] =	vst v63  }
0xed: {  	s26 =	smov.u32 s15;
	_ =	swait.ge [sflag:s30], $0x2000  }
0xee: {  	s14 =	simm.s32 $0x8400;
	s19 =	sshra.s32 s26, $0x2;
	[sflag:s30] =	ssyncset.done $0x0  }
0xef: {  	s16 =	simm.s32 $0x4;
	s12 =	sadd.s32 $0x800, s19;
	[sflag:s30] =	ssyncadd.s32 $0xFFFFE000  }
0xf0: {  	[tilespmem:s14], [sflag:$0x2] =	stream.indirect.gather [hbm4b:s4+s29], $0x40, s12, s29, $0xb8;
	[tilespmem:$0x1E400] =	vst v63  }
0xf1: {  	_ =	swait.ge [sflag:s16], $0x2000  }
0xf2: {  	s18 =	rddreg [dreg:$0x8];
	[sflag:s16] =	ssyncset.done $0x0  }
0xf3: {  	s12 =	simm.s32 $0x10400;
	[sflag:s16] =	ssyncadd.s32 $0xFFFFE000;
	s21 =	sadd.s32 s17, s18  }
0xf4: {  	[hbm4b:s21+s3] =	stream.linear.scatter [tilespmem:s12], [sflag:$0x12], $0x2000, $0x38;
	[tilespmem:$0x1E400] =	vst v63  }
0xf5: {  	_ =	swait.ge [sflag:s31], $0x2000  }
0xf6: {  	s20 =	sadd.s32 $0x880, s19;
	[sflag:s31] =	ssyncset.done $0x0  }
0xf7: {  	s16 =	simm.s32 $0xE400;
	s21 =	simm.s32 $0x7;
	[sflag:s31] =	ssyncadd.s32 $0xFFFFE000  }
0xf8: {  	[tilespmem:s16], [sflag:$0x5] =	stream.indirect.gather [hbm4b:s4+s29], $0x40, s20, s29, $0xb8;
	[tilespmem:$0x1E400] =	vst v63  }
0xf9: {  	_ =	swait.ge [sflag:s21], $0x2000  }
0xfa: {  	s22 =	rddreg [dreg:$0x7];
	[sflag:s21] =	ssyncset.done $0x0  }
0xfb: {  	s25 =	simm.s32 $0x16400;
	[sflag:s21] =	ssyncadd.s32 $0xFFFFE000;
	s21 =	sadd.s32 s17, s22  }
0xfc: {  	[hbm4b:s21+s3] =	stream.linear.scatter [tilespmem:s25], [sflag:$0x15], $0x2000, $0x38;
	[tilespmem:$0x1E400] =	vst v63  }
0xfd: {  	_ =	swait.ge [sflag:s0], $0x2000  }
0xfe: {  	s24 =	simm.s32 $0xA;
	[sflag:s0] =	ssyncset.done $0x0  }
0xff: {  	s23 =	sadd.s32 $0x900, s19;
	s18 =	simm.s32 $0x14400;
	[sflag:s0] =	ssyncadd.s32 $0xFFFFE000  }
0x100: {  	[tilespmem:s18], [sflag:$0x8] =	stream.indirect.gather [hbm4b:s4+s29], $0x40, s23, s29, $0xb8;
	[tilespmem:$0x1E400] =	vst v63  }
0x101: {  	_ =	swait.ge [sflag:s24], $0x2000  }
0x102: {  	s26 =	rddreg [dreg:$0x6];
	[sflag:s24] =	ssyncset.done $0x0  }
0x103: {  	[sflag:s24] =	ssyncadd.s32 $0xFFFFE000;
	s21 =	sadd.s32 s17, s26;
	s26 =	simm.s32 $0x1C400  }
0x104: {  	[hbm4b:s21+s3] =	stream.linear.scatter [tilespmem:s26], [sflag:$0x18], $0x2000, $0x38;
	[tilespmem:$0x1E400] =	vst v63  }
0x105: {  	_ =	swait.ge [sflag:s1], $0x2000  }
0x106: {  	s8 =	sadd.s32 $0x980, s19;
	[sflag:s1] =	ssyncset.done $0x0  }
0x107: {  	s20 =	simm.s32 $0x1A400;
	s22 =	simm.s32 $0x2;
	[sflag:s1] =	ssyncadd.s32 $0xFFFFE000  }
0x108: {  	[tilespmem:s20], [sflag:$0xB] =	stream.indirect.gather [hbm4b:s4+s29], $0x40, s8, s29, $0xb8;
	[tilespmem:$0x1E400] =	vst v63  }
0x109: {  	_ =	swait.ge [sflag:s22], $0x2000  }
0x10a: {  	s23 =	rddreg [dreg:$0xa];
	[sflag:s22] =	ssyncset.done $0x0  }
0x10b: {  	s8 =	simm.s32 $0x6400;
	[sflag:s22] =	ssyncadd.s32 $0xFFFFE000;
	s21 =	sadd.s32 s17, s23  }
0x10c: {  	[hbm4b:s21+s3] =	stream.linear.scatter [tilespmem:s8], [sflag:$0xD], $0x2000, $0x38;
	[tilespmem:$0x1E400] =	vst v63  }
0x10d: {  	_ =	swait.ge [sflag:s7], $0x2000  }
0x10e: {  	[sflag:s7] =	ssyncset.done $0x0  }
0x10f: {  	s24 =	sadd.s32 $0xA00, s19;
	s21 =	simm.s32 $0x5;
	[sflag:s7] =	ssyncadd.s32 $0xFFFFE000  }
0x110: {  	[tilespmem:s10], [sflag:$0x3] =	stream.indirect.gather [hbm4b:s4+s29], $0x40, s24, s29, $0xb8;
	[tilespmem:$0x1E400] =	vst v63  }
0x111: {  	_ =	swait.ge [sflag:s21], $0x2000  }
0x112: {  	s23 =	rddreg [dreg:$0x5];
	[sflag:s21] =	ssyncset.done $0x0  }
0x113: {  	s10 =	simm.s32 $0xC400;
	[sflag:s21] =	ssyncadd.s32 $0xFFFFE000;
	s21 =	sadd.s32 s17, s23  }
0x114: {  	[hbm4b:s21+s3] =	stream.linear.scatter [tilespmem:s10], [sflag:$0x10], $0x2000, $0x38;
	[tilespmem:$0x1E400] =	vst v63  }
0x115: {  	_ =	swait.ge [sflag:s9], $0x2000  }
0x116: {  	[sflag:s9] =	ssyncset.done $0x0  }
0x117: {  	s24 =	sadd.s32 $0xA80, s19;
	s21 =	simm.s32 $0x8;
	[sflag:s9] =	ssyncadd.s32 $0xFFFFE000  }
0x118: {  	[tilespmem:s12], [sflag:$0x6] =	stream.indirect.gather [hbm4b:s4+s29], $0x40, s24, s29, $0xb8;
	[tilespmem:$0x1E400] =	vst v63  }
0x119: {  	_ =	swait.ge [sflag:s21], $0x2000  }
0x11a: {  	s24 =	rddreg [dreg:$0x4];
	[sflag:s21] =	ssyncset.done $0x0  }
0x11b: {  	s12 =	simm.s32 $0x12400;
	[sflag:s21] =	ssyncadd.s32 $0xFFFFE000;
	s21 =	sadd.s32 s17, s24  }
0x11c: {  	[hbm4b:s21+s3] =	stream.linear.scatter [tilespmem:s12], [sflag:$0x13], $0x2000, $0x38;
	[tilespmem:$0x1E400] =	vst v63  }
0x11d: {  	_ =	swait.ge [sflag:s11], $0x2000  }
0x11e: {  	[sflag:s11] =	ssyncset.done $0x0  }
0x11f: {  	s21 =	sadd.s32 $0xB00, s19;
	[sflag:s11] =	ssyncadd.s32 $0xFFFFE000  }
0x120: {  	[tilespmem:s25], [sflag:$0x9] =	stream.indirect.gather [hbm4b:s4+s29], $0x40, s21, s29, $0xb8;
	[tilespmem:$0x1E400] =	vst v63  }
0x121: {  	s25 =	simm.s32 $0xB  }
0x122: {  	_ =	swait.ge [sflag:s25], $0x2000  }
0x123: {  	s21 =	rddreg [dreg:$0x3];
	[sflag:s25] =	ssyncset.done $0x0  }
0x124: {  	[sflag:s25] =	ssyncadd.s32 $0xFFFFE000;
	s21 =	sadd.s32 s17, s21  }
0x125: {  	[hbm4b:s21+s3] =	stream.linear.scatter [tilespmem:s6], [sflag:$0x16], $0x2000, $0x38;
	[tilespmem:$0x1E400] =	vst v63  }
0x126: {  	_ =	swait.ge [sflag:s13], $0x2000  }
0x127: {  	[sflag:s13] =	ssyncset.done $0x0  }
0x128: {  	s6 =	sadd.s32 $0xB80, s19;
	[sflag:s13] =	ssyncadd.s32 $0xFFFFE000  }
0x129: {  	[tilespmem:s26], [sflag:$0xC] =	stream.indirect.gather [hbm4b:s4+s29], $0x40, s6, s29, $0xb8;
	[tilespmem:$0x1E400] =	vst v63  }
0x12a: {  	s26 =	simm.s32 $0x3  }
0x12b: {  	_ =	swait.ge [sflag:s26], $0x2000  }
0x12c: {  	s6 =	rddreg [dreg:$0xe];
	[sflag:s26] =	ssyncset.done $0x0  }
0x12d: {  	[sflag:s26] =	ssyncadd.s32 $0xFFFFE000;
	s21 =	sadd.s32 s17, s6  }
0x12e: {  	[hbm4b:s21+s3] =	stream.linear.scatter [tilespmem:s14], [sflag:$0xE], $0x2000, $0x38;
	[tilespmem:$0x1E400] =	vst v63  }
0x12f: {  	s21 =	simm.s32 $0xD  }
0x130: {  	_ =	swait.ge [sflag:s21], $0x2000  }
0x131: {  	[sflag:s21] =	ssyncset.done $0x0  }
0x132: {  	s14 =	sadd.s32 $0xC00, s19;
	[sflag:s21] =	ssyncadd.s32 $0xFFFFE000  }
0x133: {  	[tilespmem:s8], [sflag:$0x1] =	stream.indirect.gather [hbm4b:s4+s29], $0x40, s14, s29, $0xb8;
	[tilespmem:$0x1E400] =	vst v63  }
0x134: {  	_ =	swait.ge [sflag:s5], $0x2000  }
0x135: {  	s8 =	rddreg [dreg:$0xd];
	[sflag:s5] =	ssyncset.done $0x0  }
0x136: {  	s14 =	simm.s32 $0x10;
	[sflag:s5] =	ssyncadd.s32 $0xFFFFE000;
	s21 =	sadd.s32 s17, s8  }
0x137: {  	[hbm4b:s21+s3] =	stream.linear.scatter [tilespmem:s16], [sflag:$0x11], $0x2000, $0x38;
	[tilespmem:$0x1E400] =	vst v63  }
0x138: {  	_ =	swait.ge [sflag:s14], $0x2000  }
0x139: {  	[sflag:s14] =	ssyncset.done $0x0  }
0x13a: {  	s16 =	sadd.s32 $0xC80, s19;
	[sflag:s14] =	ssyncadd.s32 $0xFFFFE000  }
0x13b: {  	[tilespmem:s10], [sflag:$0x4] =	stream.indirect.gather [hbm4b:s4+s29], $0x40, s16, s29, $0xb8;
	[tilespmem:$0x1E400] =	vst v63  }
0x13c: {  	_ =	swait.ge [sflag:s28], $0x2000  }
0x13d: {  	s10 =	rddreg [dreg:$0xc];
	[sflag:s28] =	ssyncset.done $0x0  }
0x13e: {  	s14 =	simm.s32 $0x13;
	[sflag:s28] =	ssyncadd.s32 $0xFFFFE000;
	s21 =	sadd.s32 s17, s10  }
0x13f: {  	[hbm4b:s21+s3] =	stream.linear.scatter [tilespmem:s18], [sflag:$0x14], $0x2000, $0x38;
	[tilespmem:$0x1E400] =	vst v63  }
0x140: {  	_ =	swait.ge [sflag:s14], $0x2000  }
0x141: {  	[sflag:s14] =	ssyncset.done $0x0  }
0x142: {  	s16 =	sadd.s32 $0xD00, s19;
	[sflag:s14] =	ssyncadd.s32 $0xFFFFE000  }
0x143: {  	[tilespmem:s12], [sflag:$0x7] =	stream.indirect.gather [hbm4b:s4+s29], $0x40, s16, s29, $0xb8;
	[tilespmem:$0x1E400] =	vst v63  }
0x144: {  	_ =	swait.ge [sflag:s2], $0x2000  }
0x145: {  	s18 =	rddreg [dreg:$0xb];
	[sflag:s2] =	ssyncset.done $0x0  }
0x146: {  	p0 =	sne.s32 s15, $0x15000;
	[sflag:s2] =	ssyncadd.s32 $0xFFFFE000;
	s21 =	sadd.s32 s17, s18  }
0x147: {  	[hbm4b:s21+s3] =	stream.linear.scatter [tilespmem:s20], [sflag:$0x17], $0x2000, $0x38;
	[tilespmem:$0x1E400] =	vst v63  }
.Ltmp0:
0x148: {  	s15 =	sadd.s32 $0x1800, s15;
	s22 =	simm.s32 $0xA400;
	(pc) =	sbr.rel @p0 .LBB2_2-.Ltmp0, $4  }
0x149: {  	s23 =	simm.s32 $0x10400;
	s24 =	simm.s32 $0x16400;
	s21 =	simm.s32 $0x16  }
0x14a: {  	s25 =	simm.s32 $0x1C400;
	s6 =	simm.s32 $0x6400;
	_ =	swait.ge [sflag:s21], $0x2000  }
0x14b: {  	s8 =	simm.s32 $0xC400;
	s19 =	sadd.s32 $0xD80, s19;
	[sflag:s21] =	ssyncset.done $0x0  }
0x14c: {  	s10 =	simm.s32 $0x12400;
	s17 =	sadd.s32 $0x3000, s17;
	[sflag:s21] =	ssyncadd.s32 $0xFFFFE000  }
0x14d: {  	s12 =	simm.s32 $0x18400;
	s15 =	simm.s32 $0x1  }
0x14e: {  	[tilespmem:s12], [sflag:$0xA] =	stream.indirect.gather [hbm4b:s4+s29], $0x40, s19, s29, $0xb8;
	[tilespmem:$0x1E400] =	vst v63  }
0x14f: {  	_ =	swait.ge [sflag:s15], $0x2000  }
0x150: {  	[sflag:s15] =	ssyncset.done $0x0  }
0x151: {  	s2 =	rddreg [dreg:$0x17];
	[sflag:s15] =	ssyncadd.s32 $0xFFFFE000  }
0x152: {  	[hbm4b:s2+s3] =	stream.linear.scatter [tilespmem:s22], [sflag:$0xF], $0x2000, $0x38;
	[tilespmem:$0x1E400] =	vst v63  }
0x153: {  	_ =	swait.ge [sflag:s30], $0x2000  }
0x154: {  	s14 =	simm.s32 $0x8400;
	[sflag:s30] =	ssyncset.done $0x0  }
0x155: {  	s5 =	simm.s32 $0x4;
	s2 =	simm.s32 $0x6200;
	[sflag:s30] =	ssyncadd.s32 $0xFFFFE000  }
0x156: {  	[tilespmem:s14], [sflag:$0x2] =	stream.indirect.gather [hbm4b:s4+s29], $0x40, s2, s29, $0xb8;
	[tilespmem:$0x1E400] =	vst v63  }
0x157: {  	_ =	swait.ge [sflag:s5], $0x2000  }
0x158: {  	[sflag:s5] =	ssyncset.done $0x0  }
0x159: {  	s16 =	rddreg [dreg:$0x18];
	[sflag:s5] =	ssyncadd.s32 $0xFFFFE000  }
0x15a: {  	[hbm4b:s16+s3] =	stream.linear.scatter [tilespmem:s23], [sflag:$0x12], $0x2000, $0x38;
	[tilespmem:$0x1E400] =	vst v63  }
0x15b: {  	_ =	swait.ge [sflag:s31], $0x2000  }
0x15c: {  	s17 =	simm.s32 $0x6280;
	[sflag:s31] =	ssyncset.done $0x0  }
0x15d: {  	s18 =	simm.s32 $0x7;
	s16 =	simm.s32 $0xE400;
	[sflag:s31] =	ssyncadd.s32 $0xFFFFE000  }
0x15e: {  	[tilespmem:s16], [sflag:$0x5] =	stream.indirect.gather [hbm4b:s4+s29], $0x40, s17, s29, $0xb8;
	[tilespmem:$0x1E400] =	vst v63  }
0x15f: {  	_ =	swait.ge [sflag:s18], $0x2000  }
0x160: {  	[sflag:s18] =	ssyncset.done $0x0  }
0x161: {  	s19 =	rddreg [dreg:$0x19];
	[sflag:s18] =	ssyncadd.s32 $0xFFFFE000  }
0x162: {  	[hbm4b:s19+s3] =	stream.linear.scatter [tilespmem:s24], [sflag:$0x15], $0x2000, $0x38;
	[tilespmem:$0x1E400] =	vst v63  }
0x163: {  	_ =	swait.ge [sflag:s0], $0x2000  }
0x164: {  	s20 =	simm.s32 $0x6300;
	[sflag:s0] =	ssyncset.done $0x0  }
0x165: {  	s21 =	simm.s32 $0xA;
	s17 =	simm.s32 $0x14400;
	[sflag:s0] =	ssyncadd.s32 $0xFFFFE000  }
0x166: {  	[tilespmem:s17], [sflag:$0x8] =	stream.indirect.gather [hbm4b:s4+s29], $0x40, s20, s29, $0xb8;
	[tilespmem:$0x1E400] =	vst v63  }
0x167: {  	_ =	swait.ge [sflag:s21], $0x2000  }
0x168: {  	[sflag:s21] =	ssyncset.done $0x0  }
0x169: {  	s22 =	rddreg [dreg:$0x1a];
	[sflag:s21] =	ssyncadd.s32 $0xFFFFE000  }
0x16a: {  	[hbm4b:s22+s3] =	stream.linear.scatter [tilespmem:s25], [sflag:$0x18], $0x2000, $0x38;
	[tilespmem:$0x1E400] =	vst v63  }
0x16b: {  	_ =	swait.ge [sflag:s1], $0x2000  }
0x16c: {  	s23 =	simm.s32 $0x6380;
	[sflag:s1] =	ssyncset.done $0x0  }
0x16d: {  	s18 =	simm.s32 $0x1A400;
	s24 =	simm.s32 $0x2;
	[sflag:s1] =	ssyncadd.s32 $0xFFFFE000  }
0x16e: {  	[tilespmem:s18], [sflag:$0xB] =	stream.indirect.gather [hbm4b:s4+s29], $0x40, s23, s29, $0xb8;
	[tilespmem:$0x1E400] =	vst v63  }
0x16f: {  	_ =	swait.ge [sflag:s24], $0x2000  }
0x170: {  	[sflag:s24] =	ssyncset.done $0x0  }
0x171: {  	s25 =	rddreg [dreg:$0x1b];
	[sflag:s24] =	ssyncadd.s32 $0xFFFFE000  }
0x172: {  	[hbm4b:s25+s3] =	stream.linear.scatter [tilespmem:s6], [sflag:$0xD], $0x2000, $0x38;
	[tilespmem:$0x1E400] =	vst v63  }
0x173: {  	_ =	swait.ge [sflag:s7], $0x2000  }
0x174: {  	[sflag:s7] =	ssyncset.done $0x0  }
0x175: {  	s28 =	simm.s32 $0x5;
	[sflag:s7] =	ssyncadd.s32 $0xFFFFE000  }
0x176: {  	_ =	swait.ge [sflag:s28], $0x2000  }
0x177: {  	[sflag:s28] =	ssyncset.done $0x0  }
0x178: {  	s2 =	rddreg [dreg:$0x1c];
	[sflag:s28] =	ssyncadd.s32 $0xFFFFE000  }
0x179: {  	[hbm4b:s2+s3] =	stream.linear.scatter [tilespmem:s8], [sflag:$0x10], $0x2000, $0x38;
	[tilespmem:$0x1E400] =	vst v63  }
0x17a: {  	_ =	swait.ge [sflag:s9], $0x2000  }
0x17b: {  	[sflag:s9] =	ssyncset.done $0x0  }
0x17c: {  	s5 =	simm.s32 $0x8;
	[sflag:s9] =	ssyncadd.s32 $0xFFFFE000  }
0x17d: {  	_ =	swait.ge [sflag:s5], $0x2000  }
0x17e: {  	[sflag:s5] =	ssyncset.done $0x0  }
0x17f: {  	s6 =	rddreg [dreg:$0x1d];
	[sflag:s5] =	ssyncadd.s32 $0xFFFFE000  }
0x180: {  	[hbm4b:s6+s3] =	stream.linear.scatter [tilespmem:s10], [sflag:$0x13], $0x2000, $0x38;
	[tilespmem:$0x1E400] =	vst v63  }
0x181: {  	_ =	swait.ge [sflag:s11], $0x2000  }
0x182: {  	[sflag:s11] =	ssyncset.done $0x0  }
0x183: {  	s8 =	simm.s32 $0xB;
	[sflag:s11] =	ssyncadd.s32 $0xFFFFE000  }
0x184: {  	_ =	swait.ge [sflag:s8], $0x2000  }
0x185: {  	[sflag:s8] =	ssyncset.done $0x0  }
0x186: {  	s10 =	rddreg [dreg:$0x1e];
	[sflag:s8] =	ssyncadd.s32 $0xFFFFE000  }
0x187: {  	[hbm4b:s10+s3] =	stream.linear.scatter [tilespmem:s12], [sflag:$0x16], $0x2000, $0x38;
	[tilespmem:$0x1E400] =	vst v63  }
0x188: {  	_ =	swait.ge [sflag:s13], $0x2000  }
0x189: {  	[sflag:s13] =	ssyncset.done $0x0  }
0x18a: {  	s15 =	simm.s32 $0xD;
	[sflag:s13] =	ssyncadd.s32 $0xFFFFE000  }
0x18b: {  	_ =	swait.ge [sflag:s15], $0x2000  }
0x18c: {  	[sflag:s15] =	ssyncset.done $0x0  }
0x18d: {  	s5 =	simm.s32 $0x10;
	[sflag:s15] =	ssyncadd.s32 $0xFFFFE000  }
0x18e: {  	_ =	swait.ge [sflag:s5], $0x2000  }
0x18f: {  	[sflag:s5] =	ssyncset.done $0x0  }
0x190: {  	s19 =	simm.s32 $0x13;
	[sflag:s5] =	ssyncadd.s32 $0xFFFFE000  }
0x191: {  	_ =	swait.ge [sflag:s19], $0x2000  }
0x192: {  	[sflag:s19] =	ssyncset.done $0x0  }
0x193: {  	s20 =	simm.s32 $0x16;
	[sflag:s19] =	ssyncadd.s32 $0xFFFFE000  }
0x194: {  	_ =	swait.ge [sflag:s20], $0x2000  }
0x195: {  	[sflag:s20] =	ssyncset.done $0x0;
	s21 =	rddreg [dreg:$0x1f]  }
0x196: {  	s22 =	sld [smem:$0x7F9];
	[sflag:s20] =	ssyncadd.s32 $0xFFFFE000  }
0x197: {  	[hbm4b:s21+s3] =	stream.linear.scatter [tilespmem:s14], [sflag:$0xE], $0x2000, $0x38;
	[tilespmem:$0x1E400] =	vst v63  }
0x198: {  	s23 =	sld [smem:$0x7FA]  }
0x199: {  	[hbm4b:s22+s3] =	stream.linear.scatter [tilespmem:s16], [sflag:$0x11], $0x2000, $0x38;
	[tilespmem:$0x1E400] =	vst v63  }
0x19a: {  	s24 =	sld [smem:$0x7FB]  }
0x19b: {  	[hbm4b:s23+s3] =	stream.linear.scatter [tilespmem:s17], [sflag:$0x14], $0x2000, $0x38;
	[tilespmem:$0x1E400] =	vst v63  }
0x19c: {  	_ = 	snop  }
0x19d: {  	[hbm4b:s24+s3] =	stream.linear.scatter [tilespmem:s18], [sflag:$0x17], $0x2000, $0x38;
	[tilespmem:$0x1E400] =	vst v63  }
0x19e: {  	_ =	swait.ge [sflag:s30], $0x2000  }
0x19f: {  	[sflag:s30] =	ssyncset.done $0x0  }
0x1a0: {  	[sflag:s30] =	ssyncadd.s32 $0xFFFFE000  }
0x1a1: {  	_ =	swait.ge [sflag:s31], $0x2000  }
0x1a2: {  	[sflag:s31] =	ssyncset.done $0x0  }
0x1a3: {  	[sflag:s31] =	ssyncadd.s32 $0xFFFFE000  }
0x1a4: {  	_ =	swait.ge [sflag:s0], $0x2000  }
0x1a5: {  	[sflag:s0] =	ssyncset.done $0x0  }
0x1a6: {  	[sflag:s0] =	ssyncadd.s32 $0xFFFFE000  }
0x1a7: {  	_ =	swait.ge [sflag:s1], $0x2000  }
0x1a8: {  	s25 =	sld [smem:$0x7F8]  }
0x1a9: {  	s28 =	sld [smem:$0x7FC];
	_ =	sdelay $0x1  }
0x1aa: {  	s6 =	sadd.s32 $0x1, s25  }
0x1ab: {  	p0 =	sne.s32 s6, s28  }
.Ltmp1:
0x1ac: {  	_ = 	snop;
	(pc) =	sbr.rel @p0 .LBB2_1-.Ltmp1, $3  }
0x1ad: {  	_ =	sdelay $0x1  }
0x1ae: {  	s2 =	simm.s32 $0xC;
	[sflag:s1] =	ssyncset.done $0x0  }
0x1af: {  	s5 =	simm.s32 $0x6;
	s17 =	simm.s32 $0x9;
	[sflag:s1] =	ssyncadd.s32 $0xFFFFE000  }
0x1b0: {  	_ =	sfence.sel $0x180000  }
0x1b1: {  	[bflag:$0x0] =	sbarrier.arrive $0xFFFF  }
0x1b2: {  	_ =	strace $0x90000047  }
0x1b3: {  	s0 =	stileid.u32;
	[bflag:$0x2] =	sbarrier.arrive $0xFFFF  }
0x1b4: {  	p0 =	sne.s32 s0, $0x0;
	s0 =	rddreg [dreg:$0x2]  }
0x1b5: {  	s0 =	sadd.s32 @!p0 $0x100000, s0  }
0x1b6: {  	[sflag:s0] =	ssyncadd.tile.s32 @!p0 $0x1;
	_ =	shalt  }
.Lfunc_end2:
_tile_overlayer_lowered:
.L_overlay_start_2:
0x1b7: {  	(tag) =	ssettag $0x2  }
0x1b8: {  	s0 =	rddreg [dreg:$0x0];
	s2 =	stileid.u32  }
0x1b9: {  	s1 =	rddreg [dreg:$0x1];
	p0 =	sne.s32 s2, $0x0  }
0x1ba: {  	s3 =	rddreg [dreg:$0x2];
	[bflag:$0x3] =	sbarrier.arrive $0xFFFF;
	s2 =	simm.s32 @!p0 $0x1C1A  }
0x1bb: {  	[timem:s3], [sflag:s2] =	dma.local @!p0 [hbm:s0], s1  }
0x1bc: {  	s0 =	simm.s32 @!p0 $0x1A  }
0x1bd: {  	_ =	swait.ge @!p0 [sflag:s0], s1  }
0x1be: {  	s1 =	ssub.s32 @!p0 $0x0, s1;
	[sflag:s0] =	ssyncset.done @!p0 $0x0  }
0x1bf: {  	[sflag:s0] =	ssyncadd.s32 @!p0 s1  }
0x1c0: {  	[bflag:$0x3] =	sbarrier.arrive $0xFFFF  }
0x1c1: {  	_ =	shalt  }

// kernel: sparse-core-data-format-call.cloned.1.call-start
scs
called_computation_lowered:
.L_overlay_start_0:
0x0: {  	s2 =	sld [smem:$0x3FD9]  }
0x1: {  	s3 =	sld [smem:$0x3FFE];
	_ =	sdelay $0x1  }
0x2: {  	s1 =	srdreg.scid  }
0x3: {  	s0 =	sand.u32 $0x1, s1  }
0x4: {  	s18 =	sshll.u32 s0, $0xA;
	s2 =	sadd.s32 s3, s2  }
0x5: {  	s2 =	sadd.s32 s2, s18  }
0x6: {  	[smem:$0x3FC6] =	sst s2  }
0x7: {  	_ = 	snop  }
0x8: {  	s2 =	sld [smem:$0x3FD0];
	(tm) =	ssettm $0x1  }
0x9: {  	s19 =	sld [smem:$0x3FFB];
	_ =	sdelay $0x3  }
0xa: {  	_ =	strace s19  }
0xb: {  	s3 =	sld [smem:$0x3FFC];
	_ =	sdelay $0x3  }
0xc: {  	_ =	strace s3  }
0xd: {  	s3 =	sld [smem:$0x3FFD];
	_ =	sdelay $0x3  }
0xe: {  	_ =	strace s3  }
0xf: {  	_ =	strace $0x8FFFFFFF  }
0x10: {  	s20 =	sld [smem:$0x3FDB];
	_ =	sdelay $0x1  }
0x11: {  	s4 =	simm.s32 $_scs_section_size  }
0x12: {  	s5 =	simm.s32 $_size__tile_overlayer_lowered;
	s6 =	simm.s32 $_tile_overlayer_lowered  }
0x13: {  	s23 =	simm.s32 $0x1BFF;
	s22 =	sshll.u32 s6, $0x1;
	s3 =	sadd.s32 s4, s20  }
0x14: {  	s7 =	simm.s32 $0x0;
	s21 =	sshll.u32 s5, $0x1;
	s5 =	sadd.s32 s22, s3  }
0x15: {  	[timem:s7], [sflag:s23] =	dma.local [hbm:s5], s21  }
0x16: {  	_ =	swait.ge [sflag:s23], s21  }
0x17: {  	s4 =	ssub.s32 $0x0, s21;
	[sflag:s23] =	ssyncset.done $0x0  }
0x18: {  	[sflag:s23] =	ssyncadd.s32 s4;
	_ =	sdelay $0x1  }
0x19: {  	s24 =	simm.s32 $0x1B8B  }
0x1a: {  	_ =	swait.ge [sflag:s24], $0x1  }
0x1b: {  	[sflag:s24] =	ssyncset.done $0x0  }
0x1c: {  	s26 =	simm.s32 $0x1B8E;
	s25 =	sld [smem:$0x3FFE];
	[sflag:s24] =	ssyncadd.s32 $0xFFFFFFFF  }
0x1d: {  	s27 =	simm.s32 $execute0_lowered;
	[smem:$0x3FD2] =	sst s26  }
0x1e: {  	s5 =	sshll.u32 s27, $0x1;
	_ =	strace $0x80000049;
	[dreg:$0x1] =	wrdreg $0xFFFFFFFF  }
0x1f: {  	s28 =	simm.s32 $_size_execute0_lowered;
	s3 =	sadd.s32 s3, s5;
	[dreg:$0x0] =	wrdreg $0x0  }
0x20: {  	s5 =	sshll.u32 s28, $0x1;
	[dreg:$0x2] =	wrdreg s3  }
0x21: {  	[dreg:$0x3] =	wrdreg s5  }
0x22: {  	[dreg:$0x4] =	wrdreg $0xC0  }
0x23: {  	_ =	task [dreg:s7], $0x5FFFF  }
0x24: {  	[dreg:$0x1] =	wrdreg $0xFFFFFFFF  }
0x25: {  	[dreg:$0x0] =	wrdreg $0x60  }
0x26: {  	[dreg:$0x2] =	wrdreg s25  }
0x27: {  	[dreg:$0x3] =	wrdreg s2  }
0x28: {  	[dreg:$0x4] =	wrdreg $0x9  }
0x29: {  	_ =	task.clear_ibuf [dreg:s7], $0x5FFFF;
	_ =	strace $0x90000049  }
0x2a: {  	s29 =	simm.s32 $0x9;
	_ =	strace $0x8000004B  }
0x2b: {  	_ =	swait.ge [sflag:s29], $0x1  }
0x2c: {  	[sflag:s29] =	ssyncadd.s32 $0xFFFFFFFF  }
0x2d: {  	_ =	strace $0x9000004B  }
0x2e: {  	_ =	sfence  }
0x2f: {  	s30 =	sld [smem:$0x0];
	_ =	sdelay $0x2  }
0x30: {  	s31 =	sshll.u32 s1, $0xD;
	s1 =	sshrl.u32 s1, $0x2  }
0x31: {  	s3 =	sand.u32 $0x4000, s31;
	s1 =	sadd.s32 s1, s30  }
0x32: {  	s0 =	sor.u32 s3, s0;
	s1 =	sshll.u32 s1, $0x11  }
0x33: {  	s0 =	sor.u32 s1, s0  }
0x34: {  	s0 =	sadd.s32 $0x8F2B, s0  }
0x35: {  	[sflag:s0] =	ssyncadd.remote.s32 $0x1  }
0x36: {  	_ =	sfence.sel $0xFFFF  }
0x37: {  	[dreg:$0x0] =	wrdreg $0xFFFFFFFF;
	(pc) =	sbr.abs _section_cstart, $3  }
0x38: {  	[dreg:$0x1] =	wrdreg $0xFFFFFFFF  }
0x39: {  	_ =	task.clear_ibuf [dreg:s7], $0x2FFFF;
	_ =	strace $0x9FFFFFFF  }
0x3a: {  	(tm) =	ssettm $0x7FFFFFFF  }
0x3b: {  	_ =	shalt  }
tec
execute0_lowered:
.L_overlay_start_1:
0x0: {  	(tag) =	ssettag $0x1  }
0x1: {  	s0 =	srdreg.scid  }
0x2: {  	s1 =	sshll.u32 s0, $0x4  }
0x3: {  	s0 =	stileid.u32;
	s1 =	sand.u32 $0x10, s1  }
0x4: {  	s1 =	sor.u32 s0, s1  }
0x5: {  	s6 =	rddreg [dreg:$0x0];
	s4 =	simm.s32 $0x1;
	s2 =	sshll.u32 s1, $0x7  }
0x6: {  	s7 =	simm.s32 $0x2;
	s12 =	simm.s32 $0x0;
	s1 =	ssub.s32 $0x4000, s2  }
0x7: {  	s8 =	simm.s32 $0x20000;
	s13 =	simm.s32 $0x0;
	s3 =	sand.u32 $0xF80, s1  }
0x8: {  	s9 =	simm.s32 $0x0;
	s5 =	sshrl.u32 s1, $0xC;
	p0 =	sne.s32 s3, $0x0  }
.Ltmp0:
0x9: {  	s1 =	rddreg [dreg:$0x2];
	s4 =	simm.s32 @!p0 $0x0;
	(pc) =	sbr.rel .LBB1_1-.Ltmp0, $4  }
0xa: {  	s11 =	simm.s32 $0x0;
	s3 =	rddreg [dreg:$0x1];
	s5 =	sadd.s32 s4, s5  }
0xb: {  	_ =	strace $0x8000004A;
	s4 =	simm.s32 $0x1;
	s5 =	smul.u32 $0x32, s5  }
0xc: {  	s6 =	sadd.s32 $0xA00, s6;
	s10 =	smov.u32 s2;
	[sflag:s4] =	ssyncpa.u1 $0x0  }
0xd: {  	p0 =	por $0x0, $0x0;
	[sflag:s7] =	ssyncpa.u1 $0x0;
	s7 =	sor.u32 $0x1, s5  }
.LBB1_4:
0xe: {  	s16 =	sshll.u32 s13, $0x3;
	s17 =	sand.u32 $0x78, s13  }
0xf: {  	s30 =	sand.u32 $0x1F800, s13;
	s12 =	sshll.u32 s12, $0x11;
	s16 =	sand.u32 $0x3C00, s16  }
0x10: {  	[tilespmem:s15+$0x810 ss:$0x81] =	vst.msk $0xffff, v2;
	s31 =	sand.u32 $0x7, s13;
	s16 =	sor.u32 s17, s16;
	s17 =	sadd.s32 s3, s30  }
0x11: {  	[tilespmem:s15+$0x1020 ss:$0x81] =	vst.msk $0xffff, v0;
	s13 =	sshll.u32 s31, $0x12;
	s12 =	sadd.s32 s12, s17;
	s16 =	sshrl.u32 s16, $0x3  }
0x12: {  	[tilespmem:s15+$0x0 ss:$0x81] =	vst.msk $0xffff, v1;
	s13 =	sor.u32 $0x400, s13;
	s12 =	sadd.s32 s16, s12  }
0x13: {  	[hbm4b:s12+s13] =	stream.strided.scatter [tilespmem:s14], [sflag:$0x2], $0x2000, s8, s13, $0x20;
	[tilespmem:$0x8080] =	vst v63  }
.LBB1_5:
0x14: {  	s14 =	sadd.s32 $0x1, s9  }
0x15: {  	s12 =	sadd.s32 $0x1000, s10;
	s16 =	smov.u32 s10;
	p2 =	sgt.s32 s14, $0x31  }
0x16: {  	s16 =	smov.u32 @p2 s12  }
0x17: {  	s14 =	simm.s32 @p2 $0x0;
	p2 =	sgt.s32 s16, $0x3FFF  }
0x18: {  	s16 =	smov.u32 @p2 s2;
	p2 =	sne.s32 s11, s7  }
.Ltmp1:
0x19: {  	p1 =	slt.u32 s11, $0x2;
	(pc) =	sbr.rel @!p2 .LBB1_6-.Ltmp1, $4  }
0x1a: {  	s15 =	simm.s32 @!p1 $0x2  }
0x1b: {  	s13 =	smov.u32 s10;
	p0 =	por !p0, !p0;
	_ =	swait.ge @!p1 [sflag:s15], $0x2000  }
0x1c: {  	s12 =	smov.u32 s9;
	[sflag:s15] =	ssyncset.done @!p1 $0x0;
	s9 =	smov.u32 s14  }
0x1d: {  	s11 =	sadd.s32 $0x1, s11;
	[sflag:s15] =	ssyncadd.s32 @!p1 $0xFFFFE000;
	s10 =	smov.u32 s16  }
.LBB1_1:
0x1e: {  	p1 =	sge.u32 s11, s5  }
0x1f: {  	s14 =	sand.u32 @!p1 $0x1FFFFFF, s9  }
0x20: {  	s15 =	smulhi.u32 @!p1 $0x4924925, s14;
	_ =	sdelay $0x1  }
0x21: {  	s15 =	smul.u32 @!p1 $0x38, s15  }
0x22: {  	s16 =	sxor.u32 @!p1 $0xFFFFFFFF, s11;
	s17 =	smul.u32 @!p1 $0x380, s10  }
0x23: {  	s31 =	sadd.s32 $0xFFFFFFFF, s11;
	s16 =	sshll.u32 @!p1 s16, $0xD;
	s14 =	ssub.s32 @!p1 s14, s15  }
0x24: {  	s15 =	sand.u32 @!p1 $0x2000, s16;
	s16 =	sadd.s32 @!p1 s6, s17;
	s14 =	sshll.u32 @!p1 s14, $0x4  }
0x25: {  	s17 =	simm.s32 @!p1 $0x1C00;
	s14 =	sadd.s32 @!p1 s14, s16;
	s16 =	simm.s32 @!p1 $0x40  }
0x26: {  	[tilespmem:s15], [sflag:$0x1] =	stream.strided.gather @!p1 [hbm4b:s14+s16], $0x2000, s17, s16, $0x38;
	[tilespmem:$0x8080] =	vst v63  }
0x27: {  	p1 =	sge.u32 s31, s5  }
.Ltmp2:
0x28: {  	_ = 	snop;
	(pc) =	sbr.rel @p1 .LBB1_5-.Ltmp2, $1  }
0x29: {  	_ =	sdelay $0x3  }
0x2a: {  	s14 =	simm.s32 $0x1  }
0x2b: {  	_ =	swait.ge [sflag:s4], $0x2000;
	s14 =	simm.s32 @!p0 $0x0  }
0x2c: {  	[sflag:s4] =	ssyncset.done $0x0;
	s15 =	sshll.u32 s14, $0xD  }
0x2d: {  	[sflag:s4] =	ssyncadd.s32 $0xFFFFE000;
	s18 =	sor.u32 $0x20, s15  }
0x2e: {  	s14 =	smul.u32 $0x8100, s14;
	v3 =	vld [tilespmem:s18+$0x10]  }
0x2f: {  	s30 =	sand.u32 $0x1, s11;
	v2 =	vld [tilespmem:s18+$0xFFFFFFF0]  }
0x30: {  	s15 =	smul.u32 $0x8100, s30;
	s14 =	sshrl.u32 s14, $0x2;
	v0 =	vld [tilespmem:s18+$0x0]  }
0x31: {  	v1 =	vld [tilespmem:s18+$0xFFFFFFE0];
	s16 =	sor.u32 $0x4000, s14  }
0x32: {  	s31 =	sshrl.u32 s15, $0x2;
	s15 =	sadd.s32 $0x0, s16  }
0x33: {  	s17 =	simm.s32 $0x4;
	s18 =	sadd.s32 $0x40, s18;
	s14 =	sor.u32 $0x4000, s31;
	[tilespmem:s15+$0x1830 ss:$0x81] =	vst.msk $0xffff, v3  }
.LBB1_3:
0x34: {  	v3 =	vld [tilespmem:s18+$0x10];
	p1 =	sne.s32 s17, $0x1FC;
	[tilespmem:s15+$0x810 ss:$0x81] =	vst.msk $0xffff, v2;
	s19 =	smov.u32 s17;
	s17 =	sadd.s32 $0x4, s17  }
.Ltmp3:
0x35: {  	v2 =	vld [tilespmem:s18+$0xFFFFFFF0];
	[tilespmem:s15+$0x1020 ss:$0x81] =	vst.msk $0xffff, v0;
	(pc) =	sbr.rel @p1 .LBB1_3-.Ltmp3, $4  }
0x36: {  	v0 =	vld [tilespmem:s18+$0x0];
	[tilespmem:s15+$0x0 ss:$0x81] =	vst.msk $0xffff, v1  }
0x37: {  	s15 =	sshra.s32 s19, $0x2;
	v1 =	vld [tilespmem:s18+$0xFFFFFFE0]  }
0x38: {  	s15 =	sadd.s32 s15, s16  }
0x39: {  	s18 =	sadd.s32 $0x40, s18;
	[tilespmem:s15+$0x1830 ss:$0x81] =	vst.msk $0xffff, v3  }
.Ltmp4:
0x3a: {  	_ = 	snop;
	(pc) =	sbr.rel .LBB1_4-.Ltmp4, $1  }
0x3b: {  	_ =	sdelay $0x3  }
.LBB1_6:
0x3c: {  	_ =	sfence.sel $0x180000  }
0x3d: {  	s2 =	simm.s32 $0x1;
	[bflag:$0x0] =	sbarrier.arrive $0xFFFF  }
0x3e: {  	s31 =	simm.s32 $0x2;
	[sflag:s2] =	ssyncpa.u1 $0x1  }
0x3f: {  	[sflag:s31] =	ssyncpa.u1 $0x1  }
0x40: {  	p0 =	sne.s32 s0, $0x0;
	_ =	strace $0x9000004A  }
0x41: {  	s0 =	sadd.s32 @!p0 $0x100000, s1;
	[bflag:$0x2] =	sbarrier.arrive $0xFFFF  }
0x42: {  	[sflag:s0] =	ssyncadd.tile.s32 @!p0 $0x1;
	_ =	shalt  }
.Lfunc_end1:
_tile_overlayer_lowered:
.L_overlay_start_2:
0x43: {  	(tag) =	ssettag $0x2  }
0x44: {  	s0 =	rddreg [dreg:$0x0];
	s2 =	stileid.u32  }
0x45: {  	s1 =	rddreg [dreg:$0x1];
	p0 =	sne.s32 s2, $0x0  }
0x46: {  	s3 =	rddreg [dreg:$0x2];
	[bflag:$0x3] =	sbarrier.arrive $0xFFFF;
	s2 =	simm.s32 @!p0 $0x1C01  }
0x47: {  	[timem:s3], [sflag:s2] =	dma.local @!p0 [hbm:s0], s1  }
0x48: {  	s0 =	simm.s32 @!p0 $0x1  }
0x49: {  	_ =	swait.ge @!p0 [sflag:s0], s1  }
0x4a: {  	s1 =	ssub.s32 @!p0 $0x0, s1;
	[sflag:s0] =	ssyncset.done @!p0 $0x0  }
0x4b: {  	[sflag:s0] =	ssyncadd.s32 @!p0 s1  }
0x4c: {  	[bflag:$0x3] =	sbarrier.arrive $0xFFFF  }
0x4d: {  	_ =	shalt  }

</sc_bundles>
